<compile_context>
chip_gen: v7x
topology: tpu7x:2x2x1
jax: 0.10.2.dev20260603
libtpu: 0.0.44.dev20260713+nightly
codegen_flags: <defaults>
</compile_context>

<pallas_src>
import functools

import jax
import jax.numpy as jnp
from jax import lax
from jax.experimental import pallas as pl
from jax.experimental.pallas import tpu as pltpu
from jax.experimental.pallas import tpu_sc as plsc

DMODEL = 64
SCALE = 8.0
C = 128
NGB = 5
NTB = 5
NCOL = 200


def _make_gather(nw, nc):
    mesh = plsc.VectorSubcoreMesh(core_axis_name="c", subcore_axis_name="s")

    @functools.partial(
        pl.kernel,
        mesh=mesh,
        compiler_params=pltpu.CompilerParams(
            use_tc_tiling_on_sc=False, needs_layout_passes=False),
        out_type=jax.ShapeDtypeStruct((NCOL, 8, nw, 8, C), jnp.float32),
        scratch_types=(
            [pltpu.VMEM((NCOL // 8, 1, 8, C), jnp.int32)]
            + [pltpu.VMEM((C, DMODEL), jnp.float32) for _ in range(NGB)]
            + [pltpu.VMEM((8, 1, 8, C + 1), jnp.float32) for _ in range(NTB)]
            + [pltpu.SemaphoreType.DMA for _ in range(NGB + NTB)]
        ),
    )
    def emb(x4_hbm, table_hbm, out_hbm, idxv, *rest):
        gbufs = rest[:NGB]
        tbufs = rest[NGB:NGB + NTB]
        gsems = rest[NGB + NTB:2 * NGB + NTB]
        osems = rest[2 * NGB + NTB:]
        wid = lax.axis_index("s") * nc + lax.axis_index("c")

        pltpu.sync_copy(x4_hbm.at[:, pl.ds(wid, 1)], idxv)

        ci = lax.iota(jnp.int32, 16)
        zi = ci * 0
        rowc = [(ci + 16 * q) >> 3 for q in range(4)]
        subc = [(ci + 16 * q) & 7 for q in range(4)]

        def compute(gbuf, tbuf):
            @plsc.parallel_loop(0, C, 1, unroll=4)
            def _rows(r):
                rv = zi + r
                for q in range(4):
                    v = gbuf[r, pl.ds(16 * q, 16)] * SCALE
                    plsc.store_scatter(tbuf, [rowc[q], zi, subc[q], rv], v)

        def start_gather(j, g):
            pltpu.async_copy(
                table_hbm.at[idxv.at[j // 8, 0, j % 8]], gbufs[g], gsems[g])

        def wait_gather(g):
            pltpu.make_async_copy(
                table_hbm.at[idxv.at[0, 0, 0]], gbufs[g], gsems[g]).wait()

        def out_write(j, b):
            pltpu.async_copy(
                tbufs[b].at[:, :, :, pl.ds(0, C)],
                out_hbm.at[j, :, pl.ds(wid, 1)], osems[b])

        def out_wait(b):
            pltpu.make_async_copy(
                tbufs[b].at[:, :, :, pl.ds(0, C)],
                out_hbm.at[0, :, pl.ds(0, 1)], osems[b]).wait()

        for g in range(NGB):
            start_gather(g, g)

        def step(jj, carry):
            jb = jj * NGB
            for g in range(NGB):
                j = jb + g
                wait_gather(g)

                @pl.when(j >= 1)
                def _(g=g, j=j):
                    out_write(j - 1, (g - 1) % NGB)

                @pl.when(j >= NTB)
                def _(g=g):
                    out_wait(g)

                compute(gbufs[g], tbufs[g])

                @pl.when(j + NGB < NCOL)
                def _(g=g, j=j):
                    start_gather(j + NGB, g)
            return carry

        lax.fori_loop(0, NCOL // NGB, step, 0)

        out_write(NCOL - 1, NGB - 1)
        for b in range(NTB):
            out_wait(b)

    return emb


def kernel(x, table):
    S, T = x.shape
    info = plsc.get_sparse_core_info()
    nc, ns = info.num_cores, info.num_subcores
    nw = nc * ns
    x4 = x.astype(jnp.int32).T.reshape(T // 8, 8, S // C, C).transpose(0, 2, 1, 3)
    out5 = _make_gather(nw, nc)(x4, table)
    return out5.transpose(2, 4, 0, 1, 3).reshape(S, T, DMODEL)

# --- scband reference (transcript-rebuilt; emitter-appended) ---
"""Pipeline reference for scband-embedding-75479755259975 (READ-ONLY COPY).

The authoritative reference and input builder live on the scoring server;
editing this copy changes nothing except your own understanding.
"""

import jax, jax.numpy as jnp
import numpy as np
import math

VOCAB = 1000000
DMODEL = 64

def setup_inputs(seed: int = 0) -> dict:
    key = jax.random.key(seed)
    k_idx, k_tab = jax.random.split(key)
    x = jax.random.randint(k_idx, (4096, 200), 0, VOCAB, dtype=jnp.int64 if jax.config.jax_enable_x64 else jnp.int32)
    table = jax.random.normal(k_tab, (VOCAB, DMODEL), dtype=jnp.float32)
    return {"x": x, "table": table}

def reference(x, table):
    # nn.Embedding lookup followed by scaling by sqrt(d_model)
    emb = jnp.take(table, x, axis=0)
    return emb * math.sqrt(DMODEL)

if __name__ == "__main__":
    import jax
    _d = setup_inputs()
    print(jax.jit(kernel)(*tuple(_d.values())))

</pallas_src>

<mosaic_0001>
#map = affine_map<(d0, d1) -> (0, 0, 0, 0)>
#map1 = affine_map<(d0, d1) -> (0, 0)>
#map2 = affine_map<(d0, d1) -> (0, 0, 0, 0, 0)>
module attributes {stable_mosaic.version = 14 : i64} {
  func.func @emb(%arg0: i32, %arg1: i32, %arg2: memref<25x32x8x128xi32, #tpu.memory_space<hbm>>, %arg3: memref<1000000x64xf32, #tpu.memory_space<hbm>>, %arg4: memref<200x8x32x8x128xf32, #tpu.memory_space<hbm>>, %arg5: memref<25x1x8x128xi32, #tpu.memory_space<vmem>>, %arg6: memref<128x64xf32, #tpu.memory_space<vmem>>, %arg7: memref<128x64xf32, #tpu.memory_space<vmem>>, %arg8: memref<128x64xf32, #tpu.memory_space<vmem>>, %arg9: memref<128x64xf32, #tpu.memory_space<vmem>>, %arg10: memref<128x64xf32, #tpu.memory_space<vmem>>, %arg11: memref<8x1x8x129xf32, #tpu.memory_space<vmem>>, %arg12: memref<8x1x8x129xf32, #tpu.memory_space<vmem>>, %arg13: memref<8x1x8x129xf32, #tpu.memory_space<vmem>>, %arg14: memref<8x1x8x129xf32, #tpu.memory_space<vmem>>, %arg15: memref<8x1x8x129xf32, #tpu.memory_space<vmem>>, %arg16: memref<!tpu.dma_semaphore, #tpu.memory_space<semaphore_mem>>, %arg17: memref<!tpu.dma_semaphore, #tpu.memory_space<semaphore_mem>>, %arg18: memref<!tpu.dma_semaphore, #tpu.memory_space<semaphore_mem>>, %arg19: memref<!tpu.dma_semaphore, #tpu.memory_space<semaphore_mem>>, %arg20: memref<!tpu.dma_semaphore, #tpu.memory_space<semaphore_mem>>, %arg21: memref<!tpu.dma_semaphore, #tpu.memory_space<semaphore_mem>>, %arg22: memref<!tpu.dma_semaphore, #tpu.memory_space<semaphore_mem>>, %arg23: memref<!tpu.dma_semaphore, #tpu.memory_space<semaphore_mem>>, %arg24: memref<!tpu.dma_semaphore, #tpu.memory_space<semaphore_mem>>, %arg25: memref<!tpu.dma_semaphore, #tpu.memory_space<semaphore_mem>>) attributes {dimension_semantics = [#tpu.dimension_semantics<core_parallel>, #tpu.dimension_semantics<subcore_parallel>], iteration_bounds = array<i64: 2, 16>, scalar_prefetch = 0 : i64, scratch_operands = 21 : i64, tpu.core_type = #tpu.core_type<sc_vector_subcore>, window_params = [{transform_indices = #map}, {transform_indices = #map1}, {transform_indices = #map2}]} {
    %mul3A = arith.constant 2 : i32
    %mul3A_0 = arith.muli %arg1, %mul3A : i32
    %add3A = arith.addi %mul3A_0, %arg0 : i32
    "tpu.region"() ({
      %run_scoped3A = tpu.sem_alloc : memref<!tpu.dma_semaphore, #tpu.memory_space<semaphore_mem>>
      %dma_start3A_234 = arith.constant 0 : i32
      %dma_start3A_235 = arith.constant 0 : i32
      %dma_start3A_236 = arith.constant 0 : i32
      %dma_start3A_237 = tpu.memref_slice %arg2[%dma_start3A_234, %add3A, %dma_start3A_235, %dma_start3A_236] : memref<25x32x8x128xi32, #tpu.memory_space<hbm>> -> memref<25x1x8x128xi32, #tpu.memory_space<hbm>>
      %dma_start3A_238 = arith.constant 0 : i32
      %dma_start3A_239 = arith.constant 0 : i32
      %dma_start3A_240 = arith.constant 0 : i32
      %dma_start3A_241 = tpu.memref_slice %arg2[%dma_start3A_238, %add3A, %dma_start3A_239, %dma_start3A_240] : memref<25x32x8x128xi32, #tpu.memory_space<hbm>> -> memref<25x1x8x128xi32, #tpu.memory_space<hbm>>
      tpu.enqueue_dma source(%dma_start3A_241 : memref<25x1x8x128xi32, #tpu.memory_space<hbm>>) target(%arg5 : memref<25x1x8x128xi32, #tpu.memory_space<vmem>>) target_semaphore(%run_scoped3A : memref<!tpu.dma_semaphore, #tpu.memory_space<semaphore_mem>>)
      %dma_wait3A_242 = arith.constant 0 : i32
      %dma_wait3A_243 = arith.constant 0 : i32
      %dma_wait3A_244 = arith.constant 0 : i32
      %dma_wait3A_245 = tpu.memref_slice %arg2[%dma_wait3A_242, %add3A, %dma_wait3A_243, %dma_wait3A_244] : memref<25x32x8x128xi32, #tpu.memory_space<hbm>> -> memref<25x1x8x128xi32, #tpu.memory_space<hbm>>
      %dma_wait3A_246 = arith.constant 0 : i32
      %dma_wait3A_247 = arith.constant 0 : i32
      %dma_wait3A_248 = arith.constant 0 : i32
      %dma_wait3A_249 = tpu.memref_slice %arg2[%dma_wait3A_246, %add3A, %dma_wait3A_247, %dma_wait3A_248] : memref<25x32x8x128xi32, #tpu.memory_space<hbm>> -> memref<25x1x8x128xi32, #tpu.memory_space<hbm>>
      tpu.wait_dma2 semaphore(%run_scoped3A : memref<!tpu.dma_semaphore, #tpu.memory_space<semaphore_mem>>) src(%dma_wait3A_249 : memref<25x1x8x128xi32, #tpu.memory_space<hbm>>) dst(%arg5 : memref<25x1x8x128xi32, #tpu.memory_space<vmem>>)
      tpu.yield
    }) : () -> ()
    %iota3A = tpu.iota {dimensions = array<i32: 0>} : vector<16xi32>
    %mul3A_1 = arith.constant 0 : i32
    %mul3A_2 = vector.broadcast %mul3A_1 : i32 to vector<16xi32>
    %mul3A_3 = arith.muli %iota3A, %mul3A_2 : vector<16xi32>
    %add3A_4 = arith.constant 0 : i32
    %add3A_5 = vector.broadcast %add3A_4 : i32 to vector<16xi32>
    %add3A_6 = arith.addi %iota3A, %add3A_5 : vector<16xi32>
    %shift_right_arithmetic3A = arith.constant 3 : i32
    %shift_right_arithmetic3A_7 = vector.broadcast %shift_right_arithmetic3A : i32 to vector<16xi32>
    %shift_right_arithmetic3A_8 = arith.shrsi %add3A_6, %shift_right_arithmetic3A_7 : vector<16xi32>
    %add3A_9 = arith.constant 16 : i32
    %add3A_10 = vector.broadcast %add3A_9 : i32 to vector<16xi32>
    %add3A_11 = arith.addi %iota3A, %add3A_10 : vector<16xi32>
    %shift_right_arithmetic3A_12 = arith.constant 3 : i32
    %shift_right_arithmetic3A_13 = vector.broadcast %shift_right_arithmetic3A_12 : i32 to vector<16xi32>
    %shift_right_arithmetic3A_14 = arith.shrsi %add3A_11, %shift_right_arithmetic3A_13 : vector<16xi32>
    %add3A_15 = arith.constant 32 : i32
    %add3A_16 = vector.broadcast %add3A_15 : i32 to vector<16xi32>
    %add3A_17 = arith.addi %iota3A, %add3A_16 : vector<16xi32>
    %shift_right_arithmetic3A_18 = arith.constant 3 : i32
    %shift_right_arithmetic3A_19 = vector.broadcast %shift_right_arithmetic3A_18 : i32 to vector<16xi32>
    %shift_right_arithmetic3A_20 = arith.shrsi %add3A_17, %shift_right_arithmetic3A_19 : vector<16xi32>
    %add3A_21 = arith.constant 48 : i32
    %add3A_22 = vector.broadcast %add3A_21 : i32 to vector<16xi32>
    %add3A_23 = arith.addi %iota3A, %add3A_22 : vector<16xi32>
    %shift_right_arithmetic3A_24 = arith.constant 3 : i32
    %shift_right_arithmetic3A_25 = vector.broadcast %shift_right_arithmetic3A_24 : i32 to vector<16xi32>
    %shift_right_arithmetic3A_26 = arith.shrsi %add3A_23, %shift_right_arithmetic3A_25 : vector<16xi32>
    %add3A_27 = arith.constant 0 : i32
    %add3A_28 = vector.broadcast %add3A_27 : i32 to vector<16xi32>
    %add3A_29 = arith.addi %iota3A, %add3A_28 : vector<16xi32>
    %and3A = arith.constant 7 : i32
    %and3A_30 = vector.broadcast %and3A : i32 to vector<16xi32>
    %and3A_31 = arith.andi %add3A_29, %and3A_30 : vector<16xi32>
    %add3A_32 = arith.constant 16 : i32
    %add3A_33 = vector.broadcast %add3A_32 : i32 to vector<16xi32>
    %add3A_34 = arith.addi %iota3A, %add3A_33 : vector<16xi32>
    %and3A_35 = arith.constant 7 : i32
    %and3A_36 = vector.broadcast %and3A_35 : i32 to vector<16xi32>
    %and3A_37 = arith.andi %add3A_34, %and3A_36 : vector<16xi32>
    %add3A_38 = arith.constant 32 : i32
    %add3A_39 = vector.broadcast %add3A_38 : i32 to vector<16xi32>
    %add3A_40 = arith.addi %iota3A, %add3A_39 : vector<16xi32>
    %and3A_41 = arith.constant 7 : i32
    %and3A_42 = vector.broadcast %and3A_41 : i32 to vector<16xi32>
    %and3A_43 = arith.andi %add3A_40, %and3A_42 : vector<16xi32>
    %add3A_44 = arith.constant 48 : i32
    %add3A_45 = vector.broadcast %add3A_44 : i32 to vector<16xi32>
    %add3A_46 = arith.addi %iota3A, %add3A_45 : vector<16xi32>
    %and3A_47 = arith.constant 7 : i32
    %and3A_48 = vector.broadcast %and3A_47 : i32 to vector<16xi32>
    %and3A_49 = arith.andi %add3A_46, %and3A_48 : vector<16xi32>
    %dma_start3A = arith.constant 0 : i32
    %dma_start3A_50 = arith.constant 0 : i32
    %dma_start3A_51 = arith.constant 0 : i32
    %dma_start3A_52 = arith.constant 0 : i32
    %dma_start3A_53 = tpu.memref_slice %arg5[%dma_start3A, %dma_start3A_50, %dma_start3A_51, %dma_start3A_52] : memref<25x1x8x128xi32, #tpu.memory_space<vmem>> -> memref<1x1x1x128xi32, #tpu.memory_space<vmem>>
    %dma_start3A_54 = tpu.memref_squeeze %dma_start3A_53 : memref<1x1x1x128xi32, #tpu.memory_space<vmem>> -> memref<128xi32, #tpu.memory_space<vmem>>
    %dma_start3A_55 = arith.constant 0 : i32
    %dma_start3A_56 = arith.constant 0 : i32
    %dma_start3A_57 = tpu.memref_slice %arg3[%dma_start3A_55, %dma_start3A_56] : memref<1000000x64xf32, #tpu.memory_space<hbm>> -> memref<1000000x64xf32, #tpu.memory_space<hbm>>
    tpu.enqueue_indirect_dma source(%dma_start3A_57 : memref<1000000x64xf32, #tpu.memory_space<hbm>>) target(%arg6 : memref<128x64xf32, #tpu.memory_space<vmem>>) offsets(%dma_start3A_54 : memref<128xi32, #tpu.memory_space<vmem>>) semaphore(%arg16 : memref<!tpu.dma_semaphore, #tpu.memory_space<semaphore_mem>>)
    %dma_start3A_58 = arith.constant 0 : i32
    %dma_start3A_59 = arith.constant 0 : i32
    %dma_start3A_60 = arith.constant 1 : i32
    %dma_start3A_61 = arith.constant 0 : i32
    %dma_start3A_62 = tpu.memref_slice %arg5[%dma_start3A_58, %dma_start3A_59, %dma_start3A_60, %dma_start3A_61] : memref<25x1x8x128xi32, #tpu.memory_space<vmem>> -> memref<1x1x1x128xi32, #tpu.memory_space<vmem>>
    %dma_start3A_63 = tpu.memref_squeeze %dma_start3A_62 : memref<1x1x1x128xi32, #tpu.memory_space<vmem>> -> memref<128xi32, #tpu.memory_space<vmem>>
    %dma_start3A_64 = arith.constant 0 : i32
    %dma_start3A_65 = arith.constant 0 : i32
    %dma_start3A_66 = tpu.memref_slice %arg3[%dma_start3A_64, %dma_start3A_65] : memref<1000000x64xf32, #tpu.memory_space<hbm>> -> memref<1000000x64xf32, #tpu.memory_space<hbm>>
    tpu.enqueue_indirect_dma source(%dma_start3A_66 : memref<1000000x64xf32, #tpu.memory_space<hbm>>) target(%arg7 : memref<128x64xf32, #tpu.memory_space<vmem>>) offsets(%dma_start3A_63 : memref<128xi32, #tpu.memory_space<vmem>>) semaphore(%arg17 : memref<!tpu.dma_semaphore, #tpu.memory_space<semaphore_mem>>)
    %dma_start3A_67 = arith.constant 0 : i32
    %dma_start3A_68 = arith.constant 0 : i32
    %dma_start3A_69 = arith.constant 2 : i32
    %dma_start3A_70 = arith.constant 0 : i32
    %dma_start3A_71 = tpu.memref_slice %arg5[%dma_start3A_67, %dma_start3A_68, %dma_start3A_69, %dma_start3A_70] : memref<25x1x8x128xi32, #tpu.memory_space<vmem>> -> memref<1x1x1x128xi32, #tpu.memory_space<vmem>>
    %dma_start3A_72 = tpu.memref_squeeze %dma_start3A_71 : memref<1x1x1x128xi32, #tpu.memory_space<vmem>> -> memref<128xi32, #tpu.memory_space<vmem>>
    %dma_start3A_73 = arith.constant 0 : i32
    %dma_start3A_74 = arith.constant 0 : i32
    %dma_start3A_75 = tpu.memref_slice %arg3[%dma_start3A_73, %dma_start3A_74] : memref<1000000x64xf32, #tpu.memory_space<hbm>> -> memref<1000000x64xf32, #tpu.memory_space<hbm>>
    tpu.enqueue_indirect_dma source(%dma_start3A_75 : memref<1000000x64xf32, #tpu.memory_space<hbm>>) target(%arg8 : memref<128x64xf32, #tpu.memory_space<vmem>>) offsets(%dma_start3A_72 : memref<128xi32, #tpu.memory_space<vmem>>) semaphore(%arg18 : memref<!tpu.dma_semaphore, #tpu.memory_space<semaphore_mem>>)
    %dma_start3A_76 = arith.constant 0 : i32
    %dma_start3A_77 = arith.constant 0 : i32
    %dma_start3A_78 = arith.constant 3 : i32
    %dma_start3A_79 = arith.constant 0 : i32
    %dma_start3A_80 = tpu.memref_slice %arg5[%dma_start3A_76, %dma_start3A_77, %dma_start3A_78, %dma_start3A_79] : memref<25x1x8x128xi32, #tpu.memory_space<vmem>> -> memref<1x1x1x128xi32, #tpu.memory_space<vmem>>
    %dma_start3A_81 = tpu.memref_squeeze %dma_start3A_80 : memref<1x1x1x128xi32, #tpu.memory_space<vmem>> -> memref<128xi32, #tpu.memory_space<vmem>>
    %dma_start3A_82 = arith.constant 0 : i32
    %dma_start3A_83 = arith.constant 0 : i32
    %dma_start3A_84 = tpu.memref_slice %arg3[%dma_start3A_82, %dma_start3A_83] : memref<1000000x64xf32, #tpu.memory_space<hbm>> -> memref<1000000x64xf32, #tpu.memory_space<hbm>>
    tpu.enqueue_indirect_dma source(%dma_start3A_84 : memref<1000000x64xf32, #tpu.memory_space<hbm>>) target(%arg9 : memref<128x64xf32, #tpu.memory_space<vmem>>) offsets(%dma_start3A_81 : memref<128xi32, #tpu.memory_space<vmem>>) semaphore(%arg19 : memref<!tpu.dma_semaphore, #tpu.memory_space<semaphore_mem>>)
    %dma_start3A_85 = arith.constant 0 : i32
    %dma_start3A_86 = arith.constant 0 : i32
    %dma_start3A_87 = arith.constant 4 : i32
    %dma_start3A_88 = arith.constant 0 : i32
    %dma_start3A_89 = tpu.memref_slice %arg5[%dma_start3A_85, %dma_start3A_86, %dma_start3A_87, %dma_start3A_88] : memref<25x1x8x128xi32, #tpu.memory_space<vmem>> -> memref<1x1x1x128xi32, #tpu.memory_space<vmem>>
    %dma_start3A_90 = tpu.memref_squeeze %dma_start3A_89 : memref<1x1x1x128xi32, #tpu.memory_space<vmem>> -> memref<128xi32, #tpu.memory_space<vmem>>
    %dma_start3A_91 = arith.constant 0 : i32
    %dma_start3A_92 = arith.constant 0 : i32
    %dma_start3A_93 = tpu.memref_slice %arg3[%dma_start3A_91, %dma_start3A_92] : memref<1000000x64xf32, #tpu.memory_space<hbm>> -> memref<1000000x64xf32, #tpu.memory_space<hbm>>
    tpu.enqueue_indirect_dma source(%dma_start3A_93 : memref<1000000x64xf32, #tpu.memory_space<hbm>>) target(%arg10 : memref<128x64xf32, #tpu.memory_space<vmem>>) offsets(%dma_start3A_90 : memref<128xi32, #tpu.memory_space<vmem>>) semaphore(%arg20 : memref<!tpu.dma_semaphore, #tpu.memory_space<semaphore_mem>>)
    %scan3A = arith.constant 0 : i32
    %scan3A_94 = arith.constant 0 : i32
    %scan3A_95 = arith.constant 40 : i32
    %scan3A_96 = arith.addi %scan3A_94, %scan3A_95 : i32
    %scan3A_97 = arith.constant 1 : i32
    scf.for %scan3A_234 = %scan3A_94 to %scan3A_96 step %scan3A_97  : i32 {
      %mul3A_235 = arith.constant 5 : i32
      %mul3A_236 = arith.muli %scan3A_234, %mul3A_235 : i32
      %add3A_237 = arith.constant 0 : i32
      %add3A_238 = arith.addi %mul3A_236, %add3A_237 : i32
      %dma_wait3A_239 = arith.constant 0 : i32
      %dma_wait3A_240 = arith.constant 0 : i32
      %dma_wait3A_241 = arith.constant 0 : i32
      %dma_wait3A_242 = arith.constant 0 : i32
      %dma_wait3A_243 = tpu.memref_slice %arg5[%dma_wait3A_239, %dma_wait3A_240, %dma_wait3A_241, %dma_wait3A_242] : memref<25x1x8x128xi32, #tpu.memory_space<vmem>> -> memref<1x1x1x128xi32, #tpu.memory_space<vmem>>
      %dma_wait3A_244 = tpu.memref_squeeze %dma_wait3A_243 : memref<1x1x1x128xi32, #tpu.memory_space<vmem>> -> memref<128xi32, #tpu.memory_space<vmem>>
      %dma_wait3A_245 = arith.constant 0 : i32
      %dma_wait3A_246 = arith.constant 0 : i32
      %dma_wait3A_247 = tpu.memref_slice %arg3[%dma_wait3A_245, %dma_wait3A_246] : memref<1000000x64xf32, #tpu.memory_space<hbm>> -> memref<1000000x64xf32, #tpu.memory_space<hbm>>
      tpu.wait_indirect_dma semaphore(%arg16 : memref<!tpu.dma_semaphore, #tpu.memory_space<semaphore_mem>>) src(%dma_wait3A_247 : memref<1000000x64xf32, #tpu.memory_space<hbm>>) dst(%arg6 : memref<128x64xf32, #tpu.memory_space<vmem>>)
      %ge3A = arith.constant 1 : i32
      %ge3A_248 = arith.cmpi sge, %add3A_238, %ge3A : i32
      %convert_element_type3A = arith.extui %ge3A_248 : i1 to i32
      %cond3A = arith.constant 0 : i32
      %cond3A_249 = arith.cmpi ne, %convert_element_type3A, %cond3A : i32
      scf.if %cond3A_249 {
        %sub3A = arith.constant 1 : i32
        %sub3A_387 = arith.subi %add3A_238, %sub3A : i32
        %dma_start3A_388 = arith.constant 0 : i32
        %dma_start3A_389 = arith.constant 0 : i32
        %dma_start3A_390 = arith.constant 0 : i32
        %dma_start3A_391 = arith.constant 0 : i32
        %dma_start3A_392 = tpu.memref_slice %arg15[%dma_start3A_388, %dma_start3A_389, %dma_start3A_390, %dma_start3A_391] : memref<8x1x8x129xf32, #tpu.memory_space<vmem>> -> memref<8x1x8x128xf32, #tpu.memory_space<vmem>>
        %dma_start3A_393 = arith.constant 0 : i32
        %dma_start3A_394 = arith.constant 0 : i32
        %dma_start3A_395 = arith.constant 0 : i32
        %dma_start3A_396 = tpu.memref_slice %arg4[%sub3A_387, %dma_start3A_393, %add3A, %dma_start3A_394, %dma_start3A_395] : memref<200x8x32x8x128xf32, #tpu.memory_space<hbm>> -> memref<1x8x1x8x128xf32, #tpu.memory_space<hbm>>
        %dma_start3A_397 = tpu.memref_squeeze %dma_start3A_396 : memref<1x8x1x8x128xf32, #tpu.memory_space<hbm>> -> memref<8x1x8x128xf32, #tpu.memory_space<hbm>>
        %dma_start3A_398 = arith.constant 0 : i32
        %dma_start3A_399 = arith.constant 0 : i32
        %dma_start3A_400 = arith.constant 0 : i32
        %dma_start3A_401 = tpu.memref_slice %arg4[%sub3A_387, %dma_start3A_398, %add3A, %dma_start3A_399, %dma_start3A_400] : memref<200x8x32x8x128xf32, #tpu.memory_space<hbm>> -> memref<1x8x1x8x128xf32, #tpu.memory_space<hbm>>
        %dma_start3A_402 = tpu.memref_squeeze %dma_start3A_401 : memref<1x8x1x8x128xf32, #tpu.memory_space<hbm>> -> memref<8x1x8x128xf32, #tpu.memory_space<hbm>>
        %dma_start3A_403 = arith.constant 0 : i32
        %dma_start3A_404 = arith.constant 0 : i32
        %dma_start3A_405 = arith.constant 0 : i32
        %dma_start3A_406 = arith.constant 0 : i32
        %dma_start3A_407 = tpu.memref_slice %arg15[%dma_start3A_403, %dma_start3A_404, %dma_start3A_405, %dma_start3A_406] : memref<8x1x8x129xf32, #tpu.memory_space<vmem>> -> memref<8x1x8x128xf32, #tpu.memory_space<vmem>>
        tpu.enqueue_dma source(%dma_start3A_407 : memref<8x1x8x128xf32, #tpu.memory_space<vmem>>) target(%dma_start3A_402 : memref<8x1x8x128xf32, #tpu.memory_space<hbm>>) target_semaphore(%arg25 : memref<!tpu.dma_semaphore, #tpu.memory_space<semaphore_mem>>)
      } else {
      }
      %ge3A_250 = arith.constant 5 : i32
      %ge3A_251 = arith.cmpi sge, %add3A_238, %ge3A_250 : i32
      %convert_element_type3A_252 = arith.extui %ge3A_251 : i1 to i32
      %cond3A_253 = arith.constant 0 : i32
      %cond3A_254 = arith.cmpi ne, %convert_element_type3A_252, %cond3A_253 : i32
      scf.if %cond3A_254 {
        %dma_wait3A_387 = arith.constant 0 : i32
        %dma_wait3A_388 = arith.constant 0 : i32
        %dma_wait3A_389 = arith.constant 0 : i32
        %dma_wait3A_390 = arith.constant 0 : i32
        %dma_wait3A_391 = arith.constant 0 : i32
        %dma_wait3A_392 = tpu.memref_slice %arg11[%dma_wait3A_388, %dma_wait3A_389, %dma_wait3A_390, %dma_wait3A_391] : memref<8x1x8x129xf32, #tpu.memory_space<vmem>> -> memref<8x1x8x128xf32, #tpu.memory_space<vmem>>
        %dma_wait3A_393 = arith.constant 0 : i32
        %dma_wait3A_394 = arith.constant 0 : i32
        %dma_wait3A_395 = arith.constant 0 : i32
        %dma_wait3A_396 = arith.constant 0 : i32
        %dma_wait3A_397 = tpu.memref_slice %arg4[%dma_wait3A_387, %dma_wait3A_393, %dma_wait3A_394, %dma_wait3A_395, %dma_wait3A_396] : memref<200x8x32x8x128xf32, #tpu.memory_space<hbm>> -> memref<1x8x1x8x128xf32, #tpu.memory_space<hbm>>
        %dma_wait3A_398 = tpu.memref_squeeze %dma_wait3A_397 : memref<1x8x1x8x128xf32, #tpu.memory_space<hbm>> -> memref<8x1x8x128xf32, #tpu.memory_space<hbm>>
        %dma_wait3A_399 = arith.constant 0 : i32
        %dma_wait3A_400 = arith.constant 0 : i32
        %dma_wait3A_401 = arith.constant 0 : i32
        %dma_wait3A_402 = arith.constant 0 : i32
        %dma_wait3A_403 = tpu.memref_slice %arg4[%dma_wait3A_387, %dma_wait3A_399, %dma_wait3A_400, %dma_wait3A_401, %dma_wait3A_402] : memref<200x8x32x8x128xf32, #tpu.memory_space<hbm>> -> memref<1x8x1x8x128xf32, #tpu.memory_space<hbm>>
        %dma_wait3A_404 = tpu.memref_squeeze %dma_wait3A_403 : memref<1x8x1x8x128xf32, #tpu.memory_space<hbm>> -> memref<8x1x8x128xf32, #tpu.memory_space<hbm>>
        %dma_wait3A_405 = arith.constant 0 : i32
        %dma_wait3A_406 = arith.constant 0 : i32
        %dma_wait3A_407 = arith.constant 0 : i32
        %dma_wait3A_408 = arith.constant 0 : i32
        %dma_wait3A_409 = tpu.memref_slice %arg11[%dma_wait3A_405, %dma_wait3A_406, %dma_wait3A_407, %dma_wait3A_408] : memref<8x1x8x129xf32, #tpu.memory_space<vmem>> -> memref<8x1x8x128xf32, #tpu.memory_space<vmem>>
        tpu.wait_dma2 semaphore(%arg21 : memref<!tpu.dma_semaphore, #tpu.memory_space<semaphore_mem>>) src(%dma_wait3A_409 : memref<8x1x8x128xf32, #tpu.memory_space<vmem>>) dst(%dma_wait3A_404 : memref<8x1x8x128xf32, #tpu.memory_space<hbm>>)
      } else {
      }
      %parallel_loop3A = arith.constant 0 : i32
      %parallel_loop3A_255 = arith.constant 128 : i32
      %parallel_loop3A_256 = arith.constant 1 : i32
      scf.for %parallel_loop3A_387 = %parallel_loop3A to %parallel_loop3A_255 step %parallel_loop3A_256  : i32 {
        %parallel_loop3A_388 = vector.broadcast %parallel_loop3A_387 : i32 to vector<16xi32>
        %parallel_loop3A_389 = arith.addi %mul3A_3, %parallel_loop3A_388 : vector<16xi32>
        %parallel_loop3A_390 = arith.index_cast %parallel_loop3A_387 : i32 to index
        %parallel_loop3A_391 = arith.constant 0 : index
        %parallel_loop3A_392 = tpu.vector_load %arg6[%parallel_loop3A_390, %parallel_loop3A_391] {strides = array<i32>} : memref<128x64xf32, #tpu.memory_space<vmem>>, vector<16xf32>,
        %parallel_loop3A_393 = arith.constant 8.000000e+00 : f32
        %parallel_loop3A_394 = vector.broadcast %parallel_loop3A_393 : f32 to vector<16xf32>
        %parallel_loop3A_395 = arith.mulf %parallel_loop3A_392, %parallel_loop3A_394 : vector<16xf32>
        tpu.vector_store_idx %arg11[%shift_right_arithmetic3A_8, %mul3A_3, %and3A_31, %parallel_loop3A_389], %parallel_loop3A_395 : memref<8x1x8x129xf32, #tpu.memory_space<vmem>>[vector<16xi32>, vector<16xi32>, vector<16xi32>, vector<16xi32>], vector<16xf32>,
        %parallel_loop3A_396 = arith.index_cast %parallel_loop3A_387 : i32 to index
        %parallel_loop3A_397 = arith.constant 16 : index
        %parallel_loop3A_398 = tpu.vector_load %arg6[%parallel_loop3A_396, %parallel_loop3A_397] {strides = array<i32>} : memref<128x64xf32, #tpu.memory_space<vmem>>, vector<16xf32>,
        %parallel_loop3A_399 = arith.constant 8.000000e+00 : f32
        %parallel_loop3A_400 = vector.broadcast %parallel_loop3A_399 : f32 to vector<16xf32>
        %parallel_loop3A_401 = arith.mulf %parallel_loop3A_398, %parallel_loop3A_400 : vector<16xf32>
        tpu.vector_store_idx %arg11[%shift_right_arithmetic3A_14, %mul3A_3, %and3A_37, %parallel_loop3A_389], %parallel_loop3A_401 : memref<8x1x8x129xf32, #tpu.memory_space<vmem>>[vector<16xi32>, vector<16xi32>, vector<16xi32>, vector<16xi32>], vector<16xf32>,
        %parallel_loop3A_402 = arith.index_cast %parallel_loop3A_387 : i32 to index
        %parallel_loop3A_403 = arith.constant 32 : index
        %parallel_loop3A_404 = tpu.vector_load %arg6[%parallel_loop3A_402, %parallel_loop3A_403] {strides = array<i32>} : memref<128x64xf32, #tpu.memory_space<vmem>>, vector<16xf32>,
        %parallel_loop3A_405 = arith.constant 8.000000e+00 : f32
        %parallel_loop3A_406 = vector.broadcast %parallel_loop3A_405 : f32 to vector<16xf32>
        %parallel_loop3A_407 = arith.mulf %parallel_loop3A_404, %parallel_loop3A_406 : vector<16xf32>
        tpu.vector_store_idx %arg11[%shift_right_arithmetic3A_20, %mul3A_3, %and3A_43, %parallel_loop3A_389], %parallel_loop3A_407 : memref<8x1x8x129xf32, #tpu.memory_space<vmem>>[vector<16xi32>, vector<16xi32>, vector<16xi32>, vector<16xi32>], vector<16xf32>,
        %parallel_loop3A_408 = arith.index_cast %parallel_loop3A_387 : i32 to index
        %parallel_loop3A_409 = arith.constant 48 : index
        %parallel_loop3A_410 = tpu.vector_load %arg6[%parallel_loop3A_408, %parallel_loop3A_409] {strides = array<i32>} : memref<128x64xf32, #tpu.memory_space<vmem>>, vector<16xf32>,
        %parallel_loop3A_411 = arith.constant 8.000000e+00 : f32
        %parallel_loop3A_412 = vector.broadcast %parallel_loop3A_411 : f32 to vector<16xf32>
        %parallel_loop3A_413 = arith.mulf %parallel_loop3A_410, %parallel_loop3A_412 : vector<16xf32>
        tpu.vector_store_idx %arg11[%shift_right_arithmetic3A_26, %mul3A_3, %and3A_49, %parallel_loop3A_389], %parallel_loop3A_413 : memref<8x1x8x129xf32, #tpu.memory_space<vmem>>[vector<16xi32>, vector<16xi32>, vector<16xi32>, vector<16xi32>], vector<16xf32>,
      } {sc.loop_unroll_factor = 4 : i64, sc.parallel_access}
      %add3A_257 = arith.constant 5 : i32
      %add3A_258 = arith.addi %add3A_238, %add3A_257 : i32
      %lt3A = arith.constant 200 : i32
      %lt3A_259 = arith.cmpi slt, %add3A_258, %lt3A : i32
      %convert_element_type3A_260 = arith.extui %lt3A_259 : i1 to i32
      %cond3A_261 = arith.constant 0 : i32
      %cond3A_262 = arith.cmpi ne, %convert_element_type3A_260, %cond3A_261 : i32
      scf.if %cond3A_262 {
        %add3A_387 = arith.constant 5 : i32
        %add3A_388 = arith.addi %add3A_238, %add3A_387 : i32
        %jit3A = arith.constant 8 : i32
        %div3A = arith.divsi %add3A_388, %jit3A : i32
        %sign3A = arith.constant 0 : i32
        %sign3A_389 = arith.cmpi sgt, %add3A_388, %sign3A : i32
        %sign3A_390 = arith.extui %sign3A_389 : i1 to i32
        %sign3A_391 = arith.constant 0 : i32
        %sign3A_392 = arith.cmpi slt, %add3A_388, %sign3A_391 : i32
        %sign3A_393 = arith.extui %sign3A_392 : i1 to i32
        %sign3A_394 = arith.subi %sign3A_390, %sign3A_393 : i32
        %sign3A_395 = arith.constant 0 : i32
        %sign3A_396 = arith.cmpi sgt, %jit3A, %sign3A_395 : i32
        %sign3A_397 = arith.extui %sign3A_396 : i1 to i32
        %sign3A_398 = arith.constant 0 : i32
        %sign3A_399 = arith.cmpi slt, %jit3A, %sign3A_398 : i32
        %sign3A_400 = arith.extui %sign3A_399 : i1 to i32
        %sign3A_401 = arith.subi %sign3A_397, %sign3A_400 : i32
        %ne3A = arith.cmpi ne, %sign3A_394, %sign3A_401 : i32
        %rem3A = arith.remsi %add3A_388, %jit3A : i32
        %ne3A_402 = arith.constant 0 : i32
        %ne3A_403 = arith.cmpi ne, %rem3A, %ne3A_402 : i32
        %and3A_404 = arith.andi %ne3A, %ne3A_403 : i1
        %sub3A = arith.constant 1 : i32
        %sub3A_405 = arith.subi %div3A, %sub3A : i32
        %select_n3A = arith.select %and3A_404, %sub3A_405, %div3A : i32
        %jit3A_406 = arith.constant 8 : i32
        %eq3A = arith.constant 0 : i32
        %eq3A_407 = arith.cmpi eq, %jit3A_406, %eq3A : i32
        %jit3A_408 = arith.constant 1 : i32
        %select_n3A_409 = arith.select %eq3A_407, %jit3A_408, %jit3A_406 : i32
        %rem3A_410 = arith.remsi %add3A_388, %select_n3A_409 : i32
        %ne3A_411 = arith.constant 0 : i32
        %ne3A_412 = arith.cmpi ne, %rem3A_410, %ne3A_411 : i32
        %lt3A_413 = arith.constant 0 : i32
        %lt3A_414 = arith.cmpi slt, %rem3A_410, %lt3A_413 : i32
        %lt3A_415 = arith.constant 0 : i32
        %lt3A_416 = arith.cmpi slt, %select_n3A_409, %lt3A_415 : i32
        %ne3A_417 = arith.xori %lt3A_414, %lt3A_416 : i1
        %and3A_418 = arith.andi %ne3A_417, %ne3A_412 : i1
        %add3A_419 = arith.addi %rem3A_410, %select_n3A_409 : i32
        %select_n3A_420 = arith.select %and3A_418, %add3A_419, %rem3A_410 : i32
        %dma_start3A_421 = arith.constant 0 : i32
        %dma_start3A_422 = arith.constant 0 : i32
        %dma_start3A_423 = tpu.memref_slice %arg5[%select_n3A, %dma_start3A_421, %select_n3A_420, %dma_start3A_422] : memref<25x1x8x128xi32, #tpu.memory_space<vmem>> -> memref<1x1x1x128xi32, #tpu.memory_space<vmem>>
        %dma_start3A_424 = tpu.memref_squeeze %dma_start3A_423 : memref<1x1x1x128xi32, #tpu.memory_space<vmem>> -> memref<128xi32, #tpu.memory_space<vmem>>
        %dma_start3A_425 = arith.constant 0 : i32
        %dma_start3A_426 = arith.constant 0 : i32
        %dma_start3A_427 = tpu.memref_slice %arg3[%dma_start3A_425, %dma_start3A_426] : memref<1000000x64xf32, #tpu.memory_space<hbm>> -> memref<1000000x64xf32, #tpu.memory_space<hbm>>
        tpu.enqueue_indirect_dma source(%dma_start3A_427 : memref<1000000x64xf32, #tpu.memory_space<hbm>>) target(%arg6 : memref<128x64xf32, #tpu.memory_space<vmem>>) offsets(%dma_start3A_424 : memref<128xi32, #tpu.memory_space<vmem>>) semaphore(%arg16 : memref<!tpu.dma_semaphore, #tpu.memory_space<semaphore_mem>>)
      } else {
      }
      %add3A_263 = arith.constant 1 : i32
      %add3A_264 = arith.addi %mul3A_236, %add3A_263 : i32
      %dma_wait3A_265 = arith.constant 0 : i32
      %dma_wait3A_266 = arith.constant 0 : i32
      %dma_wait3A_267 = arith.constant 0 : i32
      %dma_wait3A_268 = arith.constant 0 : i32
      %dma_wait3A_269 = tpu.memref_slice %arg5[%dma_wait3A_265, %dma_wait3A_266, %dma_wait3A_267, %dma_wait3A_268] : memref<25x1x8x128xi32, #tpu.memory_space<vmem>> -> memref<1x1x1x128xi32, #tpu.memory_space<vmem>>
      %dma_wait3A_270 = tpu.memref_squeeze %dma_wait3A_269 : memref<1x1x1x128xi32, #tpu.memory_space<vmem>> -> memref<128xi32, #tpu.memory_space<vmem>>
      %dma_wait3A_271 = arith.constant 0 : i32
      %dma_wait3A_272 = arith.constant 0 : i32
      %dma_wait3A_273 = tpu.memref_slice %arg3[%dma_wait3A_271, %dma_wait3A_272] : memref<1000000x64xf32, #tpu.memory_space<hbm>> -> memref<1000000x64xf32, #tpu.memory_space<hbm>>
      tpu.wait_indirect_dma semaphore(%arg17 : memref<!tpu.dma_semaphore, #tpu.memory_space<semaphore_mem>>) src(%dma_wait3A_273 : memref<1000000x64xf32, #tpu.memory_space<hbm>>) dst(%arg7 : memref<128x64xf32, #tpu.memory_space<vmem>>)
      %ge3A_274 = arith.constant 1 : i32
      %ge3A_275 = arith.cmpi sge, %add3A_264, %ge3A_274 : i32
      %convert_element_type3A_276 = arith.extui %ge3A_275 : i1 to i32
      %cond3A_277 = arith.constant 0 : i32
      %cond3A_278 = arith.cmpi ne, %convert_element_type3A_276, %cond3A_277 : i32
      scf.if %cond3A_278 {
        %sub3A = arith.constant 1 : i32
        %sub3A_387 = arith.subi %add3A_264, %sub3A : i32
        %dma_start3A_388 = arith.constant 0 : i32
        %dma_start3A_389 = arith.constant 0 : i32
        %dma_start3A_390 = arith.constant 0 : i32
        %dma_start3A_391 = arith.constant 0 : i32
        %dma_start3A_392 = tpu.memref_slice %arg11[%dma_start3A_388, %dma_start3A_389, %dma_start3A_390, %dma_start3A_391] : memref<8x1x8x129xf32, #tpu.memory_space<vmem>> -> memref<8x1x8x128xf32, #tpu.memory_space<vmem>>
        %dma_start3A_393 = arith.constant 0 : i32
        %dma_start3A_394 = arith.constant 0 : i32
        %dma_start3A_395 = arith.constant 0 : i32
        %dma_start3A_396 = tpu.memref_slice %arg4[%sub3A_387, %dma_start3A_393, %add3A, %dma_start3A_394, %dma_start3A_395] : memref<200x8x32x8x128xf32, #tpu.memory_space<hbm>> -> memref<1x8x1x8x128xf32, #tpu.memory_space<hbm>>
        %dma_start3A_397 = tpu.memref_squeeze %dma_start3A_396 : memref<1x8x1x8x128xf32, #tpu.memory_space<hbm>> -> memref<8x1x8x128xf32, #tpu.memory_space<hbm>>
        %dma_start3A_398 = arith.constant 0 : i32
        %dma_start3A_399 = arith.constant 0 : i32
        %dma_start3A_400 = arith.constant 0 : i32
        %dma_start3A_401 = tpu.memref_slice %arg4[%sub3A_387, %dma_start3A_398, %add3A, %dma_start3A_399, %dma_start3A_400] : memref<200x8x32x8x128xf32, #tpu.memory_space<hbm>> -> memref<1x8x1x8x128xf32, #tpu.memory_space<hbm>>
        %dma_start3A_402 = tpu.memref_squeeze %dma_start3A_401 : memref<1x8x1x8x128xf32, #tpu.memory_space<hbm>> -> memref<8x1x8x128xf32, #tpu.memory_space<hbm>>
        %dma_start3A_403 = arith.constant 0 : i32
        %dma_start3A_404 = arith.constant 0 : i32
        %dma_start3A_405 = arith.constant 0 : i32
        %dma_start3A_406 = arith.constant 0 : i32
        %dma_start3A_407 = tpu.memref_slice %arg11[%dma_start3A_403, %dma_start3A_404, %dma_start3A_405, %dma_start3A_406] : memref<8x1x8x129xf32, #tpu.memory_space<vmem>> -> memref<8x1x8x128xf32, #tpu.memory_space<vmem>>
        tpu.enqueue_dma source(%dma_start3A_407 : memref<8x1x8x128xf32, #tpu.memory_space<vmem>>) target(%dma_start3A_402 : memref<8x1x8x128xf32, #tpu.memory_space<hbm>>) target_semaphore(%arg21 : memref<!tpu.dma_semaphore, #tpu.memory_space<semaphore_mem>>)
      } else {
      }
      %ge3A_279 = arith.constant 5 : i32
      %ge3A_280 = arith.cmpi sge, %add3A_264, %ge3A_279 : i32
      %convert_element_type3A_281 = arith.extui %ge3A_280 : i1 to i32
      %cond3A_282 = arith.constant 0 : i32
      %cond3A_283 = arith.cmpi ne, %convert_element_type3A_281, %cond3A_282 : i32
      scf.if %cond3A_283 {
        %dma_wait3A_387 = arith.constant 0 : i32
        %dma_wait3A_388 = arith.constant 0 : i32
        %dma_wait3A_389 = arith.constant 0 : i32
        %dma_wait3A_390 = arith.constant 0 : i32
        %dma_wait3A_391 = arith.constant 0 : i32
        %dma_wait3A_392 = tpu.memref_slice %arg12[%dma_wait3A_388, %dma_wait3A_389, %dma_wait3A_390, %dma_wait3A_391] : memref<8x1x8x129xf32, #tpu.memory_space<vmem>> -> memref<8x1x8x128xf32, #tpu.memory_space<vmem>>
        %dma_wait3A_393 = arith.constant 0 : i32
        %dma_wait3A_394 = arith.constant 0 : i32
        %dma_wait3A_395 = arith.constant 0 : i32
        %dma_wait3A_396 = arith.constant 0 : i32
        %dma_wait3A_397 = tpu.memref_slice %arg4[%dma_wait3A_387, %dma_wait3A_393, %dma_wait3A_394, %dma_wait3A_395, %dma_wait3A_396] : memref<200x8x32x8x128xf32, #tpu.memory_space<hbm>> -> memref<1x8x1x8x128xf32, #tpu.memory_space<hbm>>
        %dma_wait3A_398 = tpu.memref_squeeze %dma_wait3A_397 : memref<1x8x1x8x128xf32, #tpu.memory_space<hbm>> -> memref<8x1x8x128xf32, #tpu.memory_space<hbm>>
        %dma_wait3A_399 = arith.constant 0 : i32
        %dma_wait3A_400 = arith.constant 0 : i32
        %dma_wait3A_401 = arith.constant 0 : i32
        %dma_wait3A_402 = arith.constant 0 : i32
        %dma_wait3A_403 = tpu.memref_slice %arg4[%dma_wait3A_387, %dma_wait3A_399, %dma_wait3A_400, %dma_wait3A_401, %dma_wait3A_402] : memref<200x8x32x8x128xf32, #tpu.memory_space<hbm>> -> memref<1x8x1x8x128xf32, #tpu.memory_space<hbm>>
        %dma_wait3A_404 = tpu.memref_squeeze %dma_wait3A_403 : memref<1x8x1x8x128xf32, #tpu.memory_space<hbm>> -> memref<8x1x8x128xf32, #tpu.memory_space<hbm>>
        %dma_wait3A_405 = arith.constant 0 : i32
        %dma_wait3A_406 = arith.constant 0 : i32
        %dma_wait3A_407 = arith.constant 0 : i32
        %dma_wait3A_408 = arith.constant 0 : i32
        %dma_wait3A_409 = tpu.memref_slice %arg12[%dma_wait3A_405, %dma_wait3A_406, %dma_wait3A_407, %dma_wait3A_408] : memref<8x1x8x129xf32, #tpu.memory_space<vmem>> -> memref<8x1x8x128xf32, #tpu.memory_space<vmem>>
        tpu.wait_dma2 semaphore(%arg22 : memref<!tpu.dma_semaphore, #tpu.memory_space<semaphore_mem>>) src(%dma_wait3A_409 : memref<8x1x8x128xf32, #tpu.memory_space<vmem>>) dst(%dma_wait3A_404 : memref<8x1x8x128xf32, #tpu.memory_space<hbm>>)
      } else {
      }
      %parallel_loop3A_284 = arith.constant 0 : i32
      %parallel_loop3A_285 = arith.constant 128 : i32
      %parallel_loop3A_286 = arith.constant 1 : i32
      scf.for %parallel_loop3A_387 = %parallel_loop3A_284 to %parallel_loop3A_285 step %parallel_loop3A_286  : i32 {
        %parallel_loop3A_388 = vector.broadcast %parallel_loop3A_387 : i32 to vector<16xi32>
        %parallel_loop3A_389 = arith.addi %mul3A_3, %parallel_loop3A_388 : vector<16xi32>
        %parallel_loop3A_390 = arith.index_cast %parallel_loop3A_387 : i32 to index
        %parallel_loop3A_391 = arith.constant 0 : index
        %parallel_loop3A_392 = tpu.vector_load %arg7[%parallel_loop3A_390, %parallel_loop3A_391] {strides = array<i32>} : memref<128x64xf32, #tpu.memory_space<vmem>>, vector<16xf32>,
        %parallel_loop3A_393 = arith.constant 8.000000e+00 : f32
        %parallel_loop3A_394 = vector.broadcast %parallel_loop3A_393 : f32 to vector<16xf32>
        %parallel_loop3A_395 = arith.mulf %parallel_loop3A_392, %parallel_loop3A_394 : vector<16xf32>
        tpu.vector_store_idx %arg12[%shift_right_arithmetic3A_8, %mul3A_3, %and3A_31, %parallel_loop3A_389], %parallel_loop3A_395 : memref<8x1x8x129xf32, #tpu.memory_space<vmem>>[vector<16xi32>, vector<16xi32>, vector<16xi32>, vector<16xi32>], vector<16xf32>,
        %parallel_loop3A_396 = arith.index_cast %parallel_loop3A_387 : i32 to index
        %parallel_loop3A_397 = arith.constant 16 : index
        %parallel_loop3A_398 = tpu.vector_load %arg7[%parallel_loop3A_396, %parallel_loop3A_397] {strides = array<i32>} : memref<128x64xf32, #tpu.memory_space<vmem>>, vector<16xf32>,
        %parallel_loop3A_399 = arith.constant 8.000000e+00 : f32
        %parallel_loop3A_400 = vector.broadcast %parallel_loop3A_399 : f32 to vector<16xf32>
        %parallel_loop3A_401 = arith.mulf %parallel_loop3A_398, %parallel_loop3A_400 : vector<16xf32>
        tpu.vector_store_idx %arg12[%shift_right_arithmetic3A_14, %mul3A_3, %and3A_37, %parallel_loop3A_389], %parallel_loop3A_401 : memref<8x1x8x129xf32, #tpu.memory_space<vmem>>[vector<16xi32>, vector<16xi32>, vector<16xi32>, vector<16xi32>], vector<16xf32>,
        %parallel_loop3A_402 = arith.index_cast %parallel_loop3A_387 : i32 to index
        %parallel_loop3A_403 = arith.constant 32 : index
        %parallel_loop3A_404 = tpu.vector_load %arg7[%parallel_loop3A_402, %parallel_loop3A_403] {strides = array<i32>} : memref<128x64xf32, #tpu.memory_space<vmem>>, vector<16xf32>,
        %parallel_loop3A_405 = arith.constant 8.000000e+00 : f32
        %parallel_loop3A_406 = vector.broadcast %parallel_loop3A_405 : f32 to vector<16xf32>
        %parallel_loop3A_407 = arith.mulf %parallel_loop3A_404, %parallel_loop3A_406 : vector<16xf32>
        tpu.vector_store_idx %arg12[%shift_right_arithmetic3A_20, %mul3A_3, %and3A_43, %parallel_loop3A_389], %parallel_loop3A_407 : memref<8x1x8x129xf32, #tpu.memory_space<vmem>>[vector<16xi32>, vector<16xi32>, vector<16xi32>, vector<16xi32>], vector<16xf32>,
        %parallel_loop3A_408 = arith.index_cast %parallel_loop3A_387 : i32 to index
        %parallel_loop3A_409 = arith.constant 48 : index
        %parallel_loop3A_410 = tpu.vector_load %arg7[%parallel_loop3A_408, %parallel_loop3A_409] {strides = array<i32>} : memref<128x64xf32, #tpu.memory_space<vmem>>, vector<16xf32>,
        %parallel_loop3A_411 = arith.constant 8.000000e+00 : f32
        %parallel_loop3A_412 = vector.broadcast %parallel_loop3A_411 : f32 to vector<16xf32>
        %parallel_loop3A_413 = arith.mulf %parallel_loop3A_410, %parallel_loop3A_412 : vector<16xf32>
        tpu.vector_store_idx %arg12[%shift_right_arithmetic3A_26, %mul3A_3, %and3A_49, %parallel_loop3A_389], %parallel_loop3A_413 : memref<8x1x8x129xf32, #tpu.memory_space<vmem>>[vector<16xi32>, vector<16xi32>, vector<16xi32>, vector<16xi32>], vector<16xf32>,
      } {sc.loop_unroll_factor = 4 : i64, sc.parallel_access}
      %add3A_287 = arith.constant 5 : i32
      %add3A_288 = arith.addi %add3A_264, %add3A_287 : i32
      %lt3A_289 = arith.constant 200 : i32
      %lt3A_290 = arith.cmpi slt, %add3A_288, %lt3A_289 : i32
      %convert_element_type3A_291 = arith.extui %lt3A_290 : i1 to i32
      %cond3A_292 = arith.constant 0 : i32
      %cond3A_293 = arith.cmpi ne, %convert_element_type3A_291, %cond3A_292 : i32
      scf.if %cond3A_293 {
        %add3A_387 = arith.constant 5 : i32
        %add3A_388 = arith.addi %add3A_264, %add3A_387 : i32
        %jit3A = arith.constant 8 : i32
        %div3A = arith.divsi %add3A_388, %jit3A : i32
        %sign3A = arith.constant 0 : i32
        %sign3A_389 = arith.cmpi sgt, %add3A_388, %sign3A : i32
        %sign3A_390 = arith.extui %sign3A_389 : i1 to i32
        %sign3A_391 = arith.constant 0 : i32
        %sign3A_392 = arith.cmpi slt, %add3A_388, %sign3A_391 : i32
        %sign3A_393 = arith.extui %sign3A_392 : i1 to i32
        %sign3A_394 = arith.subi %sign3A_390, %sign3A_393 : i32
        %sign3A_395 = arith.constant 0 : i32
        %sign3A_396 = arith.cmpi sgt, %jit3A, %sign3A_395 : i32
        %sign3A_397 = arith.extui %sign3A_396 : i1 to i32
        %sign3A_398 = arith.constant 0 : i32
        %sign3A_399 = arith.cmpi slt, %jit3A, %sign3A_398 : i32
        %sign3A_400 = arith.extui %sign3A_399 : i1 to i32
        %sign3A_401 = arith.subi %sign3A_397, %sign3A_400 : i32
        %ne3A = arith.cmpi ne, %sign3A_394, %sign3A_401 : i32
        %rem3A = arith.remsi %add3A_388, %jit3A : i32
        %ne3A_402 = arith.constant 0 : i32
        %ne3A_403 = arith.cmpi ne, %rem3A, %ne3A_402 : i32
        %and3A_404 = arith.andi %ne3A, %ne3A_403 : i1
        %sub3A = arith.constant 1 : i32
        %sub3A_405 = arith.subi %div3A, %sub3A : i32
        %select_n3A = arith.select %and3A_404, %sub3A_405, %div3A : i32
        %jit3A_406 = arith.constant 8 : i32
        %eq3A = arith.constant 0 : i32
        %eq3A_407 = arith.cmpi eq, %jit3A_406, %eq3A : i32
        %jit3A_408 = arith.constant 1 : i32
        %select_n3A_409 = arith.select %eq3A_407, %jit3A_408, %jit3A_406 : i32
        %rem3A_410 = arith.remsi %add3A_388, %select_n3A_409 : i32
        %ne3A_411 = arith.constant 0 : i32
        %ne3A_412 = arith.cmpi ne, %rem3A_410, %ne3A_411 : i32
        %lt3A_413 = arith.constant 0 : i32
        %lt3A_414 = arith.cmpi slt, %rem3A_410, %lt3A_413 : i32
        %lt3A_415 = arith.constant 0 : i32
        %lt3A_416 = arith.cmpi slt, %select_n3A_409, %lt3A_415 : i32
        %ne3A_417 = arith.xori %lt3A_414, %lt3A_416 : i1
        %and3A_418 = arith.andi %ne3A_417, %ne3A_412 : i1
        %add3A_419 = arith.addi %rem3A_410, %select_n3A_409 : i32
        %select_n3A_420 = arith.select %and3A_418, %add3A_419, %rem3A_410 : i32
        %dma_start3A_421 = arith.constant 0 : i32
        %dma_start3A_422 = arith.constant 0 : i32
        %dma_start3A_423 = tpu.memref_slice %arg5[%select_n3A, %dma_start3A_421, %select_n3A_420, %dma_start3A_422] : memref<25x1x8x128xi32, #tpu.memory_space<vmem>> -> memref<1x1x1x128xi32, #tpu.memory_space<vmem>>
        %dma_start3A_424 = tpu.memref_squeeze %dma_start3A_423 : memref<1x1x1x128xi32, #tpu.memory_space<vmem>> -> memref<128xi32, #tpu.memory_space<vmem>>
        %dma_start3A_425 = arith.constant 0 : i32
        %dma_start3A_426 = arith.constant 0 : i32
        %dma_start3A_427 = tpu.memref_slice %arg3[%dma_start3A_425, %dma_start3A_426] : memref<1000000x64xf32, #tpu.memory_space<hbm>> -> memref<1000000x64xf32, #tpu.memory_space<hbm>>
        tpu.enqueue_indirect_dma source(%dma_start3A_427 : memref<1000000x64xf32, #tpu.memory_space<hbm>>) target(%arg7 : memref<128x64xf32, #tpu.memory_space<vmem>>) offsets(%dma_start3A_424 : memref<128xi32, #tpu.memory_space<vmem>>) semaphore(%arg17 : memref<!tpu.dma_semaphore, #tpu.memory_space<semaphore_mem>>)
      } else {
      }
      %add3A_294 = arith.constant 2 : i32
      %add3A_295 = arith.addi %mul3A_236, %add3A_294 : i32
      %dma_wait3A_296 = arith.constant 0 : i32
      %dma_wait3A_297 = arith.constant 0 : i32
      %dma_wait3A_298 = arith.constant 0 : i32
      %dma_wait3A_299 = arith.constant 0 : i32
      %dma_wait3A_300 = tpu.memref_slice %arg5[%dma_wait3A_296, %dma_wait3A_297, %dma_wait3A_298, %dma_wait3A_299] : memref<25x1x8x128xi32, #tpu.memory_space<vmem>> -> memref<1x1x1x128xi32, #tpu.memory_space<vmem>>
      %dma_wait3A_301 = tpu.memref_squeeze %dma_wait3A_300 : memref<1x1x1x128xi32, #tpu.memory_space<vmem>> -> memref<128xi32, #tpu.memory_space<vmem>>
      %dma_wait3A_302 = arith.constant 0 : i32
      %dma_wait3A_303 = arith.constant 0 : i32
      %dma_wait3A_304 = tpu.memref_slice %arg3[%dma_wait3A_302, %dma_wait3A_303] : memref<1000000x64xf32, #tpu.memory_space<hbm>> -> memref<1000000x64xf32, #tpu.memory_space<hbm>>
      tpu.wait_indirect_dma semaphore(%arg18 : memref<!tpu.dma_semaphore, #tpu.memory_space<semaphore_mem>>) src(%dma_wait3A_304 : memref<1000000x64xf32, #tpu.memory_space<hbm>>) dst(%arg8 : memref<128x64xf32, #tpu.memory_space<vmem>>)
      %ge3A_305 = arith.constant 1 : i32
      %ge3A_306 = arith.cmpi sge, %add3A_295, %ge3A_305 : i32
      %convert_element_type3A_307 = arith.extui %ge3A_306 : i1 to i32
      %cond3A_308 = arith.constant 0 : i32
      %cond3A_309 = arith.cmpi ne, %convert_element_type3A_307, %cond3A_308 : i32
      scf.if %cond3A_309 {
        %sub3A = arith.constant 1 : i32
        %sub3A_387 = arith.subi %add3A_295, %sub3A : i32
        %dma_start3A_388 = arith.constant 0 : i32
        %dma_start3A_389 = arith.constant 0 : i32
        %dma_start3A_390 = arith.constant 0 : i32
        %dma_start3A_391 = arith.constant 0 : i32
        %dma_start3A_392 = tpu.memref_slice %arg12[%dma_start3A_388, %dma_start3A_389, %dma_start3A_390, %dma_start3A_391] : memref<8x1x8x129xf32, #tpu.memory_space<vmem>> -> memref<8x1x8x128xf32, #tpu.memory_space<vmem>>
        %dma_start3A_393 = arith.constant 0 : i32
        %dma_start3A_394 = arith.constant 0 : i32
        %dma_start3A_395 = arith.constant 0 : i32
        %dma_start3A_396 = tpu.memref_slice %arg4[%sub3A_387, %dma_start3A_393, %add3A, %dma_start3A_394, %dma_start3A_395] : memref<200x8x32x8x128xf32, #tpu.memory_space<hbm>> -> memref<1x8x1x8x128xf32, #tpu.memory_space<hbm>>
        %dma_start3A_397 = tpu.memref_squeeze %dma_start3A_396 : memref<1x8x1x8x128xf32, #tpu.memory_space<hbm>> -> memref<8x1x8x128xf32, #tpu.memory_space<hbm>>
        %dma_start3A_398 = arith.constant 0 : i32
        %dma_start3A_399 = arith.constant 0 : i32
        %dma_start3A_400 = arith.constant 0 : i32
        %dma_start3A_401 = tpu.memref_slice %arg4[%sub3A_387, %dma_start3A_398, %add3A, %dma_start3A_399, %dma_start3A_400] : memref<200x8x32x8x128xf32, #tpu.memory_space<hbm>> -> memref<1x8x1x8x128xf32, #tpu.memory_space<hbm>>
        %dma_start3A_402 = tpu.memref_squeeze %dma_start3A_401 : memref<1x8x1x8x128xf32, #tpu.memory_space<hbm>> -> memref<8x1x8x128xf32, #tpu.memory_space<hbm>>
        %dma_start3A_403 = arith.constant 0 : i32
        %dma_start3A_404 = arith.constant 0 : i32
        %dma_start3A_405 = arith.constant 0 : i32
        %dma_start3A_406 = arith.constant 0 : i32
        %dma_start3A_407 = tpu.memref_slice %arg12[%dma_start3A_403, %dma_start3A_404, %dma_start3A_405, %dma_start3A_406] : memref<8x1x8x129xf32, #tpu.memory_space<vmem>> -> memref<8x1x8x128xf32, #tpu.memory_space<vmem>>
        tpu.enqueue_dma source(%dma_start3A_407 : memref<8x1x8x128xf32, #tpu.memory_space<vmem>>) target(%dma_start3A_402 : memref<8x1x8x128xf32, #tpu.memory_space<hbm>>) target_semaphore(%arg22 : memref<!tpu.dma_semaphore, #tpu.memory_space<semaphore_mem>>)
      } else {
      }
      %ge3A_310 = arith.constant 5 : i32
      %ge3A_311 = arith.cmpi sge, %add3A_295, %ge3A_310 : i32
      %convert_element_type3A_312 = arith.extui %ge3A_311 : i1 to i32
      %cond3A_313 = arith.constant 0 : i32
      %cond3A_314 = arith.cmpi ne, %convert_element_type3A_312, %cond3A_313 : i32
      scf.if %cond3A_314 {
        %dma_wait3A_387 = arith.constant 0 : i32
        %dma_wait3A_388 = arith.constant 0 : i32
        %dma_wait3A_389 = arith.constant 0 : i32
        %dma_wait3A_390 = arith.constant 0 : i32
        %dma_wait3A_391 = arith.constant 0 : i32
        %dma_wait3A_392 = tpu.memref_slice %arg13[%dma_wait3A_388, %dma_wait3A_389, %dma_wait3A_390, %dma_wait3A_391] : memref<8x1x8x129xf32, #tpu.memory_space<vmem>> -> memref<8x1x8x128xf32, #tpu.memory_space<vmem>>
        %dma_wait3A_393 = arith.constant 0 : i32
        %dma_wait3A_394 = arith.constant 0 : i32
        %dma_wait3A_395 = arith.constant 0 : i32
        %dma_wait3A_396 = arith.constant 0 : i32
        %dma_wait3A_397 = tpu.memref_slice %arg4[%dma_wait3A_387, %dma_wait3A_393, %dma_wait3A_394, %dma_wait3A_395, %dma_wait3A_396] : memref<200x8x32x8x128xf32, #tpu.memory_space<hbm>> -> memref<1x8x1x8x128xf32, #tpu.memory_space<hbm>>
        %dma_wait3A_398 = tpu.memref_squeeze %dma_wait3A_397 : memref<1x8x1x8x128xf32, #tpu.memory_space<hbm>> -> memref<8x1x8x128xf32, #tpu.memory_space<hbm>>
        %dma_wait3A_399 = arith.constant 0 : i32
        %dma_wait3A_400 = arith.constant 0 : i32
        %dma_wait3A_401 = arith.constant 0 : i32
        %dma_wait3A_402 = arith.constant 0 : i32
        %dma_wait3A_403 = tpu.memref_slice %arg4[%dma_wait3A_387, %dma_wait3A_399, %dma_wait3A_400, %dma_wait3A_401, %dma_wait3A_402] : memref<200x8x32x8x128xf32, #tpu.memory_space<hbm>> -> memref<1x8x1x8x128xf32, #tpu.memory_space<hbm>>
        %dma_wait3A_404 = tpu.memref_squeeze %dma_wait3A_403 : memref<1x8x1x8x128xf32, #tpu.memory_space<hbm>> -> memref<8x1x8x128xf32, #tpu.memory_space<hbm>>
        %dma_wait3A_405 = arith.constant 0 : i32
        %dma_wait3A_406 = arith.constant 0 : i32
        %dma_wait3A_407 = arith.constant 0 : i32
        %dma_wait3A_408 = arith.constant 0 : i32
        %dma_wait3A_409 = tpu.memref_slice %arg13[%dma_wait3A_405, %dma_wait3A_406, %dma_wait3A_407, %dma_wait3A_408] : memref<8x1x8x129xf32, #tpu.memory_space<vmem>> -> memref<8x1x8x128xf32, #tpu.memory_space<vmem>>
        tpu.wait_dma2 semaphore(%arg23 : memref<!tpu.dma_semaphore, #tpu.memory_space<semaphore_mem>>) src(%dma_wait3A_409 : memref<8x1x8x128xf32, #tpu.memory_space<vmem>>) dst(%dma_wait3A_404 : memref<8x1x8x128xf32, #tpu.memory_space<hbm>>)
      } else {
      }
      %parallel_loop3A_315 = arith.constant 0 : i32
      %parallel_loop3A_316 = arith.constant 128 : i32
      %parallel_loop3A_317 = arith.constant 1 : i32
      scf.for %parallel_loop3A_387 = %parallel_loop3A_315 to %parallel_loop3A_316 step %parallel_loop3A_317  : i32 {
        %parallel_loop3A_388 = vector.broadcast %parallel_loop3A_387 : i32 to vector<16xi32>
        %parallel_loop3A_389 = arith.addi %mul3A_3, %parallel_loop3A_388 : vector<16xi32>
        %parallel_loop3A_390 = arith.index_cast %parallel_loop3A_387 : i32 to index
        %parallel_loop3A_391 = arith.constant 0 : index
        %parallel_loop3A_392 = tpu.vector_load %arg8[%parallel_loop3A_390, %parallel_loop3A_391] {strides = array<i32>} : memref<128x64xf32, #tpu.memory_space<vmem>>, vector<16xf32>,
        %parallel_loop3A_393 = arith.constant 8.000000e+00 : f32
        %parallel_loop3A_394 = vector.broadcast %parallel_loop3A_393 : f32 to vector<16xf32>
        %parallel_loop3A_395 = arith.mulf %parallel_loop3A_392, %parallel_loop3A_394 : vector<16xf32>
        tpu.vector_store_idx %arg13[%shift_right_arithmetic3A_8, %mul3A_3, %and3A_31, %parallel_loop3A_389], %parallel_loop3A_395 : memref<8x1x8x129xf32, #tpu.memory_space<vmem>>[vector<16xi32>, vector<16xi32>, vector<16xi32>, vector<16xi32>], vector<16xf32>,
        %parallel_loop3A_396 = arith.index_cast %parallel_loop3A_387 : i32 to index
        %parallel_loop3A_397 = arith.constant 16 : index
        %parallel_loop3A_398 = tpu.vector_load %arg8[%parallel_loop3A_396, %parallel_loop3A_397] {strides = array<i32>} : memref<128x64xf32, #tpu.memory_space<vmem>>, vector<16xf32>,
        %parallel_loop3A_399 = arith.constant 8.000000e+00 : f32
        %parallel_loop3A_400 = vector.broadcast %parallel_loop3A_399 : f32 to vector<16xf32>
        %parallel_loop3A_401 = arith.mulf %parallel_loop3A_398, %parallel_loop3A_400 : vector<16xf32>
        tpu.vector_store_idx %arg13[%shift_right_arithmetic3A_14, %mul3A_3, %and3A_37, %parallel_loop3A_389], %parallel_loop3A_401 : memref<8x1x8x129xf32, #tpu.memory_space<vmem>>[vector<16xi32>, vector<16xi32>, vector<16xi32>, vector<16xi32>], vector<16xf32>,
        %parallel_loop3A_402 = arith.index_cast %parallel_loop3A_387 : i32 to index
        %parallel_loop3A_403 = arith.constant 32 : index
        %parallel_loop3A_404 = tpu.vector_load %arg8[%parallel_loop3A_402, %parallel_loop3A_403] {strides = array<i32>} : memref<128x64xf32, #tpu.memory_space<vmem>>, vector<16xf32>,
        %parallel_loop3A_405 = arith.constant 8.000000e+00 : f32
        %parallel_loop3A_406 = vector.broadcast %parallel_loop3A_405 : f32 to vector<16xf32>
        %parallel_loop3A_407 = arith.mulf %parallel_loop3A_404, %parallel_loop3A_406 : vector<16xf32>
        tpu.vector_store_idx %arg13[%shift_right_arithmetic3A_20, %mul3A_3, %and3A_43, %parallel_loop3A_389], %parallel_loop3A_407 : memref<8x1x8x129xf32, #tpu.memory_space<vmem>>[vector<16xi32>, vector<16xi32>, vector<16xi32>, vector<16xi32>], vector<16xf32>,
        %parallel_loop3A_408 = arith.index_cast %parallel_loop3A_387 : i32 to index
        %parallel_loop3A_409 = arith.constant 48 : index
        %parallel_loop3A_410 = tpu.vector_load %arg8[%parallel_loop3A_408, %parallel_loop3A_409] {strides = array<i32>} : memref<128x64xf32, #tpu.memory_space<vmem>>, vector<16xf32>,
        %parallel_loop3A_411 = arith.constant 8.000000e+00 : f32
        %parallel_loop3A_412 = vector.broadcast %parallel_loop3A_411 : f32 to vector<16xf32>
        %parallel_loop3A_413 = arith.mulf %parallel_loop3A_410, %parallel_loop3A_412 : vector<16xf32>
        tpu.vector_store_idx %arg13[%shift_right_arithmetic3A_26, %mul3A_3, %and3A_49, %parallel_loop3A_389], %parallel_loop3A_413 : memref<8x1x8x129xf32, #tpu.memory_space<vmem>>[vector<16xi32>, vector<16xi32>, vector<16xi32>, vector<16xi32>], vector<16xf32>,
      } {sc.loop_unroll_factor = 4 : i64, sc.parallel_access}
      %add3A_318 = arith.constant 5 : i32
      %add3A_319 = arith.addi %add3A_295, %add3A_318 : i32
      %lt3A_320 = arith.constant 200 : i32
      %lt3A_321 = arith.cmpi slt, %add3A_319, %lt3A_320 : i32
      %convert_element_type3A_322 = arith.extui %lt3A_321 : i1 to i32
      %cond3A_323 = arith.constant 0 : i32
      %cond3A_324 = arith.cmpi ne, %convert_element_type3A_322, %cond3A_323 : i32
      scf.if %cond3A_324 {
        %add3A_387 = arith.constant 5 : i32
        %add3A_388 = arith.addi %add3A_295, %add3A_387 : i32
        %jit3A = arith.constant 8 : i32
        %div3A = arith.divsi %add3A_388, %jit3A : i32
        %sign3A = arith.constant 0 : i32
        %sign3A_389 = arith.cmpi sgt, %add3A_388, %sign3A : i32
        %sign3A_390 = arith.extui %sign3A_389 : i1 to i32
        %sign3A_391 = arith.constant 0 : i32
        %sign3A_392 = arith.cmpi slt, %add3A_388, %sign3A_391 : i32
        %sign3A_393 = arith.extui %sign3A_392 : i1 to i32
        %sign3A_394 = arith.subi %sign3A_390, %sign3A_393 : i32
        %sign3A_395 = arith.constant 0 : i32
        %sign3A_396 = arith.cmpi sgt, %jit3A, %sign3A_395 : i32
        %sign3A_397 = arith.extui %sign3A_396 : i1 to i32
        %sign3A_398 = arith.constant 0 : i32
        %sign3A_399 = arith.cmpi slt, %jit3A, %sign3A_398 : i32
        %sign3A_400 = arith.extui %sign3A_399 : i1 to i32
        %sign3A_401 = arith.subi %sign3A_397, %sign3A_400 : i32
        %ne3A = arith.cmpi ne, %sign3A_394, %sign3A_401 : i32
        %rem3A = arith.remsi %add3A_388, %jit3A : i32
        %ne3A_402 = arith.constant 0 : i32
        %ne3A_403 = arith.cmpi ne, %rem3A, %ne3A_402 : i32
        %and3A_404 = arith.andi %ne3A, %ne3A_403 : i1
        %sub3A = arith.constant 1 : i32
        %sub3A_405 = arith.subi %div3A, %sub3A : i32
        %select_n3A = arith.select %and3A_404, %sub3A_405, %div3A : i32
        %jit3A_406 = arith.constant 8 : i32
        %eq3A = arith.constant 0 : i32
        %eq3A_407 = arith.cmpi eq, %jit3A_406, %eq3A : i32
        %jit3A_408 = arith.constant 1 : i32
        %select_n3A_409 = arith.select %eq3A_407, %jit3A_408, %jit3A_406 : i32
        %rem3A_410 = arith.remsi %add3A_388, %select_n3A_409 : i32
        %ne3A_411 = arith.constant 0 : i32
        %ne3A_412 = arith.cmpi ne, %rem3A_410, %ne3A_411 : i32
        %lt3A_413 = arith.constant 0 : i32
        %lt3A_414 = arith.cmpi slt, %rem3A_410, %lt3A_413 : i32
        %lt3A_415 = arith.constant 0 : i32
        %lt3A_416 = arith.cmpi slt, %select_n3A_409, %lt3A_415 : i32
        %ne3A_417 = arith.xori %lt3A_414, %lt3A_416 : i1
        %and3A_418 = arith.andi %ne3A_417, %ne3A_412 : i1
        %add3A_419 = arith.addi %rem3A_410, %select_n3A_409 : i32
        %select_n3A_420 = arith.select %and3A_418, %add3A_419, %rem3A_410 : i32
        %dma_start3A_421 = arith.constant 0 : i32
        %dma_start3A_422 = arith.constant 0 : i32
        %dma_start3A_423 = tpu.memref_slice %arg5[%select_n3A, %dma_start3A_421, %select_n3A_420, %dma_start3A_422] : memref<25x1x8x128xi32, #tpu.memory_space<vmem>> -> memref<1x1x1x128xi32, #tpu.memory_space<vmem>>
        %dma_start3A_424 = tpu.memref_squeeze %dma_start3A_423 : memref<1x1x1x128xi32, #tpu.memory_space<vmem>> -> memref<128xi32, #tpu.memory_space<vmem>>
        %dma_start3A_425 = arith.constant 0 : i32
        %dma_start3A_426 = arith.constant 0 : i32
        %dma_start3A_427 = tpu.memref_slice %arg3[%dma_start3A_425, %dma_start3A_426] : memref<1000000x64xf32, #tpu.memory_space<hbm>> -> memref<1000000x64xf32, #tpu.memory_space<hbm>>
        tpu.enqueue_indirect_dma source(%dma_start3A_427 : memref<1000000x64xf32, #tpu.memory_space<hbm>>) target(%arg8 : memref<128x64xf32, #tpu.memory_space<vmem>>) offsets(%dma_start3A_424 : memref<128xi32, #tpu.memory_space<vmem>>) semaphore(%arg18 : memref<!tpu.dma_semaphore, #tpu.memory_space<semaphore_mem>>)
      } else {
      }
      %add3A_325 = arith.constant 3 : i32
      %add3A_326 = arith.addi %mul3A_236, %add3A_325 : i32
      %dma_wait3A_327 = arith.constant 0 : i32
      %dma_wait3A_328 = arith.constant 0 : i32
      %dma_wait3A_329 = arith.constant 0 : i32
      %dma_wait3A_330 = arith.constant 0 : i32
      %dma_wait3A_331 = tpu.memref_slice %arg5[%dma_wait3A_327, %dma_wait3A_328, %dma_wait3A_329, %dma_wait3A_330] : memref<25x1x8x128xi32, #tpu.memory_space<vmem>> -> memref<1x1x1x128xi32, #tpu.memory_space<vmem>>
      %dma_wait3A_332 = tpu.memref_squeeze %dma_wait3A_331 : memref<1x1x1x128xi32, #tpu.memory_space<vmem>> -> memref<128xi32, #tpu.memory_space<vmem>>
      %dma_wait3A_333 = arith.constant 0 : i32
      %dma_wait3A_334 = arith.constant 0 : i32
      %dma_wait3A_335 = tpu.memref_slice %arg3[%dma_wait3A_333, %dma_wait3A_334] : memref<1000000x64xf32, #tpu.memory_space<hbm>> -> memref<1000000x64xf32, #tpu.memory_space<hbm>>
      tpu.wait_indirect_dma semaphore(%arg19 : memref<!tpu.dma_semaphore, #tpu.memory_space<semaphore_mem>>) src(%dma_wait3A_335 : memref<1000000x64xf32, #tpu.memory_space<hbm>>) dst(%arg9 : memref<128x64xf32, #tpu.memory_space<vmem>>)
      %ge3A_336 = arith.constant 1 : i32
      %ge3A_337 = arith.cmpi sge, %add3A_326, %ge3A_336 : i32
      %convert_element_type3A_338 = arith.extui %ge3A_337 : i1 to i32
      %cond3A_339 = arith.constant 0 : i32
      %cond3A_340 = arith.cmpi ne, %convert_element_type3A_338, %cond3A_339 : i32
      scf.if %cond3A_340 {
        %sub3A = arith.constant 1 : i32
        %sub3A_387 = arith.subi %add3A_326, %sub3A : i32
        %dma_start3A_388 = arith.constant 0 : i32
        %dma_start3A_389 = arith.constant 0 : i32
        %dma_start3A_390 = arith.constant 0 : i32
        %dma_start3A_391 = arith.constant 0 : i32
        %dma_start3A_392 = tpu.memref_slice %arg13[%dma_start3A_388, %dma_start3A_389, %dma_start3A_390, %dma_start3A_391] : memref<8x1x8x129xf32, #tpu.memory_space<vmem>> -> memref<8x1x8x128xf32, #tpu.memory_space<vmem>>
        %dma_start3A_393 = arith.constant 0 : i32
        %dma_start3A_394 = arith.constant 0 : i32
        %dma_start3A_395 = arith.constant 0 : i32
        %dma_start3A_396 = tpu.memref_slice %arg4[%sub3A_387, %dma_start3A_393, %add3A, %dma_start3A_394, %dma_start3A_395] : memref<200x8x32x8x128xf32, #tpu.memory_space<hbm>> -> memref<1x8x1x8x128xf32, #tpu.memory_space<hbm>>
        %dma_start3A_397 = tpu.memref_squeeze %dma_start3A_396 : memref<1x8x1x8x128xf32, #tpu.memory_space<hbm>> -> memref<8x1x8x128xf32, #tpu.memory_space<hbm>>
        %dma_start3A_398 = arith.constant 0 : i32
        %dma_start3A_399 = arith.constant 0 : i32
        %dma_start3A_400 = arith.constant 0 : i32
        %dma_start3A_401 = tpu.memref_slice %arg4[%sub3A_387, %dma_start3A_398, %add3A, %dma_start3A_399, %dma_start3A_400] : memref<200x8x32x8x128xf32, #tpu.memory_space<hbm>> -> memref<1x8x1x8x128xf32, #tpu.memory_space<hbm>>
        %dma_start3A_402 = tpu.memref_squeeze %dma_start3A_401 : memref<1x8x1x8x128xf32, #tpu.memory_space<hbm>> -> memref<8x1x8x128xf32, #tpu.memory_space<hbm>>
        %dma_start3A_403 = arith.constant 0 : i32
        %dma_start3A_404 = arith.constant 0 : i32
        %dma_start3A_405 = arith.constant 0 : i32
        %dma_start3A_406 = arith.constant 0 : i32
        %dma_start3A_407 = tpu.memref_slice %arg13[%dma_start3A_403, %dma_start3A_404, %dma_start3A_405, %dma_start3A_406] : memref<8x1x8x129xf32, #tpu.memory_space<vmem>> -> memref<8x1x8x128xf32, #tpu.memory_space<vmem>>
        tpu.enqueue_dma source(%dma_start3A_407 : memref<8x1x8x128xf32, #tpu.memory_space<vmem>>) target(%dma_start3A_402 : memref<8x1x8x128xf32, #tpu.memory_space<hbm>>) target_semaphore(%arg23 : memref<!tpu.dma_semaphore, #tpu.memory_space<semaphore_mem>>)
      } else {
      }
      %ge3A_341 = arith.constant 5 : i32
      %ge3A_342 = arith.cmpi sge, %add3A_326, %ge3A_341 : i32
      %convert_element_type3A_343 = arith.extui %ge3A_342 : i1 to i32
      %cond3A_344 = arith.constant 0 : i32
      %cond3A_345 = arith.cmpi ne, %convert_element_type3A_343, %cond3A_344 : i32
      scf.if %cond3A_345 {
        %dma_wait3A_387 = arith.constant 0 : i32
        %dma_wait3A_388 = arith.constant 0 : i32
        %dma_wait3A_389 = arith.constant 0 : i32
        %dma_wait3A_390 = arith.constant 0 : i32
        %dma_wait3A_391 = arith.constant 0 : i32
        %dma_wait3A_392 = tpu.memref_slice %arg14[%dma_wait3A_388, %dma_wait3A_389, %dma_wait3A_390, %dma_wait3A_391] : memref<8x1x8x129xf32, #tpu.memory_space<vmem>> -> memref<8x1x8x128xf32, #tpu.memory_space<vmem>>
        %dma_wait3A_393 = arith.constant 0 : i32
        %dma_wait3A_394 = arith.constant 0 : i32
        %dma_wait3A_395 = arith.constant 0 : i32
        %dma_wait3A_396 = arith.constant 0 : i32
        %dma_wait3A_397 = tpu.memref_slice %arg4[%dma_wait3A_387, %dma_wait3A_393, %dma_wait3A_394, %dma_wait3A_395, %dma_wait3A_396] : memref<200x8x32x8x128xf32, #tpu.memory_space<hbm>> -> memref<1x8x1x8x128xf32, #tpu.memory_space<hbm>>
        %dma_wait3A_398 = tpu.memref_squeeze %dma_wait3A_397 : memref<1x8x1x8x128xf32, #tpu.memory_space<hbm>> -> memref<8x1x8x128xf32, #tpu.memory_space<hbm>>
        %dma_wait3A_399 = arith.constant 0 : i32
        %dma_wait3A_400 = arith.constant 0 : i32
        %dma_wait3A_401 = arith.constant 0 : i32
        %dma_wait3A_402 = arith.constant 0 : i32
        %dma_wait3A_403 = tpu.memref_slice %arg4[%dma_wait3A_387, %dma_wait3A_399, %dma_wait3A_400, %dma_wait3A_401, %dma_wait3A_402] : memref<200x8x32x8x128xf32, #tpu.memory_space<hbm>> -> memref<1x8x1x8x128xf32, #tpu.memory_space<hbm>>
        %dma_wait3A_404 = tpu.memref_squeeze %dma_wait3A_403 : memref<1x8x1x8x128xf32, #tpu.memory_space<hbm>> -> memref<8x1x8x128xf32, #tpu.memory_space<hbm>>
        %dma_wait3A_405 = arith.constant 0 : i32
        %dma_wait3A_406 = arith.constant 0 : i32
        %dma_wait3A_407 = arith.constant 0 : i32
        %dma_wait3A_408 = arith.constant 0 : i32
        %dma_wait3A_409 = tpu.memref_slice %arg14[%dma_wait3A_405, %dma_wait3A_406, %dma_wait3A_407, %dma_wait3A_408] : memref<8x1x8x129xf32, #tpu.memory_space<vmem>> -> memref<8x1x8x128xf32, #tpu.memory_space<vmem>>
        tpu.wait_dma2 semaphore(%arg24 : memref<!tpu.dma_semaphore, #tpu.memory_space<semaphore_mem>>) src(%dma_wait3A_409 : memref<8x1x8x128xf32, #tpu.memory_space<vmem>>) dst(%dma_wait3A_404 : memref<8x1x8x128xf32, #tpu.memory_space<hbm>>)
      } else {
      }
      %parallel_loop3A_346 = arith.constant 0 : i32
      %parallel_loop3A_347 = arith.constant 128 : i32
      %parallel_loop3A_348 = arith.constant 1 : i32
      scf.for %parallel_loop3A_387 = %parallel_loop3A_346 to %parallel_loop3A_347 step %parallel_loop3A_348  : i32 {
        %parallel_loop3A_388 = vector.broadcast %parallel_loop3A_387 : i32 to vector<16xi32>
        %parallel_loop3A_389 = arith.addi %mul3A_3, %parallel_loop3A_388 : vector<16xi32>
        %parallel_loop3A_390 = arith.index_cast %parallel_loop3A_387 : i32 to index
        %parallel_loop3A_391 = arith.constant 0 : index
        %parallel_loop3A_392 = tpu.vector_load %arg9[%parallel_loop3A_390, %parallel_loop3A_391] {strides = array<i32>} : memref<128x64xf32, #tpu.memory_space<vmem>>, vector<16xf32>,
        %parallel_loop3A_393 = arith.constant 8.000000e+00 : f32
        %parallel_loop3A_394 = vector.broadcast %parallel_loop3A_393 : f32 to vector<16xf32>
        %parallel_loop3A_395 = arith.mulf %parallel_loop3A_392, %parallel_loop3A_394 : vector<16xf32>
        tpu.vector_store_idx %arg14[%shift_right_arithmetic3A_8, %mul3A_3, %and3A_31, %parallel_loop3A_389], %parallel_loop3A_395 : memref<8x1x8x129xf32, #tpu.memory_space<vmem>>[vector<16xi32>, vector<16xi32>, vector<16xi32>, vector<16xi32>], vector<16xf32>,
        %parallel_loop3A_396 = arith.index_cast %parallel_loop3A_387 : i32 to index
        %parallel_loop3A_397 = arith.constant 16 : index
        %parallel_loop3A_398 = tpu.vector_load %arg9[%parallel_loop3A_396, %parallel_loop3A_397] {strides = array<i32>} : memref<128x64xf32, #tpu.memory_space<vmem>>, vector<16xf32>,
        %parallel_loop3A_399 = arith.constant 8.000000e+00 : f32
        %parallel_loop3A_400 = vector.broadcast %parallel_loop3A_399 : f32 to vector<16xf32>
        %parallel_loop3A_401 = arith.mulf %parallel_loop3A_398, %parallel_loop3A_400 : vector<16xf32>
        tpu.vector_store_idx %arg14[%shift_right_arithmetic3A_14, %mul3A_3, %and3A_37, %parallel_loop3A_389], %parallel_loop3A_401 : memref<8x1x8x129xf32, #tpu.memory_space<vmem>>[vector<16xi32>, vector<16xi32>, vector<16xi32>, vector<16xi32>], vector<16xf32>,
        %parallel_loop3A_402 = arith.index_cast %parallel_loop3A_387 : i32 to index
        %parallel_loop3A_403 = arith.constant 32 : index
        %parallel_loop3A_404 = tpu.vector_load %arg9[%parallel_loop3A_402, %parallel_loop3A_403] {strides = array<i32>} : memref<128x64xf32, #tpu.memory_space<vmem>>, vector<16xf32>,
        %parallel_loop3A_405 = arith.constant 8.000000e+00 : f32
        %parallel_loop3A_406 = vector.broadcast %parallel_loop3A_405 : f32 to vector<16xf32>
        %parallel_loop3A_407 = arith.mulf %parallel_loop3A_404, %parallel_loop3A_406 : vector<16xf32>
        tpu.vector_store_idx %arg14[%shift_right_arithmetic3A_20, %mul3A_3, %and3A_43, %parallel_loop3A_389], %parallel_loop3A_407 : memref<8x1x8x129xf32, #tpu.memory_space<vmem>>[vector<16xi32>, vector<16xi32>, vector<16xi32>, vector<16xi32>], vector<16xf32>,
        %parallel_loop3A_408 = arith.index_cast %parallel_loop3A_387 : i32 to index
        %parallel_loop3A_409 = arith.constant 48 : index
        %parallel_loop3A_410 = tpu.vector_load %arg9[%parallel_loop3A_408, %parallel_loop3A_409] {strides = array<i32>} : memref<128x64xf32, #tpu.memory_space<vmem>>, vector<16xf32>,
        %parallel_loop3A_411 = arith.constant 8.000000e+00 : f32
        %parallel_loop3A_412 = vector.broadcast %parallel_loop3A_411 : f32 to vector<16xf32>
        %parallel_loop3A_413 = arith.mulf %parallel_loop3A_410, %parallel_loop3A_412 : vector<16xf32>
        tpu.vector_store_idx %arg14[%shift_right_arithmetic3A_26, %mul3A_3, %and3A_49, %parallel_loop3A_389], %parallel_loop3A_413 : memref<8x1x8x129xf32, #tpu.memory_space<vmem>>[vector<16xi32>, vector<16xi32>, vector<16xi32>, vector<16xi32>], vector<16xf32>,
      } {sc.loop_unroll_factor = 4 : i64, sc.parallel_access}
      %add3A_349 = arith.constant 5 : i32
      %add3A_350 = arith.addi %add3A_326, %add3A_349 : i32
      %lt3A_351 = arith.constant 200 : i32
      %lt3A_352 = arith.cmpi slt, %add3A_350, %lt3A_351 : i32
      %convert_element_type3A_353 = arith.extui %lt3A_352 : i1 to i32
      %cond3A_354 = arith.constant 0 : i32
      %cond3A_355 = arith.cmpi ne, %convert_element_type3A_353, %cond3A_354 : i32
      scf.if %cond3A_355 {
        %add3A_387 = arith.constant 5 : i32
        %add3A_388 = arith.addi %add3A_326, %add3A_387 : i32
        %jit3A = arith.constant 8 : i32
        %div3A = arith.divsi %add3A_388, %jit3A : i32
        %sign3A = arith.constant 0 : i32
        %sign3A_389 = arith.cmpi sgt, %add3A_388, %sign3A : i32
        %sign3A_390 = arith.extui %sign3A_389 : i1 to i32
        %sign3A_391 = arith.constant 0 : i32
        %sign3A_392 = arith.cmpi slt, %add3A_388, %sign3A_391 : i32
        %sign3A_393 = arith.extui %sign3A_392 : i1 to i32
        %sign3A_394 = arith.subi %sign3A_390, %sign3A_393 : i32
        %sign3A_395 = arith.constant 0 : i32
        %sign3A_396 = arith.cmpi sgt, %jit3A, %sign3A_395 : i32
        %sign3A_397 = arith.extui %sign3A_396 : i1 to i32
        %sign3A_398 = arith.constant 0 : i32
        %sign3A_399 = arith.cmpi slt, %jit3A, %sign3A_398 : i32
        %sign3A_400 = arith.extui %sign3A_399 : i1 to i32
        %sign3A_401 = arith.subi %sign3A_397, %sign3A_400 : i32
        %ne3A = arith.cmpi ne, %sign3A_394, %sign3A_401 : i32
        %rem3A = arith.remsi %add3A_388, %jit3A : i32
        %ne3A_402 = arith.constant 0 : i32
        %ne3A_403 = arith.cmpi ne, %rem3A, %ne3A_402 : i32
        %and3A_404 = arith.andi %ne3A, %ne3A_403 : i1
        %sub3A = arith.constant 1 : i32
        %sub3A_405 = arith.subi %div3A, %sub3A : i32
        %select_n3A = arith.select %and3A_404, %sub3A_405, %div3A : i32
        %jit3A_406 = arith.constant 8 : i32
        %eq3A = arith.constant 0 : i32
        %eq3A_407 = arith.cmpi eq, %jit3A_406, %eq3A : i32
        %jit3A_408 = arith.constant 1 : i32
        %select_n3A_409 = arith.select %eq3A_407, %jit3A_408, %jit3A_406 : i32
        %rem3A_410 = arith.remsi %add3A_388, %select_n3A_409 : i32
        %ne3A_411 = arith.constant 0 : i32
        %ne3A_412 = arith.cmpi ne, %rem3A_410, %ne3A_411 : i32
        %lt3A_413 = arith.constant 0 : i32
        %lt3A_414 = arith.cmpi slt, %rem3A_410, %lt3A_413 : i32
        %lt3A_415 = arith.constant 0 : i32
        %lt3A_416 = arith.cmpi slt, %select_n3A_409, %lt3A_415 : i32
        %ne3A_417 = arith.xori %lt3A_414, %lt3A_416 : i1
        %and3A_418 = arith.andi %ne3A_417, %ne3A_412 : i1
        %add3A_419 = arith.addi %rem3A_410, %select_n3A_409 : i32
        %select_n3A_420 = arith.select %and3A_418, %add3A_419, %rem3A_410 : i32
        %dma_start3A_421 = arith.constant 0 : i32
        %dma_start3A_422 = arith.constant 0 : i32
        %dma_start3A_423 = tpu.memref_slice %arg5[%select_n3A, %dma_start3A_421, %select_n3A_420, %dma_start3A_422] : memref<25x1x8x128xi32, #tpu.memory_space<vmem>> -> memref<1x1x1x128xi32, #tpu.memory_space<vmem>>
        %dma_start3A_424 = tpu.memref_squeeze %dma_start3A_423 : memref<1x1x1x128xi32, #tpu.memory_space<vmem>> -> memref<128xi32, #tpu.memory_space<vmem>>
        %dma_start3A_425 = arith.constant 0 : i32
        %dma_start3A_426 = arith.constant 0 : i32
        %dma_start3A_427 = tpu.memref_slice %arg3[%dma_start3A_425, %dma_start3A_426] : memref<1000000x64xf32, #tpu.memory_space<hbm>> -> memref<1000000x64xf32, #tpu.memory_space<hbm>>
        tpu.enqueue_indirect_dma source(%dma_start3A_427 : memref<1000000x64xf32, #tpu.memory_space<hbm>>) target(%arg9 : memref<128x64xf32, #tpu.memory_space<vmem>>) offsets(%dma_start3A_424 : memref<128xi32, #tpu.memory_space<vmem>>) semaphore(%arg19 : memref<!tpu.dma_semaphore, #tpu.memory_space<semaphore_mem>>)
      } else {
      }
      %add3A_356 = arith.constant 4 : i32
      %add3A_357 = arith.addi %mul3A_236, %add3A_356 : i32
      %dma_wait3A_358 = arith.constant 0 : i32
      %dma_wait3A_359 = arith.constant 0 : i32
      %dma_wait3A_360 = arith.constant 0 : i32
      %dma_wait3A_361 = arith.constant 0 : i32
      %dma_wait3A_362 = tpu.memref_slice %arg5[%dma_wait3A_358, %dma_wait3A_359, %dma_wait3A_360, %dma_wait3A_361] : memref<25x1x8x128xi32, #tpu.memory_space<vmem>> -> memref<1x1x1x128xi32, #tpu.memory_space<vmem>>
      %dma_wait3A_363 = tpu.memref_squeeze %dma_wait3A_362 : memref<1x1x1x128xi32, #tpu.memory_space<vmem>> -> memref<128xi32, #tpu.memory_space<vmem>>
      %dma_wait3A_364 = arith.constant 0 : i32
      %dma_wait3A_365 = arith.constant 0 : i32
      %dma_wait3A_366 = tpu.memref_slice %arg3[%dma_wait3A_364, %dma_wait3A_365] : memref<1000000x64xf32, #tpu.memory_space<hbm>> -> memref<1000000x64xf32, #tpu.memory_space<hbm>>
      tpu.wait_indirect_dma semaphore(%arg20 : memref<!tpu.dma_semaphore, #tpu.memory_space<semaphore_mem>>) src(%dma_wait3A_366 : memref<1000000x64xf32, #tpu.memory_space<hbm>>) dst(%arg10 : memref<128x64xf32, #tpu.memory_space<vmem>>)
      %ge3A_367 = arith.constant 1 : i32
      %ge3A_368 = arith.cmpi sge, %add3A_357, %ge3A_367 : i32
      %convert_element_type3A_369 = arith.extui %ge3A_368 : i1 to i32
      %cond3A_370 = arith.constant 0 : i32
      %cond3A_371 = arith.cmpi ne, %convert_element_type3A_369, %cond3A_370 : i32
      scf.if %cond3A_371 {
        %sub3A = arith.constant 1 : i32
        %sub3A_387 = arith.subi %add3A_357, %sub3A : i32
        %dma_start3A_388 = arith.constant 0 : i32
        %dma_start3A_389 = arith.constant 0 : i32
        %dma_start3A_390 = arith.constant 0 : i32
        %dma_start3A_391 = arith.constant 0 : i32
        %dma_start3A_392 = tpu.memref_slice %arg14[%dma_start3A_388, %dma_start3A_389, %dma_start3A_390, %dma_start3A_391] : memref<8x1x8x129xf32, #tpu.memory_space<vmem>> -> memref<8x1x8x128xf32, #tpu.memory_space<vmem>>
        %dma_start3A_393 = arith.constant 0 : i32
        %dma_start3A_394 = arith.constant 0 : i32
        %dma_start3A_395 = arith.constant 0 : i32
        %dma_start3A_396 = tpu.memref_slice %arg4[%sub3A_387, %dma_start3A_393, %add3A, %dma_start3A_394, %dma_start3A_395] : memref<200x8x32x8x128xf32, #tpu.memory_space<hbm>> -> memref<1x8x1x8x128xf32, #tpu.memory_space<hbm>>
        %dma_start3A_397 = tpu.memref_squeeze %dma_start3A_396 : memref<1x8x1x8x128xf32, #tpu.memory_space<hbm>> -> memref<8x1x8x128xf32, #tpu.memory_space<hbm>>
        %dma_start3A_398 = arith.constant 0 : i32
        %dma_start3A_399 = arith.constant 0 : i32
        %dma_start3A_400 = arith.constant 0 : i32
        %dma_start3A_401 = tpu.memref_slice %arg4[%sub3A_387, %dma_start3A_398, %add3A, %dma_start3A_399, %dma_start3A_400] : memref<200x8x32x8x128xf32, #tpu.memory_space<hbm>> -> memref<1x8x1x8x128xf32, #tpu.memory_space<hbm>>
        %dma_start3A_402 = tpu.memref_squeeze %dma_start3A_401 : memref<1x8x1x8x128xf32, #tpu.memory_space<hbm>> -> memref<8x1x8x128xf32, #tpu.memory_space<hbm>>
        %dma_start3A_403 = arith.constant 0 : i32
        %dma_start3A_404 = arith.constant 0 : i32
        %dma_start3A_405 = arith.constant 0 : i32
        %dma_start3A_406 = arith.constant 0 : i32
        %dma_start3A_407 = tpu.memref_slice %arg14[%dma_start3A_403, %dma_start3A_404, %dma_start3A_405, %dma_start3A_406] : memref<8x1x8x129xf32, #tpu.memory_space<vmem>> -> memref<8x1x8x128xf32, #tpu.memory_space<vmem>>
        tpu.enqueue_dma source(%dma_start3A_407 : memref<8x1x8x128xf32, #tpu.memory_space<vmem>>) target(%dma_start3A_402 : memref<8x1x8x128xf32, #tpu.memory_space<hbm>>) target_semaphore(%arg24 : memref<!tpu.dma_semaphore, #tpu.memory_space<semaphore_mem>>)
      } else {
      }
      %ge3A_372 = arith.constant 5 : i32
      %ge3A_373 = arith.cmpi sge, %add3A_357, %ge3A_372 : i32
      %convert_element_type3A_374 = arith.extui %ge3A_373 : i1 to i32
      %cond3A_375 = arith.constant 0 : i32
      %cond3A_376 = arith.cmpi ne, %convert_element_type3A_374, %cond3A_375 : i32
      scf.if %cond3A_376 {
        %dma_wait3A_387 = arith.constant 0 : i32
        %dma_wait3A_388 = arith.constant 0 : i32
        %dma_wait3A_389 = arith.constant 0 : i32
        %dma_wait3A_390 = arith.constant 0 : i32
        %dma_wait3A_391 = arith.constant 0 : i32
        %dma_wait3A_392 = tpu.memref_slice %arg15[%dma_wait3A_388, %dma_wait3A_389, %dma_wait3A_390, %dma_wait3A_391] : memref<8x1x8x129xf32, #tpu.memory_space<vmem>> -> memref<8x1x8x128xf32, #tpu.memory_space<vmem>>
        %dma_wait3A_393 = arith.constant 0 : i32
        %dma_wait3A_394 = arith.constant 0 : i32
        %dma_wait3A_395 = arith.constant 0 : i32
        %dma_wait3A_396 = arith.constant 0 : i32
        %dma_wait3A_397 = tpu.memref_slice %arg4[%dma_wait3A_387, %dma_wait3A_393, %dma_wait3A_394, %dma_wait3A_395, %dma_wait3A_396] : memref<200x8x32x8x128xf32, #tpu.memory_space<hbm>> -> memref<1x8x1x8x128xf32, #tpu.memory_space<hbm>>
        %dma_wait3A_398 = tpu.memref_squeeze %dma_wait3A_397 : memref<1x8x1x8x128xf32, #tpu.memory_space<hbm>> -> memref<8x1x8x128xf32, #tpu.memory_space<hbm>>
        %dma_wait3A_399 = arith.constant 0 : i32
        %dma_wait3A_400 = arith.constant 0 : i32
        %dma_wait3A_401 = arith.constant 0 : i32
        %dma_wait3A_402 = arith.constant 0 : i32
        %dma_wait3A_403 = tpu.memref_slice %arg4[%dma_wait3A_387, %dma_wait3A_399, %dma_wait3A_400, %dma_wait3A_401, %dma_wait3A_402] : memref<200x8x32x8x128xf32, #tpu.memory_space<hbm>> -> memref<1x8x1x8x128xf32, #tpu.memory_space<hbm>>
        %dma_wait3A_404 = tpu.memref_squeeze %dma_wait3A_403 : memref<1x8x1x8x128xf32, #tpu.memory_space<hbm>> -> memref<8x1x8x128xf32, #tpu.memory_space<hbm>>
        %dma_wait3A_405 = arith.constant 0 : i32
        %dma_wait3A_406 = arith.constant 0 : i32
        %dma_wait3A_407 = arith.constant 0 : i32
        %dma_wait3A_408 = arith.constant 0 : i32
        %dma_wait3A_409 = tpu.memref_slice %arg15[%dma_wait3A_405, %dma_wait3A_406, %dma_wait3A_407, %dma_wait3A_408] : memref<8x1x8x129xf32, #tpu.memory_space<vmem>> -> memref<8x1x8x128xf32, #tpu.memory_space<vmem>>
        tpu.wait_dma2 semaphore(%arg25 : memref<!tpu.dma_semaphore, #tpu.memory_space<semaphore_mem>>) src(%dma_wait3A_409 : memref<8x1x8x128xf32, #tpu.memory_space<vmem>>) dst(%dma_wait3A_404 : memref<8x1x8x128xf32, #tpu.memory_space<hbm>>)
      } else {
      }
      %parallel_loop3A_377 = arith.constant 0 : i32
      %parallel_loop3A_378 = arith.constant 128 : i32
      %parallel_loop3A_379 = arith.constant 1 : i32
      scf.for %parallel_loop3A_387 = %parallel_loop3A_377 to %parallel_loop3A_378 step %parallel_loop3A_379  : i32 {
        %parallel_loop3A_388 = vector.broadcast %parallel_loop3A_387 : i32 to vector<16xi32>
        %parallel_loop3A_389 = arith.addi %mul3A_3, %parallel_loop3A_388 : vector<16xi32>
        %parallel_loop3A_390 = arith.index_cast %parallel_loop3A_387 : i32 to index
        %parallel_loop3A_391 = arith.constant 0 : index
        %parallel_loop3A_392 = tpu.vector_load %arg10[%parallel_loop3A_390, %parallel_loop3A_391] {strides = array<i32>} : memref<128x64xf32, #tpu.memory_space<vmem>>, vector<16xf32>,
        %parallel_loop3A_393 = arith.constant 8.000000e+00 : f32
        %parallel_loop3A_394 = vector.broadcast %parallel_loop3A_393 : f32 to vector<16xf32>
        %parallel_loop3A_395 = arith.mulf %parallel_loop3A_392, %parallel_loop3A_394 : vector<16xf32>
        tpu.vector_store_idx %arg15[%shift_right_arithmetic3A_8, %mul3A_3, %and3A_31, %parallel_loop3A_389], %parallel_loop3A_395 : memref<8x1x8x129xf32, #tpu.memory_space<vmem>>[vector<16xi32>, vector<16xi32>, vector<16xi32>, vector<16xi32>], vector<16xf32>,
        %parallel_loop3A_396 = arith.index_cast %parallel_loop3A_387 : i32 to index
        %parallel_loop3A_397 = arith.constant 16 : index
        %parallel_loop3A_398 = tpu.vector_load %arg10[%parallel_loop3A_396, %parallel_loop3A_397] {strides = array<i32>} : memref<128x64xf32, #tpu.memory_space<vmem>>, vector<16xf32>,
        %parallel_loop3A_399 = arith.constant 8.000000e+00 : f32
        %parallel_loop3A_400 = vector.broadcast %parallel_loop3A_399 : f32 to vector<16xf32>
        %parallel_loop3A_401 = arith.mulf %parallel_loop3A_398, %parallel_loop3A_400 : vector<16xf32>
        tpu.vector_store_idx %arg15[%shift_right_arithmetic3A_14, %mul3A_3, %and3A_37, %parallel_loop3A_389], %parallel_loop3A_401 : memref<8x1x8x129xf32, #tpu.memory_space<vmem>>[vector<16xi32>, vector<16xi32>, vector<16xi32>, vector<16xi32>], vector<16xf32>,
        %parallel_loop3A_402 = arith.index_cast %parallel_loop3A_387 : i32 to index
        %parallel_loop3A_403 = arith.constant 32 : index
        %parallel_loop3A_404 = tpu.vector_load %arg10[%parallel_loop3A_402, %parallel_loop3A_403] {strides = array<i32>} : memref<128x64xf32, #tpu.memory_space<vmem>>, vector<16xf32>,
        %parallel_loop3A_405 = arith.constant 8.000000e+00 : f32
        %parallel_loop3A_406 = vector.broadcast %parallel_loop3A_405 : f32 to vector<16xf32>
        %parallel_loop3A_407 = arith.mulf %parallel_loop3A_404, %parallel_loop3A_406 : vector<16xf32>
        tpu.vector_store_idx %arg15[%shift_right_arithmetic3A_20, %mul3A_3, %and3A_43, %parallel_loop3A_389], %parallel_loop3A_407 : memref<8x1x8x129xf32, #tpu.memory_space<vmem>>[vector<16xi32>, vector<16xi32>, vector<16xi32>, vector<16xi32>], vector<16xf32>,
        %parallel_loop3A_408 = arith.index_cast %parallel_loop3A_387 : i32 to index
        %parallel_loop3A_409 = arith.constant 48 : index
        %parallel_loop3A_410 = tpu.vector_load %arg10[%parallel_loop3A_408, %parallel_loop3A_409] {strides = array<i32>} : memref<128x64xf32, #tpu.memory_space<vmem>>, vector<16xf32>,
        %parallel_loop3A_411 = arith.constant 8.000000e+00 : f32
        %parallel_loop3A_412 = vector.broadcast %parallel_loop3A_411 : f32 to vector<16xf32>
        %parallel_loop3A_413 = arith.mulf %parallel_loop3A_410, %parallel_loop3A_412 : vector<16xf32>
        tpu.vector_store_idx %arg15[%shift_right_arithmetic3A_26, %mul3A_3, %and3A_49, %parallel_loop3A_389], %parallel_loop3A_413 : memref<8x1x8x129xf32, #tpu.memory_space<vmem>>[vector<16xi32>, vector<16xi32>, vector<16xi32>, vector<16xi32>], vector<16xf32>,
      } {sc.loop_unroll_factor = 4 : i64, sc.parallel_access}
      %add3A_380 = arith.constant 5 : i32
      %add3A_381 = arith.addi %add3A_357, %add3A_380 : i32
      %lt3A_382 = arith.constant 200 : i32
      %lt3A_383 = arith.cmpi slt, %add3A_381, %lt3A_382 : i32
      %convert_element_type3A_384 = arith.extui %lt3A_383 : i1 to i32
      %cond3A_385 = arith.constant 0 : i32
      %cond3A_386 = arith.cmpi ne, %convert_element_type3A_384, %cond3A_385 : i32
      scf.if %cond3A_386 {
        %add3A_387 = arith.constant 5 : i32
        %add3A_388 = arith.addi %add3A_357, %add3A_387 : i32
        %jit3A = arith.constant 8 : i32
        %div3A = arith.divsi %add3A_388, %jit3A : i32
        %sign3A = arith.constant 0 : i32
        %sign3A_389 = arith.cmpi sgt, %add3A_388, %sign3A : i32
        %sign3A_390 = arith.extui %sign3A_389 : i1 to i32
        %sign3A_391 = arith.constant 0 : i32
        %sign3A_392 = arith.cmpi slt, %add3A_388, %sign3A_391 : i32
        %sign3A_393 = arith.extui %sign3A_392 : i1 to i32
        %sign3A_394 = arith.subi %sign3A_390, %sign3A_393 : i32
        %sign3A_395 = arith.constant 0 : i32
        %sign3A_396 = arith.cmpi sgt, %jit3A, %sign3A_395 : i32
        %sign3A_397 = arith.extui %sign3A_396 : i1 to i32
        %sign3A_398 = arith.constant 0 : i32
        %sign3A_399 = arith.cmpi slt, %jit3A, %sign3A_398 : i32
        %sign3A_400 = arith.extui %sign3A_399 : i1 to i32
        %sign3A_401 = arith.subi %sign3A_397, %sign3A_400 : i32
        %ne3A = arith.cmpi ne, %sign3A_394, %sign3A_401 : i32
        %rem3A = arith.remsi %add3A_388, %jit3A : i32
        %ne3A_402 = arith.constant 0 : i32
        %ne3A_403 = arith.cmpi ne, %rem3A, %ne3A_402 : i32
        %and3A_404 = arith.andi %ne3A, %ne3A_403 : i1
        %sub3A = arith.constant 1 : i32
        %sub3A_405 = arith.subi %div3A, %sub3A : i32
        %select_n3A = arith.select %and3A_404, %sub3A_405, %div3A : i32
        %jit3A_406 = arith.constant 8 : i32
        %eq3A = arith.constant 0 : i32
        %eq3A_407 = arith.cmpi eq, %jit3A_406, %eq3A : i32
        %jit3A_408 = arith.constant 1 : i32
        %select_n3A_409 = arith.select %eq3A_407, %jit3A_408, %jit3A_406 : i32
        %rem3A_410 = arith.remsi %add3A_388, %select_n3A_409 : i32
        %ne3A_411 = arith.constant 0 : i32
        %ne3A_412 = arith.cmpi ne, %rem3A_410, %ne3A_411 : i32
        %lt3A_413 = arith.constant 0 : i32
        %lt3A_414 = arith.cmpi slt, %rem3A_410, %lt3A_413 : i32
        %lt3A_415 = arith.constant 0 : i32
        %lt3A_416 = arith.cmpi slt, %select_n3A_409, %lt3A_415 : i32
        %ne3A_417 = arith.xori %lt3A_414, %lt3A_416 : i1
        %and3A_418 = arith.andi %ne3A_417, %ne3A_412 : i1
        %add3A_419 = arith.addi %rem3A_410, %select_n3A_409 : i32
        %select_n3A_420 = arith.select %and3A_418, %add3A_419, %rem3A_410 : i32
        %dma_start3A_421 = arith.constant 0 : i32
        %dma_start3A_422 = arith.constant 0 : i32
        %dma_start3A_423 = tpu.memref_slice %arg5[%select_n3A, %dma_start3A_421, %select_n3A_420, %dma_start3A_422] : memref<25x1x8x128xi32, #tpu.memory_space<vmem>> -> memref<1x1x1x128xi32, #tpu.memory_space<vmem>>
        %dma_start3A_424 = tpu.memref_squeeze %dma_start3A_423 : memref<1x1x1x128xi32, #tpu.memory_space<vmem>> -> memref<128xi32, #tpu.memory_space<vmem>>
        %dma_start3A_425 = arith.constant 0 : i32
        %dma_start3A_426 = arith.constant 0 : i32
        %dma_start3A_427 = tpu.memref_slice %arg3[%dma_start3A_425, %dma_start3A_426] : memref<1000000x64xf32, #tpu.memory_space<hbm>> -> memref<1000000x64xf32, #tpu.memory_space<hbm>>
        tpu.enqueue_indirect_dma source(%dma_start3A_427 : memref<1000000x64xf32, #tpu.memory_space<hbm>>) target(%arg10 : memref<128x64xf32, #tpu.memory_space<vmem>>) offsets(%dma_start3A_424 : memref<128xi32, #tpu.memory_space<vmem>>) semaphore(%arg20 : memref<!tpu.dma_semaphore, #tpu.memory_space<semaphore_mem>>)
      } else {
      }
    }
    %scan3A_98 = arith.constant 40 : i32
    %dma_start3A_99 = arith.constant 199 : i32
    %dma_start3A_100 = arith.constant 0 : i32
    %dma_start3A_101 = arith.constant 0 : i32
    %dma_start3A_102 = arith.constant 0 : i32
    %dma_start3A_103 = arith.constant 0 : i32
    %dma_start3A_104 = tpu.memref_slice %arg15[%dma_start3A_100, %dma_start3A_101, %dma_start3A_102, %dma_start3A_103] : memref<8x1x8x129xf32, #tpu.memory_space<vmem>> -> memref<8x1x8x128xf32, #tpu.memory_space<vmem>>
    %dma_start3A_105 = arith.constant 0 : i32
    %dma_start3A_106 = arith.constant 0 : i32
    %dma_start3A_107 = arith.constant 0 : i32
    %dma_start3A_108 = tpu.memref_slice %arg4[%dma_start3A_99, %dma_start3A_105, %add3A, %dma_start3A_106, %dma_start3A_107] : memref<200x8x32x8x128xf32, #tpu.memory_space<hbm>> -> memref<1x8x1x8x128xf32, #tpu.memory_space<hbm>>
    %dma_start3A_109 = tpu.memref_squeeze %dma_start3A_108 : memref<1x8x1x8x128xf32, #tpu.memory_space<hbm>> -> memref<8x1x8x128xf32, #tpu.memory_space<hbm>>
    %dma_start3A_110 = arith.constant 0 : i32
    %dma_start3A_111 = arith.constant 0 : i32
    %dma_start3A_112 = arith.constant 0 : i32
    %dma_start3A_113 = tpu.memref_slice %arg4[%dma_start3A_99, %dma_start3A_110, %add3A, %dma_start3A_111, %dma_start3A_112] : memref<200x8x32x8x128xf32, #tpu.memory_space<hbm>> -> memref<1x8x1x8x128xf32, #tpu.memory_space<hbm>>
    %dma_start3A_114 = tpu.memref_squeeze %dma_start3A_113 : memref<1x8x1x8x128xf32, #tpu.memory_space<hbm>> -> memref<8x1x8x128xf32, #tpu.memory_space<hbm>>
    %dma_start3A_115 = arith.constant 0 : i32
    %dma_start3A_116 = arith.constant 0 : i32
    %dma_start3A_117 = arith.constant 0 : i32
    %dma_start3A_118 = arith.constant 0 : i32
    %dma_start3A_119 = tpu.memref_slice %arg15[%dma_start3A_115, %dma_start3A_116, %dma_start3A_117, %dma_start3A_118] : memref<8x1x8x129xf32, #tpu.memory_space<vmem>> -> memref<8x1x8x128xf32, #tpu.memory_space<vmem>>
    tpu.enqueue_dma source(%dma_start3A_119 : memref<8x1x8x128xf32, #tpu.memory_space<vmem>>) target(%dma_start3A_114 : memref<8x1x8x128xf32, #tpu.memory_space<hbm>>) target_semaphore(%arg25 : memref<!tpu.dma_semaphore, #tpu.memory_space<semaphore_mem>>)
    %dma_wait3A = arith.constant 0 : i32
    %dma_wait3A_120 = arith.constant 0 : i32
    %dma_wait3A_121 = arith.constant 0 : i32
    %dma_wait3A_122 = arith.constant 0 : i32
    %dma_wait3A_123 = arith.constant 0 : i32
    %dma_wait3A_124 = tpu.memref_slice %arg11[%dma_wait3A_120, %dma_wait3A_121, %dma_wait3A_122, %dma_wait3A_123] : memref<8x1x8x129xf32, #tpu.memory_space<vmem>> -> memref<8x1x8x128xf32, #tpu.memory_space<vmem>>
    %dma_wait3A_125 = arith.constant 0 : i32
    %dma_wait3A_126 = arith.constant 0 : i32
    %dma_wait3A_127 = arith.constant 0 : i32
    %dma_wait3A_128 = arith.constant 0 : i32
    %dma_wait3A_129 = tpu.memref_slice %arg4[%dma_wait3A, %dma_wait3A_125, %dma_wait3A_126, %dma_wait3A_127, %dma_wait3A_128] : memref<200x8x32x8x128xf32, #tpu.memory_space<hbm>> -> memref<1x8x1x8x128xf32, #tpu.memory_space<hbm>>
    %dma_wait3A_130 = tpu.memref_squeeze %dma_wait3A_129 : memref<1x8x1x8x128xf32, #tpu.memory_space<hbm>> -> memref<8x1x8x128xf32, #tpu.memory_space<hbm>>
    %dma_wait3A_131 = arith.constant 0 : i32
    %dma_wait3A_132 = arith.constant 0 : i32
    %dma_wait3A_133 = arith.constant 0 : i32
    %dma_wait3A_134 = arith.constant 0 : i32
    %dma_wait3A_135 = tpu.memref_slice %arg4[%dma_wait3A, %dma_wait3A_131, %dma_wait3A_132, %dma_wait3A_133, %dma_wait3A_134] : memref<200x8x32x8x128xf32, #tpu.memory_space<hbm>> -> memref<1x8x1x8x128xf32, #tpu.memory_space<hbm>>
    %dma_wait3A_136 = tpu.memref_squeeze %dma_wait3A_135 : memref<1x8x1x8x128xf32, #tpu.memory_space<hbm>> -> memref<8x1x8x128xf32, #tpu.memory_space<hbm>>
    %dma_wait3A_137 = arith.constant 0 : i32
    %dma_wait3A_138 = arith.constant 0 : i32
    %dma_wait3A_139 = arith.constant 0 : i32
    %dma_wait3A_140 = arith.constant 0 : i32
    %dma_wait3A_141 = tpu.memref_slice %arg11[%dma_wait3A_137, %dma_wait3A_138, %dma_wait3A_139, %dma_wait3A_140] : memref<8x1x8x129xf32, #tpu.memory_space<vmem>> -> memref<8x1x8x128xf32, #tpu.memory_space<vmem>>
    tpu.wait_dma2 semaphore(%arg21 : memref<!tpu.dma_semaphore, #tpu.memory_space<semaphore_mem>>) src(%dma_wait3A_141 : memref<8x1x8x128xf32, #tpu.memory_space<vmem>>) dst(%dma_wait3A_136 : memref<8x1x8x128xf32, #tpu.memory_space<hbm>>)
    %dma_wait3A_142 = arith.constant 0 : i32
    %dma_wait3A_143 = arith.constant 0 : i32
    %dma_wait3A_144 = arith.constant 0 : i32
    %dma_wait3A_145 = arith.constant 0 : i32
    %dma_wait3A_146 = arith.constant 0 : i32
    %dma_wait3A_147 = tpu.memref_slice %arg12[%dma_wait3A_143, %dma_wait3A_144, %dma_wait3A_145, %dma_wait3A_146] : memref<8x1x8x129xf32, #tpu.memory_space<vmem>> -> memref<8x1x8x128xf32, #tpu.memory_space<vmem>>
    %dma_wait3A_148 = arith.constant 0 : i32
    %dma_wait3A_149 = arith.constant 0 : i32
    %dma_wait3A_150 = arith.constant 0 : i32
    %dma_wait3A_151 = arith.constant 0 : i32
    %dma_wait3A_152 = tpu.memref_slice %arg4[%dma_wait3A_142, %dma_wait3A_148, %dma_wait3A_149, %dma_wait3A_150, %dma_wait3A_151] : memref<200x8x32x8x128xf32, #tpu.memory_space<hbm>> -> memref<1x8x1x8x128xf32, #tpu.memory_space<hbm>>
    %dma_wait3A_153 = tpu.memref_squeeze %dma_wait3A_152 : memref<1x8x1x8x128xf32, #tpu.memory_space<hbm>> -> memref<8x1x8x128xf32, #tpu.memory_space<hbm>>
    %dma_wait3A_154 = arith.constant 0 : i32
    %dma_wait3A_155 = arith.constant 0 : i32
    %dma_wait3A_156 = arith.constant 0 : i32
    %dma_wait3A_157 = arith.constant 0 : i32
    %dma_wait3A_158 = tpu.memref_slice %arg4[%dma_wait3A_142, %dma_wait3A_154, %dma_wait3A_155, %dma_wait3A_156, %dma_wait3A_157] : memref<200x8x32x8x128xf32, #tpu.memory_space<hbm>> -> memref<1x8x1x8x128xf32, #tpu.memory_space<hbm>>
    %dma_wait3A_159 = tpu.memref_squeeze %dma_wait3A_158 : memref<1x8x1x8x128xf32, #tpu.memory_space<hbm>> -> memref<8x1x8x128xf32, #tpu.memory_space<hbm>>
    %dma_wait3A_160 = arith.constant 0 : i32
    %dma_wait3A_161 = arith.constant 0 : i32
    %dma_wait3A_162 = arith.constant 0 : i32
    %dma_wait3A_163 = arith.constant 0 : i32
    %dma_wait3A_164 = tpu.memref_slice %arg12[%dma_wait3A_160, %dma_wait3A_161, %dma_wait3A_162, %dma_wait3A_163] : memref<8x1x8x129xf32, #tpu.memory_space<vmem>> -> memref<8x1x8x128xf32, #tpu.memory_space<vmem>>
    tpu.wait_dma2 semaphore(%arg22 : memref<!tpu.dma_semaphore, #tpu.memory_space<semaphore_mem>>) src(%dma_wait3A_164 : memref<8x1x8x128xf32, #tpu.memory_space<vmem>>) dst(%dma_wait3A_159 : memref<8x1x8x128xf32, #tpu.memory_space<hbm>>)
    %dma_wait3A_165 = arith.constant 0 : i32
    %dma_wait3A_166 = arith.constant 0 : i32
    %dma_wait3A_167 = arith.constant 0 : i32
    %dma_wait3A_168 = arith.constant 0 : i32
    %dma_wait3A_169 = arith.constant 0 : i32
    %dma_wait3A_170 = tpu.memref_slice %arg13[%dma_wait3A_166, %dma_wait3A_167, %dma_wait3A_168, %dma_wait3A_169] : memref<8x1x8x129xf32, #tpu.memory_space<vmem>> -> memref<8x1x8x128xf32, #tpu.memory_space<vmem>>
    %dma_wait3A_171 = arith.constant 0 : i32
    %dma_wait3A_172 = arith.constant 0 : i32
    %dma_wait3A_173 = arith.constant 0 : i32
    %dma_wait3A_174 = arith.constant 0 : i32
    %dma_wait3A_175 = tpu.memref_slice %arg4[%dma_wait3A_165, %dma_wait3A_171, %dma_wait3A_172, %dma_wait3A_173, %dma_wait3A_174] : memref<200x8x32x8x128xf32, #tpu.memory_space<hbm>> -> memref<1x8x1x8x128xf32, #tpu.memory_space<hbm>>
    %dma_wait3A_176 = tpu.memref_squeeze %dma_wait3A_175 : memref<1x8x1x8x128xf32, #tpu.memory_space<hbm>> -> memref<8x1x8x128xf32, #tpu.memory_space<hbm>>
    %dma_wait3A_177 = arith.constant 0 : i32
    %dma_wait3A_178 = arith.constant 0 : i32
    %dma_wait3A_179 = arith.constant 0 : i32
    %dma_wait3A_180 = arith.constant 0 : i32
    %dma_wait3A_181 = tpu.memref_slice %arg4[%dma_wait3A_165, %dma_wait3A_177, %dma_wait3A_178, %dma_wait3A_179, %dma_wait3A_180] : memref<200x8x32x8x128xf32, #tpu.memory_space<hbm>> -> memref<1x8x1x8x128xf32, #tpu.memory_space<hbm>>
    %dma_wait3A_182 = tpu.memref_squeeze %dma_wait3A_181 : memref<1x8x1x8x128xf32, #tpu.memory_space<hbm>> -> memref<8x1x8x128xf32, #tpu.memory_space<hbm>>
    %dma_wait3A_183 = arith.constant 0 : i32
    %dma_wait3A_184 = arith.constant 0 : i32
    %dma_wait3A_185 = arith.constant 0 : i32
    %dma_wait3A_186 = arith.constant 0 : i32
    %dma_wait3A_187 = tpu.memref_slice %arg13[%dma_wait3A_183, %dma_wait3A_184, %dma_wait3A_185, %dma_wait3A_186] : memref<8x1x8x129xf32, #tpu.memory_space<vmem>> -> memref<8x1x8x128xf32, #tpu.memory_space<vmem>>
    tpu.wait_dma2 semaphore(%arg23 : memref<!tpu.dma_semaphore, #tpu.memory_space<semaphore_mem>>) src(%dma_wait3A_187 : memref<8x1x8x128xf32, #tpu.memory_space<vmem>>) dst(%dma_wait3A_182 : memref<8x1x8x128xf32, #tpu.memory_space<hbm>>)
    %dma_wait3A_188 = arith.constant 0 : i32
    %dma_wait3A_189 = arith.constant 0 : i32
    %dma_wait3A_190 = arith.constant 0 : i32
    %dma_wait3A_191 = arith.constant 0 : i32
    %dma_wait3A_192 = arith.constant 0 : i32
    %dma_wait3A_193 = tpu.memref_slice %arg14[%dma_wait3A_189, %dma_wait3A_190, %dma_wait3A_191, %dma_wait3A_192] : memref<8x1x8x129xf32, #tpu.memory_space<vmem>> -> memref<8x1x8x128xf32, #tpu.memory_space<vmem>>
    %dma_wait3A_194 = arith.constant 0 : i32
    %dma_wait3A_195 = arith.constant 0 : i32
    %dma_wait3A_196 = arith.constant 0 : i32
    %dma_wait3A_197 = arith.constant 0 : i32
    %dma_wait3A_198 = tpu.memref_slice %arg4[%dma_wait3A_188, %dma_wait3A_194, %dma_wait3A_195, %dma_wait3A_196, %dma_wait3A_197] : memref<200x8x32x8x128xf32, #tpu.memory_space<hbm>> -> memref<1x8x1x8x128xf32, #tpu.memory_space<hbm>>
    %dma_wait3A_199 = tpu.memref_squeeze %dma_wait3A_198 : memref<1x8x1x8x128xf32, #tpu.memory_space<hbm>> -> memref<8x1x8x128xf32, #tpu.memory_space<hbm>>
    %dma_wait3A_200 = arith.constant 0 : i32
    %dma_wait3A_201 = arith.constant 0 : i32
    %dma_wait3A_202 = arith.constant 0 : i32
    %dma_wait3A_203 = arith.constant 0 : i32
    %dma_wait3A_204 = tpu.memref_slice %arg4[%dma_wait3A_188, %dma_wait3A_200, %dma_wait3A_201, %dma_wait3A_202, %dma_wait3A_203] : memref<200x8x32x8x128xf32, #tpu.memory_space<hbm>> -> memref<1x8x1x8x128xf32, #tpu.memory_space<hbm>>
    %dma_wait3A_205 = tpu.memref_squeeze %dma_wait3A_204 : memref<1x8x1x8x128xf32, #tpu.memory_space<hbm>> -> memref<8x1x8x128xf32, #tpu.memory_space<hbm>>
    %dma_wait3A_206 = arith.constant 0 : i32
    %dma_wait3A_207 = arith.constant 0 : i32
    %dma_wait3A_208 = arith.constant 0 : i32
    %dma_wait3A_209 = arith.constant 0 : i32
    %dma_wait3A_210 = tpu.memref_slice %arg14[%dma_wait3A_206, %dma_wait3A_207, %dma_wait3A_208, %dma_wait3A_209] : memref<8x1x8x129xf32, #tpu.memory_space<vmem>> -> memref<8x1x8x128xf32, #tpu.memory_space<vmem>>
    tpu.wait_dma2 semaphore(%arg24 : memref<!tpu.dma_semaphore, #tpu.memory_space<semaphore_mem>>) src(%dma_wait3A_210 : memref<8x1x8x128xf32, #tpu.memory_space<vmem>>) dst(%dma_wait3A_205 : memref<8x1x8x128xf32, #tpu.memory_space<hbm>>)
    %dma_wait3A_211 = arith.constant 0 : i32
    %dma_wait3A_212 = arith.constant 0 : i32
    %dma_wait3A_213 = arith.constant 0 : i32
    %dma_wait3A_214 = arith.constant 0 : i32
    %dma_wait3A_215 = arith.constant 0 : i32
    %dma_wait3A_216 = tpu.memref_slice %arg15[%dma_wait3A_212, %dma_wait3A_213, %dma_wait3A_214, %dma_wait3A_215] : memref<8x1x8x129xf32, #tpu.memory_space<vmem>> -> memref<8x1x8x128xf32, #tpu.memory_space<vmem>>
    %dma_wait3A_217 = arith.constant 0 : i32
    %dma_wait3A_218 = arith.constant 0 : i32
    %dma_wait3A_219 = arith.constant 0 : i32
    %dma_wait3A_220 = arith.constant 0 : i32
    %dma_wait3A_221 = tpu.memref_slice %arg4[%dma_wait3A_211, %dma_wait3A_217, %dma_wait3A_218, %dma_wait3A_219, %dma_wait3A_220] : memref<200x8x32x8x128xf32, #tpu.memory_space<hbm>> -> memref<1x8x1x8x128xf32, #tpu.memory_space<hbm>>
    %dma_wait3A_222 = tpu.memref_squeeze %dma_wait3A_221 : memref<1x8x1x8x128xf32, #tpu.memory_space<hbm>> -> memref<8x1x8x128xf32, #tpu.memory_space<hbm>>
    %dma_wait3A_223 = arith.constant 0 : i32
    %dma_wait3A_224 = arith.constant 0 : i32
    %dma_wait3A_225 = arith.constant 0 : i32
    %dma_wait3A_226 = arith.constant 0 : i32
    %dma_wait3A_227 = tpu.memref_slice %arg4[%dma_wait3A_211, %dma_wait3A_223, %dma_wait3A_224, %dma_wait3A_225, %dma_wait3A_226] : memref<200x8x32x8x128xf32, #tpu.memory_space<hbm>> -> memref<1x8x1x8x128xf32, #tpu.memory_space<hbm>>
    %dma_wait3A_228 = tpu.memref_squeeze %dma_wait3A_227 : memref<1x8x1x8x128xf32, #tpu.memory_space<hbm>> -> memref<8x1x8x128xf32, #tpu.memory_space<hbm>>
    %dma_wait3A_229 = arith.constant 0 : i32
    %dma_wait3A_230 = arith.constant 0 : i32
    %dma_wait3A_231 = arith.constant 0 : i32
    %dma_wait3A_232 = arith.constant 0 : i32
    %dma_wait3A_233 = tpu.memref_slice %arg15[%dma_wait3A_229, %dma_wait3A_230, %dma_wait3A_231, %dma_wait3A_232] : memref<8x1x8x129xf32, #tpu.memory_space<vmem>> -> memref<8x1x8x128xf32, #tpu.memory_space<vmem>>
    tpu.wait_dma2 semaphore(%arg25 : memref<!tpu.dma_semaphore, #tpu.memory_space<semaphore_mem>>) src(%dma_wait3A_233 : memref<8x1x8x128xf32, #tpu.memory_space<vmem>>) dst(%dma_wait3A_228 : memref<8x1x8x128xf32, #tpu.memory_space<hbm>>)
    return
  }
}

</mosaic_0001>

<sc_bundles>
// kernel: kernel.3.cloned.1.call-start
scs
__scs_entry_jumppad:
0x0: {  	(pc) =	sbr.rel $0x88, $3  }
0x1: {  	(tag) =	ssettag $0x0;
	lr =	simm.s32 $0x1  }
0x2: {  	[smem:$0x3F9F] =	sst lr;
	_ =	strace $0xD0000000  }
0x3: {  	_ = 	snop  }
0x4: {  	_ = 	snop  }
0x5: {  	_ = 	snop  }
0x6: {  	_ = 	snop  }
0x7: {  	_ = 	snop  }
__scs_overlays_trampoline_lowered:
0x8: {  	[smem:$0x3FAE] =	sst s0  }
0x9: {  	[smem:$0x3FAF] =	sst s1  }
0xa: {  	[smem:$0x3FB0] =	sst s2  }
0xb: {  	[smem:$0x3FB1] =	sst s3  }
0xc: {  	[smem:$0x3FB2] =	sst s4  }
0xd: {  	[smem:$0x3FB3] =	sst s5  }
0xe: {  	[smem:$0x3FB4] =	sst s6  }
0xf: {  	[smem:$0x3FB5] =	sst s7  }
0x10: {  	[smem:$0x3FB6] =	sst s8  }
0x11: {  	[smem:$0x3FB7] =	sst s9;
	s0 =	simm.s32 @!p0 $0x0  }
0x12: {  	s1 =	sld [smem:$0x3F9D];
	s0 =	simm.s32 @p0 $0x1  }
0x13: {  	[smem:$0x3FB8] =	sst s0;
	s0 =	simm.s32 @!p1 $0x0  }
0x14: {  	s2 =	sld [smem:$0x3F9C];
	s0 =	simm.s32 @p1 $0x1  }
0x15: {  	[smem:$0x3FB9] =	sst s0;
	s0 =	simm.s32 @!p2 $0x0  }
0x16: {  	s3 =	sld [smem:$0x3FDB];
	s0 =	simm.s32 @p2 $0x1  }
0x17: {  	s4 =	simm.s32 $0x1BF5;
	[smem:$0x3FBB] =	sst s0  }
0x18: {  	s0 =	sld [smem:$0x3F9E];
	_ =	swait.ge [sflag:s4], $0x0  }
0x19: {  	s7 =	sld [smem:$0x3F9F]  }
0x1a: {  	s8 =	sadd.s32 $0xFFFFE003, lr  }
0x1b: {  	s9 =	sadd.s32 $0xFFFFFEF7, lr;
	s5 =	simm.s32 $0xFFFFFFFF;
	p2 =	slt.u32 s8, $0xFFFFF086  }
0x1c: {  	p1 =	slt.u32 s9, $0xF7A;
	s5 =	simm.s32 @!p2 $0x0  }
0x1d: {  	s5 =	simm.s32 @p1 $0x1;
	p0 =	seq.s32 s7, s2  }
0x1e: {  	s7 =	smul.u32 @!p0 $0xF7A, s2;
	p2 =	seq.s32 @!p0 s5, $0x0  }
0x1f: {  	s9 =	smul.u32 $0xF7A, s1;
	s8 =	simm.s32 @!p0 $0x1BF5;
	p2 =	por !p2, p0  }
0x20: {  	[sflag:s8] =	ssyncset.s32 @!p0 $0xFFFFF086;
	s6 =	sadd.s32 @!p0 s3, s7;
	s7 =	simm.s32 @!p0 $0x108  }
0x21: {  	s3 =	sadd.s32 s3, s9;
	s6 =	sadd.s32 @!p0 $0x88, s6;
	s7 =	simm.s32 @p2 $0x1082  }
0x22: {  	[simem:s7], [sflag:s8] =	dma.local @!p0 [hbm:s6], $0xF7A  }
0x23: {  	s9 =	sor.u32 $0xD0000000, s2;
	s6 =	simm.s32 $0x108;
	_ =	swait.ge @!p0 [sflag:s8], $0x0  }
0x24: {  	s3 =	sadd.s32 $0x88, s3;
	s6 =	simm.s32 @!p1 $0x1082;
	[sflag:s4] =	ssyncset.s32 $0xFFFFF086  }
0x25: {  	[simem:s6], [sflag:s4] =	dma.local [hbm:s3], $0xF7A  }
0x26: {  	[smem:$0x3F9F] =	sst s1;
	(tag) =	ssettag s2;
	_ =	strace s9  }
0x27: {  	s1 =	sld [smem:$0x3FAF]  }
0x28: {  	s2 =	sld [smem:$0x3FB0]  }
0x29: {  	s4 =	sld [smem:$0x3FB2]  }
0x2a: {  	p0 =	seq.s32 s5, $0x0;
	s5 =	sld [smem:$0x3FB3]  }
0x2b: {  	s6 =	sld [smem:$0x3FB4]  }
0x2c: {  	s7 =	sld [smem:$0x3FB5]  }
0x2d: {  	s3 =	simm.s32 $0x108;
	s8 =	sld [smem:$0x3FB6]  }
0x2e: {  	s3 =	simm.s32 @!p0 $0x1082;
	s9 =	sld [smem:$0x3FB7]  }
0x2f: {  	lr =	sadd.s32 s0, s3;
	s0 =	sld [smem:$0x3FAE]  }
0x30: {  	s3 =	sld [smem:$0x3FB1]  }
0x31: {  	[smem:$0x3FBA] =	sst s10  }
0x32: {  	s10 =	sld [smem:$0x3FB8];
	_ =	sdelay $0x3  }
0x33: {  	p0 =	seq.s32 s10, $0x1;
	s10 =	sld [smem:$0x3FBA];
	_ =	sdelay $0x3  }
0x34: {  	[smem:$0x3FBA] =	sst s10  }
0x35: {  	s10 =	sld [smem:$0x3FB9];
	_ =	sdelay $0x3  }
0x36: {  	p1 =	seq.s32 s10, $0x1;
	s10 =	sld [smem:$0x3FBA];
	_ =	sdelay $0x3  }
0x37: {  	[smem:$0x3FBA] =	sst s10  }
0x38: {  	s10 =	sld [smem:$0x3FBB]  }
0x39: {  	_ = 	snop;
	(pc) =	sbr.ind lr, $3  }
0x3a: {  	_ = 	snop  }
0x3b: {  	_ = 	snop  }
0x3c: {  	p2 =	seq.s32 s10, $0x1;
	s10 =	sld [smem:$0x3FBA]  }
0x3d: {  	_ =	shalt  }
0x3e: {  	_ =	shalt  }
0x3f: {  	_ =	shalt  }
0x40: {  	_ =	shalt  }
0x41: {  	_ =	shalt  }
0x42: {  	_ =	shalt  }
0x43: {  	_ =	shalt  }
0x44: {  	_ =	shalt  }
0x45: {  	_ =	shalt  }
0x46: {  	_ =	shalt  }
0x47: {  	_ =	shalt  }
0x48: {  	_ =	shalt  }
0x49: {  	_ =	shalt  }
0x4a: {  	_ =	shalt  }
0x4b: {  	_ =	shalt  }
0x4c: {  	_ =	shalt  }
0x4d: {  	_ =	shalt  }
0x4e: {  	_ =	shalt  }
0x4f: {  	_ =	shalt  }
0x50: {  	_ =	shalt  }
0x51: {  	_ =	shalt  }
0x52: {  	_ =	shalt  }
0x53: {  	_ =	shalt  }
0x54: {  	_ =	shalt  }
0x55: {  	_ =	shalt  }
0x56: {  	_ =	shalt  }
0x57: {  	_ =	shalt  }
0x58: {  	_ =	shalt  }
0x59: {  	_ =	shalt  }
0x5a: {  	_ =	shalt  }
0x5b: {  	_ =	shalt  }
0x5c: {  	_ =	shalt  }
0x5d: {  	_ =	shalt  }
0x5e: {  	_ =	shalt  }
0x5f: {  	_ =	shalt  }
0x60: {  	_ =	shalt  }
0x61: {  	_ =	shalt  }
0x62: {  	_ =	shalt  }
0x63: {  	_ =	shalt  }
0x64: {  	_ =	shalt  }
0x65: {  	_ =	shalt  }
0x66: {  	_ =	shalt  }
0x67: {  	_ =	shalt  }
0x68: {  	_ =	shalt  }
0x69: {  	_ =	shalt  }
0x6a: {  	_ =	shalt  }
0x6b: {  	_ =	shalt  }
0x6c: {  	_ =	shalt  }
0x6d: {  	_ =	shalt  }
0x6e: {  	_ =	shalt  }
0x6f: {  	_ =	shalt  }
0x70: {  	_ =	shalt  }
0x71: {  	_ =	shalt  }
0x72: {  	_ =	shalt  }
0x73: {  	_ =	shalt  }
0x74: {  	_ =	shalt  }
0x75: {  	_ =	shalt  }
0x76: {  	_ =	shalt  }
0x77: {  	_ =	shalt  }
0x78: {  	_ =	shalt  }
0x79: {  	_ =	shalt  }
0x7a: {  	_ =	shalt  }
0x7b: {  	_ =	shalt  }
0x7c: {  	_ =	shalt  }
0x7d: {  	_ =	shalt  }
0x7e: {  	_ =	shalt  }
0x7f: {  	_ =	shalt  }
0x80: {  	_ =	shalt  }
0x81: {  	_ =	shalt  }
0x82: {  	_ =	shalt  }
0x83: {  	_ =	shalt  }
0x84: {  	_ =	shalt  }
0x85: {  	_ =	shalt  }
0x86: {  	_ =	shalt  }
0x87: {  	_ =	shalt  }
.Lfunc_end0:
.L_simem_size_0:
called_computation_lowered:
.L_overlay_start_0:
0x88: {  	s2 =	sld [smem:$0x3FD9]  }
0x89: {  	s3 =	sld [smem:$0x3FFE];
	_ =	sdelay $0x1  }
0x8a: {  	s1 =	srdreg.scid  }
0x8b: {  	s0 =	sand.u32 $0x1, s1  }
0x8c: {  	s17 =	sshll.u32 s0, $0xA;
	s2 =	sadd.s32 s3, s2  }
0x8d: {  	s2 =	sadd.s32 s2, s17  }
0x8e: {  	[smem:$0x3FC6] =	sst s2  }
0x8f: {  	_ = 	snop  }
0x90: {  	s2 =	sld [smem:$0x3FC9]  }
0x91: {  	s18 =	sld [smem:$0x3FD0];
	(tm) =	ssettm $0x1  }
0x92: {  	s4 =	sld [smem:$0x3FFB];
	_ =	sdelay $0x3  }
0x93: {  	_ =	strace s4  }
0x94: {  	s4 =	sld [smem:$0x3FFC];
	_ =	sdelay $0x3  }
0x95: {  	_ =	strace s4  }
0x96: {  	s4 =	sld [smem:$0x3FFD];
	_ =	sdelay $0x3  }
0x97: {  	_ =	strace s4  }
0x98: {  	_ =	strace $0x8FFFFFFF  }
0x99: {  	s19 =	sld [smem:$0x3FDB];
	_ =	sdelay $0x1  }
0x9a: {  	s5 =	simm.s32 $_scs_section_size  }
0x9b: {  	s6 =	simm.s32 $_size__tile_overlayer_lowered;
	s7 =	simm.s32 $_tile_overlayer_lowered  }
0x9c: {  	s22 =	simm.s32 $0x1BFF;
	s21 =	sshll.u32 s7, $0x1;
	s4 =	sadd.s32 s5, s19  }
0x9d: {  	s8 =	simm.s32 $0x0;
	s20 =	sshll.u32 s6, $0x1;
	s6 =	sadd.s32 s21, s4  }
0x9e: {  	[timem:s8], [sflag:s22] =	dma.local [hbm:s6], s20  }
0x9f: {  	_ =	swait.ge [sflag:s22], s20  }
0xa0: {  	s5 =	ssub.s32 $0x0, s20;
	[sflag:s22] =	ssyncset.done $0x0  }
0xa1: {  	[sflag:s22] =	ssyncadd.s32 s5;
	_ =	sdelay $0x1  }
0xa2: {  	s23 =	simm.s32 $0x1B8B  }
0xa3: {  	_ =	swait.ge [sflag:s23], $0x1  }
0xa4: {  	[sflag:s23] =	ssyncset.done $0x0  }
0xa5: {  	s25 =	simm.s32 $0x1B8E;
	s24 =	sld [smem:$0x3FFE];
	[sflag:s23] =	ssyncadd.s32 $0xFFFFFFFF  }
0xa6: {  	s26 =	simm.s32 $execute0_lowered;
	[smem:$0x3FD2] =	sst s25  }
0xa7: {  	s6 =	sshll.u32 s26, $0x1;
	_ =	strace $0x80000046;
	[dreg:$0x1] =	wrdreg $0xFFFFFFFF  }
0xa8: {  	s28 =	simm.s32 $_size_execute0_lowered;
	s4 =	sadd.s32 s4, s6;
	[dreg:$0x0] =	wrdreg $0x0  }
0xa9: {  	s6 =	sshll.u32 s28, $0x1;
	[dreg:$0x2] =	wrdreg s4  }
0xaa: {  	[dreg:$0x3] =	wrdreg s6  }
0xab: {  	[dreg:$0x4] =	wrdreg $0xC0  }
0xac: {  	_ =	task [dreg:s8], $0x5FFFF  }
0xad: {  	[dreg:$0x1] =	wrdreg $0xFFFFFFFF  }
0xae: {  	[dreg:$0x0] =	wrdreg $0x60  }
0xaf: {  	[dreg:$0x2] =	wrdreg s2  }
0xb0: {  	[dreg:$0x3] =	wrdreg s24  }
0xb1: {  	[dreg:$0x4] =	wrdreg s18  }
0xb2: {  	[dreg:$0x5] =	wrdreg $0x9  }
0xb3: {  	_ =	task.clear_ibuf [dreg:s8], $0x6FFFF;
	_ =	strace $0x90000046  }
0xb4: {  	s29 =	simm.s32 $0x9;
	_ =	strace $0x80000048  }
0xb5: {  	_ =	swait.ge [sflag:s29], $0x1  }
0xb6: {  	[sflag:s29] =	ssyncadd.s32 $0xFFFFFFFF  }
0xb7: {  	_ =	strace $0x90000048  }
0xb8: {  	_ =	sfence  }
0xb9: {  	s30 =	sld [smem:$0x0];
	_ =	sdelay $0x2  }
0xba: {  	s31 =	sshll.u32 s1, $0xD;
	s1 =	sshrl.u32 s1, $0x2  }
0xbb: {  	s3 =	sand.u32 $0x4000, s31;
	s1 =	sadd.s32 s1, s30  }
0xbc: {  	s0 =	sor.u32 s3, s0;
	s1 =	sshll.u32 s1, $0x11  }
0xbd: {  	s0 =	sor.u32 s1, s0  }
0xbe: {  	s0 =	sadd.s32 $0x8F2B, s0  }
0xbf: {  	[sflag:s0] =	ssyncadd.remote.s32 $0x1  }
0xc0: {  	_ =	sfence.sel $0xFFFF  }
0xc1: {  	[dreg:$0x0] =	wrdreg $0xFFFFFFFF;
	(pc) =	sbr.abs _section_cstart, $3  }
0xc2: {  	[dreg:$0x1] =	wrdreg $0xFFFFFFFF  }
0xc3: {  	_ =	task.clear_ibuf [dreg:s8], $0x2FFFF;
	_ =	strace $0x9FFFFFFF  }
0xc4: {  	(tm) =	ssettm $0x7FFFFFFF  }
0xc5: {  	_ =	shalt  }
tec
execute0_lowered:
.L_overlay_start_1:
0x0: {  	(tag) =	ssettag $0x1  }
0x1: {  	s0 =	rddreg [dreg:$0x0]  }
0x2: {  	s2 =	rddreg [dreg:$0x1]  }
0x3: {  	s1 =	rddreg [dreg:$0x2];
	s3 =	simm.s32 $0x0;
	s4 =	srdreg.scid  }
0x4: {  	s5 =	stileid.u32;
	s16 =	simm.s32 $0x80;
	s28 =	simm.s32 $0x2  }
0x5: {  	s29 =	simm.s32 $0x12600;
	s30 =	simm.s32 $0x3;
	s31 =	simm.s32 $0x14800  }
0x6: {  	s13 =	simm.s32 $0x5;
	s14 =	simm.s32 $0x18C00;
	s17 =	simm.s32 $0x6  }
0x7: {  	s12 =	simm.s32 $0x0;
	[smem:$0x7FF] =	sst s3;
	s4 =	sand.u32 $0x1, s4  }
0x8: {  	s5 =	sshll.u32 s5, $0xB;
	s6 =	ssub.s32 $0x2, s4;
	s4 =	sshll.u32 s4, $0xA  }
0x9: {  	_ =	strace $0x80000047;
	s7 =	sshrl.u32 s6, $0x1;
	s4 =	sor.u32 s4, s5  }
0xa: {  	s5 =	sadd.s32 $0xF42800, s2;
	s2 =	simm.s32 $0x16A00;
	s23 =	ssub.s32 s6, s7  }
0xb: {  	s24 =	sshrl.u32 s4, $0x3;
	s7 =	sor.u32 $0xFFFC0000, s4;
	s8 =	sor.u32 $0x40000, s4  }
0xc: {  	v0 =	vlaneseq.u32;
	s9 =	sor.u32 $0x80000, s4;
	s10 =	sor.u32 $0xC0000, s4;
	s0 =	sadd.s32 s0, s24  }
0xd: {  	v0 =	vmul.u32 $0x88, v0;
	s25 =	sadd.s32 s24, s1;
	s26 =	smax.u32 s23, $0x1;
	[dreg:$0x4] =	wrdreg s0  }
0xe: {  	s0 =	sadd.s32 $0x638000, s25;
	[dreg:$0x6] =	wrdreg s26;
	s25 =	simm.s32 $0x1  }
0xf: {  	v1 =	vadd.s32 $0x880, v0;
	v2 =	vadd.s32 $0x1100, v0;
	v3 =	vadd.s32 $0x1980, v0;
	s26 =	simm.s32 $0x10400;
	[dreg:$0x5] =	wrdreg s0;
	s0 =	simm.s32 $0x4  }
.LBB2_1:
0x10: {  	[dreg:$0x7] =	wrdreg s12  }
0x11: {  	s6 =	rddreg [dreg:$0x4]  }
0x12: {  	s11 =	simm.s32 $0x400;
	s24 =	simm.s32 $0x8000;
	s12 =	simm.s32 $0xB  }
0x13: {  	[tilespmem:s3], [sflag:$0xB] =	stream.strided.gather [hbm4b:s6+s11], $0x6400, s24, s11, $0x38;
	[tilespmem:$0x1AE00] =	vst v63  }
0x14: {  	_ =	swait.ge [sflag:s12], $0x6400  }
0x15: {  	[sflag:s12] =	ssyncset.done $0x0  }
0x16: {  	s15 =	simm.s32 $0x6400;
	[sflag:s12] =	ssyncadd.s32 $0xFFFF9C00  }
0x17: {  	[tilespmem:s15], [sflag:$0x1] =	stream.indirect.gather [hbm4b:s5+s16], $0x40, s3, s16, $0xb8;
	[tilespmem:$0x1AE00] =	vst v63  }
0x18: {  	s18 =	simm.s32 $0x8400  }
0x19: {  	[tilespmem:s18], [sflag:$0x2] =	stream.indirect.gather [hbm4b:s5+s16], $0x40, s16, s16, $0xb8;
	[tilespmem:$0x1AE00] =	vst v63  }
0x1a: {  	s19 =	simm.s32 $0x100;
	s20 =	simm.s32 $0xA400  }
0x1b: {  	[tilespmem:s20], [sflag:$0x3] =	stream.indirect.gather [hbm4b:s5+s16], $0x40, s19, s16, $0xb8;
	[tilespmem:$0x1AE00] =	vst v63  }
0x1c: {  	s21 =	simm.s32 $0x180;
	s22 =	simm.s32 $0xC400  }
0x1d: {  	[tilespmem:s22], [sflag:$0x4] =	stream.indirect.gather [hbm4b:s5+s16], $0x40, s21, s16, $0xb8;
	[tilespmem:$0x1AE00] =	vst v63  }
0x1e: {  	s23 =	simm.s32 $0x200;
	s24 =	simm.s32 $0xE400  }
0x1f: {  	[tilespmem:s24], [sflag:$0x5] =	stream.indirect.gather [hbm4b:s5+s16], $0x40, s23, s16, $0xb8;
	[tilespmem:$0x1AE00] =	vst v63  }
0x20: {  	s23 =	simm.s32 $0x0  }
.LBB2_2:
0x21: {  	p0 =	seq.s32 s23, $0x0  }
.Ltmp0:
0x22: {  	_ = 	snop;
	(pc) =	sbr.rel @p0 .LBB2_6-.Ltmp0, $4  }
0x23: {  	_ = 	snop  }
0x24: {  	_ =	swait.ge [sflag:s25], $0x2000  }
0x25: {  	[sflag:s25] =	ssyncset.done $0x0  }
0x26: {  	[sflag:s25] =	ssyncadd.s32 $0xFFFFE000  }
0x27: {  	s6 =	smul.u32 $0x140000, s23;
	_ =	sdelay $0x1  }
0x28: {  	s6 =	sadd.s32 s7, s6  }
0x29: {  	s6 =	sshrl.u32 s6, $0x3  }
0x2a: {  	s19 =	simm.s32 $0x18C00;
	s12 =	sadd.s32 s1, s6  }
0x2b: {  	[hbm4b:s12+s3] =	stream.linear.scatter [tilespmem:s19], [sflag:$0xA], $0x80, $0x38;
	[tilespmem:$0x1AE00] =	vst v63  }
0x2c: {  	s20 =	simm.s32 $0x18C88;
	s15 =	sadd.s32 $0x10, s12  }
0x2d: {  	[hbm4b:s15+s3] =	stream.linear.scatter [tilespmem:s20], [sflag:$0xA], $0x80, $0x38;
	[tilespmem:$0x1AE00] =	vst v63  }
0x2e: {  	s21 =	simm.s32 $0x18D10;
	s24 =	simm.s32 $0x18D98;
	s22 =	sadd.s32 $0x20, s12  }
0x2f: {  	[hbm4b:s22+s3] =	stream.linear.scatter [tilespmem:s21], [sflag:$0xA], $0x80, $0x38;
	[tilespmem:$0x1AE00] =	vst v63  }
0x30: {  	s18 =	simm.s32 $0x18E20;
	s6 =	simm.s32 $0x440;
	s11 =	sadd.s32 $0x30, s12  }
0x31: {  	[hbm4b:s11+s3] =	stream.linear.scatter [tilespmem:s24], [sflag:$0xA], $0x80, $0x38;
	[tilespmem:$0x1AE00] =	vst v63  }
0x32: {  	s19 =	sadd.s32 $0x40, s12;
	s20 =	simm.s32 $0x18EA8;
	s15 =	simm.s32 $0x2200  }
0x33: {  	[hbm4b:s19+s3] =	stream.linear.scatter [tilespmem:s18], [sflag:$0xA], $0x80, $0x38;
	[tilespmem:$0x1AE00] =	vst v63  }
0x34: {  	s21 =	sadd.s32 $0x50, s12;
	s22 =	simm.s32 $0x18F30;
	s24 =	sadd.s32 $0x60, s12  }
0x35: {  	[hbm4b:s21+s3] =	stream.linear.scatter [tilespmem:s20], [sflag:$0xA], $0x80, $0x38;
	[tilespmem:$0x1AE00] =	vst v63  }
0x36: {  	s18 =	simm.s32 $0x18FB8;
	s19 =	sadd.s32 $0x70, s12;
	s12 =	sadd.s32 $0x1000, s12  }
0x37: {  	[hbm4b:s24+s3] =	stream.linear.scatter [tilespmem:s22], [sflag:$0xA], $0x80, $0x38;
	[tilespmem:$0x1AE00] =	vst v63  }
.LBB2_4:
0x38: {  	[hbm4b:s19+s3] =	stream.linear.scatter [tilespmem:s18], [sflag:$0xA], $0x80, $0x38;
	[tilespmem:$0x1AE00] =	vst v63  }
0x39: {  	s18 =	smov.u32 s6;
	s6 =	smov.u32 s15  }
0x3a: {  	s20 =	sadd.s32 $0x1100, s15;
	s6 =	sshra.s32 s6, $0x2;
	s19 =	sadd.s32 $0x18C00, s18  }
0x3b: {  	[hbm4b:s12+s3] =	stream.linear.scatter [tilespmem:s19], [sflag:$0xA], $0x80, $0x38;
	[tilespmem:$0x1AE00] =	vst v63  }
0x3c: {  	p1 =	sne.s32 s15, $0x7700;
	s15 =	sadd.s32 $0x18C88, s18;
	s19 =	sadd.s32 $0x10, s12  }
0x3d: {  	[hbm4b:s19+s3] =	stream.linear.scatter [tilespmem:s15], [sflag:$0xA], $0x80, $0x38;
	[tilespmem:$0x1AE00] =	vst v63  }
0x3e: {  	s15 =	sadd.s32 $0x18D10, s18;
	s19 =	sadd.s32 $0x20, s12  }
0x3f: {  	[hbm4b:s19+s3] =	stream.linear.scatter [tilespmem:s15], [sflag:$0xA], $0x80, $0x38;
	[tilespmem:$0x1AE00] =	vst v63  }
0x40: {  	s15 =	sadd.s32 $0x18D98, s18;
	s19 =	sadd.s32 $0x30, s12  }
0x41: {  	[hbm4b:s19+s3] =	stream.linear.scatter [tilespmem:s15], [sflag:$0xA], $0x80, $0x38;
	[tilespmem:$0x1AE00] =	vst v63  }
0x42: {  	s15 =	sadd.s32 $0x18E20, s18;
	s19 =	sadd.s32 $0x40, s12  }
0x43: {  	[hbm4b:s19+s3] =	stream.linear.scatter [tilespmem:s15], [sflag:$0xA], $0x80, $0x38;
	[tilespmem:$0x1AE00] =	vst v63  }
.Ltmp1:
0x44: {  	s15 =	sadd.s32 $0x18EA8, s18;
	s19 =	sadd.s32 $0x50, s12;
	(pc) =	sbr.rel @p1 .LBB2_4-.Ltmp1, $4  }
0x45: {  	[hbm4b:s19+s3] =	stream.linear.scatter [tilespmem:s15], [sflag:$0xA], $0x80, $0x38;
	[tilespmem:$0x1AE00] =	vst v63  }
0x46: {  	s15 =	sadd.s32 $0x18F30, s18;
	s19 =	sadd.s32 $0x60, s12;
	s18 =	sadd.s32 $0x18FB8, s18  }
0x47: {  	[hbm4b:s19+s3] =	stream.linear.scatter [tilespmem:s15], [sflag:$0xA], $0x80, $0x38;
	[tilespmem:$0x1AE00] =	vst v63  }
0x48: {  	s19 =	sadd.s32 $0x70, s12;
	s12 =	sadd.s32 $0x1000, s12;
	s15 =	smov.u32 s20  }
0x49: {  	[hbm4b:s19+s3] =	stream.linear.scatter [tilespmem:s18], [sflag:$0xA], $0x80, $0x38;
	[tilespmem:$0x1AE00] =	vst v63  }
0x4a: {  	s15 =	sadd.s32 $0x18C00, s6  }
0x4b: {  	[hbm4b:s12+s3] =	stream.linear.scatter [tilespmem:s15], [sflag:$0xA], $0x80, $0x38;
	[tilespmem:$0x1AE00] =	vst v63  }
0x4c: {  	s24 =	sadd.s32 $0x18C88, s6;
	s11 =	sadd.s32 $0x10, s12  }
0x4d: {  	[hbm4b:s11+s3] =	stream.linear.scatter [tilespmem:s24], [sflag:$0xA], $0x80, $0x38;
	[tilespmem:$0x1AE00] =	vst v63  }
0x4e: {  	s19 =	sadd.s32 $0x18D10, s6;
	s20 =	sadd.s32 $0x20, s12  }
0x4f: {  	[hbm4b:s20+s3] =	stream.linear.scatter [tilespmem:s19], [sflag:$0xA], $0x80, $0x38;
	[tilespmem:$0x1AE00] =	vst v63  }
0x50: {  	s21 =	sadd.s32 $0x18D98, s6;
	s22 =	sadd.s32 $0x30, s12  }
0x51: {  	[hbm4b:s22+s3] =	stream.linear.scatter [tilespmem:s21], [sflag:$0xA], $0x80, $0x38;
	[tilespmem:$0x1AE00] =	vst v63  }
0x52: {  	s24 =	sadd.s32 $0x18E20, s6;
	s11 =	sadd.s32 $0x40, s12  }
0x53: {  	[hbm4b:s11+s3] =	stream.linear.scatter [tilespmem:s24], [sflag:$0xA], $0x80, $0x38;
	[tilespmem:$0x1AE00] =	vst v63  }
0x54: {  	s18 =	sadd.s32 $0x18EA8, s6;
	s19 =	sadd.s32 $0x50, s12  }
0x55: {  	[hbm4b:s19+s3] =	stream.linear.scatter [tilespmem:s18], [sflag:$0xA], $0x80, $0x38;
	[tilespmem:$0x1AE00] =	vst v63  }
0x56: {  	s20 =	sadd.s32 $0x18F30, s6;
	s21 =	sadd.s32 $0x60, s12  }
0x57: {  	[hbm4b:s21+s3] =	stream.linear.scatter [tilespmem:s20], [sflag:$0xA], $0x80, $0x38;
	[tilespmem:$0x1AE00] =	vst v63  }
0x58: {  	s22 =	sadd.s32 $0x18FB8, s6;
	s24 =	sadd.s32 $0x70, s12  }
0x59: {  	[hbm4b:s24+s3] =	stream.linear.scatter [tilespmem:s22], [sflag:$0xA], $0x80, $0x38;
	[tilespmem:$0x1AE00] =	vst v63  }
0x5a: {  	_ =	swait.ge [sflag:s17], $0x2000  }
0x5b: {  	[sflag:s17] =	ssyncset.done $0x0  }
0x5c: {  	[sflag:s17] =	ssyncadd.s32 $0xFFFFE000  }
.LBB2_6:
0x5d: {  	s6 =	simm.s32 $0x6480;
	s12 =	simm.s32 $0x3  }
0x5e: {  	v4 =	vmov s12;
	v5 =	vld [tilespmem:s6+$0x40]  }
0x5f: {  	v9 =	vand.u32 $0x7F, v4  }
0x60: {  	s19 =	simm.s32 $0x0;
	v4 =	vadd.s32 v0, v9  }
0x61: {  	s20 =	simm.s32 $0x1;
	s15 =	simm.s32 $0x2;
	v6 =	vmov s19;
	v7 =	vld [tilespmem:s6+$0xFFFFFF80]  }
0x62: {  	v10 =	vld [tilespmem:s6+$0xFFFFFFC0];
	v11 =	vmov s15;
	v8 =	vand.u32 $0x7C, v6;
	v6 =	vmov s20  }
0x63: {  	v12 =	vadd.s32 v0, v8;
	v15 =	vand.u32 $0x7D, v6;
	v6 =	vld [tilespmem:s6+$0x0];
	v5 =	vmul.f32 $8.000000000e+00, v5  }
0x64: {  	v17 =	vand.u32 $0x7E, v11;
	v13 =	vadd.s32 v0, v15  }
0x65: {  	v11 =	vadd.s32 v0, v17;
	[tilespmem:v4+s26+$0x0] =	vst.idx.msk $0xffff, v5  }
0x66: {  	v4 =	vmul.f32 $8.000000000e+00, v7;
	v5 =	vld [tilespmem:s6+$0x50]  }
0x67: {  	v7 =	vmul.f32 $8.000000000e+00, v10  }
0x68: {  	[tilespmem:v12+s26+$0x0] =	vst.idx.msk $0xffff, v4;
	v4 =	vmul.f32 $8.000000000e+00, v6;
	v6 =	vadd.s32 v1, v9  }
0x69: {  	[tilespmem:v13+s26+$0x0] =	vst.idx.msk $0xffff, v7;
	v10 =	vld [tilespmem:s6+$0xFFFFFF90]  }
0x6a: {  	v7 =	vld [tilespmem:s6+$0xFFFFFFD0];
	[tilespmem:v11+s26+$0x0] =	vst.idx.msk $0xffff, v4  }
0x6b: {  	v11 =	vld [tilespmem:s6+$0x10];
	v4 =	vmul.f32 $8.000000000e+00, v5  }
0x6c: {  	s21 =	simm.s32 $0x4;
	s18 =	simm.s32 $0x7;
	s12 =	simm.s32 $0x6580;
	v12 =	vadd.s32 v1, v15  }
0x6d: {  	v14 =	vld [tilespmem:s12+$0x40];
	v13 =	vadd.s32 v1, v17;
	v5 =	vmov s21;
	[tilespmem:v6+s26+$0x0] =	vst.idx.msk $0xffff, v4;
	v6 =	vmov s18  }
0x6e: {  	v16 =	vadd.s32 v1, v8;
	v4 =	vand.u32 $0x7C, v5;
	v5 =	vand.u32 $0x7F, v6;
	v18 =	vld [tilespmem:s6+$0x60]  }
0x6f: {  	s22 =	simm.s32 $0x5;
	v19 =	vld [tilespmem:s12+$0xFFFFFF80];
	v22 =	vadd.s32 v2, v9;
	v6 =	vmul.f32 $8.000000000e+00, v7;
	v20 =	vadd.s32 v0, v5  }
0x70: {  	s24 =	simm.s32 $0x6;
	v21 =	vld [tilespmem:s12+$0xFFFFFFC0];
	v10 =	vmul.f32 $8.000000000e+00, v10;
	v7 =	vmul.f32 $8.000000000e+00, v11;
	v11 =	vmov s22  }
0x71: {  	v23 =	vadd.s32 v0, v4;
	[tilespmem:v12+s26+$0x0] =	vst.idx.msk $0xffff, v6;
	v12 =	vmov s24;
	v6 =	vand.u32 $0x7D, v11;
	v11 =	vld [tilespmem:s12+$0x0]  }
0x72: {  	[tilespmem:v13+s26+$0x0] =	vst.idx.msk $0xffff, v7;
	v13 =	vadd.s32 v0, v6;
	v7 =	vand.u32 $0x7E, v12;
	v12 =	vmul.f32 $8.000000000e+00, v14;
	v14 =	vld [tilespmem:s6+$0xFFFFFFE0]  }
0x73: {  	[tilespmem:v16+s26+$0x0] =	vst.idx.msk $0xffff, v10;
	v10 =	vadd.s32 v0, v7;
	v16 =	vld [tilespmem:s6+$0x20];
	v18 =	vmul.f32 $8.000000000e+00, v18  }
0x74: {  	v19 =	vmul.f32 $8.000000000e+00, v19;
	[tilespmem:v20+s26+$0x0] =	vst.idx.msk $0xffff, v12;
	v12 =	vld [tilespmem:s6+$0xFFFFFFA0];
	v20 =	vadd.s32 v2, v15  }
0x75: {  	v25 =	vadd.s32 v2, v17;
	v21 =	vmul.f32 $8.000000000e+00, v21;
	v24 =	vld [tilespmem:s12+$0x50];
	[tilespmem:v22+s26+$0x0] =	vst.idx.msk $0xffff, v18  }
0x76: {  	[tilespmem:v23+s26+$0x0] =	vst.idx.msk $0xffff, v19;
	v19 =	vadd.s32 v2, v8;
	v11 =	vmul.f32 $8.000000000e+00, v11;
	v22 =	vld [tilespmem:s6+$0x70]  }
0x77: {  	v23 =	vld [tilespmem:s12+$0xFFFFFF90];
	[tilespmem:v13+s26+$0x0] =	vst.idx.msk $0xffff, v21;
	v21 =	vadd.s32 v1, v5;
	v14 =	vmul.f32 $8.000000000e+00, v14  }
0x78: {  	v27 =	vadd.s32 v3, v9;
	v26 =	vld [tilespmem:s12+$0xFFFFFFD0];
	[tilespmem:v10+s26+$0x0] =	vst.idx.msk $0xffff, v11;
	v10 =	vmul.f32 $8.000000000e+00, v16  }
0x79: {  	v18 =	vadd.s32 v1, v4;
	v13 =	vld [tilespmem:s12+$0x10];
	v9 =	vmul.f32 $8.000000000e+00, v12;
	[tilespmem:v20+s26+$0x0] =	vst.idx.msk $0xffff, v14  }
0x7a: {  	s18 =	simm.s32 $0x8;
	v16 =	vadd.s32 v1, v6;
	[tilespmem:v25+s26+$0x0] =	vst.idx.msk $0xffff, v10;
	v14 =	vmul.f32 $8.000000000e+00, v24;
	v12 =	vld [tilespmem:s6+$0xFFFFFFF0]  }
0x7b: {  	v20 =	vmov s18;
	v10 =	vadd.s32 v1, v7;
	v11 =	vld [tilespmem:s6+$0x30];
	[tilespmem:v19+s26+$0x0] =	vst.idx.msk $0xffff, v9;
	v63 =	vmul.f32 $8.000000000e+00, v22  }
0x7c: {  	s19 =	simm.s32 $0xB;
	s15 =	simm.s32 $0x6680;
	v15 =	vadd.s32 v3, v15;
	v9 =	vand.u32 $0x7C, v20;
	v20 =	vmul.f32 $8.000000000e+00, v23;
	[tilespmem:v21+s26+$0x0] =	vst.idx.msk $0xffff, v14;
	v14 =	vld [tilespmem:s6+$0xFFFFFFB0]  }
0x7d: {  	v17 =	vadd.s32 v3, v17;
	v22 =	vmov s19;
	v19 =	vld [tilespmem:s15+$0x40];
	s19 =	simm.s32 $0xC;
	s6 =	smul.u32 $0x5, s23;
	v21 =	vmul.f32 $8.000000000e+00, v26;
	[tilespmem:v27+s26+$0x0] =	vst.idx.msk $0xffff, v63  }
.LBB2_7:
0x7e: {  	p1 =	slt.u32 s19, $0x7C;
	s20 =	sadd.s32 $0x1, s18;
	v22 =	vand.u32 $0x7F, v22;
	[tilespmem:v18+s26+$0x0] =	vst.idx.msk $0xffff, v20;
	v13 =	vmul.f32 $8.000000000e+00, v13;
	v18 =	vld [tilespmem:s12+$0x60];
	v20 =	vadd.s32 v3, v8;
	v8 =	vmovc v4  }
0x7f: {  	v4 =	vmovc v9;
	v23 =	vld [tilespmem:s15+$0xFFFFFF80];
	v24 =	vmov s20;
	s20 =	sadd.s32 $0x2, s18;
	v25 =	vadd.s32 v0, v22;
	[tilespmem:v16+s26+$0x0] =	vst.idx.msk $0xffff, v21;
	v12 =	vmul.f32 $8.000000000e+00, v12;
	s18 =	smov.u32 s19  }
0x80: {  	v9 =	vld [tilespmem:s15+$0xFFFFFFC0];
	v16 =	vmov s20;
	[tilespmem:v10+s26+$0x0] =	vst.idx.msk $0xffff, v13;
	v10 =	vadd.s32 v2, v5;
	v11 =	vmul.f32 $8.000000000e+00, v11  }
0x81: {  	v13 =	vadd.s32 v0, v4;
	v21 =	vand.u32 $0x7D, v24;
	v24 =	vld [tilespmem:s15+$0x0];
	v14 =	vmul.f32 $8.000000000e+00, v14;
	[tilespmem:v15+s26+$0x0] =	vst.idx.msk $0xffff, v12  }
0x82: {  	v12 =	vadd.s32 v0, v21;
	v26 =	vand.u32 $0x7E, v16;
	v15 =	vmul.f32 $8.000000000e+00, v19;
	v16 =	vld [tilespmem:s12+$0xFFFFFFE0];
	[tilespmem:v17+s26+$0x0] =	vst.idx.msk $0xffff, v11  }
0x83: {  	v11 =	vadd.s32 v0, v26;
	v17 =	vld [tilespmem:s12+$0x20];
	v18 =	vmul.f32 $8.000000000e+00, v18;
	[tilespmem:v20+s26+$0x0] =	vst.idx.msk $0xffff, v14  }
0x84: {  	v19 =	vadd.s32 v2, v6;
	v14 =	vmul.f32 $8.000000000e+00, v23;
	[tilespmem:v25+s26+$0x0] =	vst.idx.msk $0xffff, v15;
	v15 =	vld [tilespmem:s12+$0xFFFFFFA0]  }
0x85: {  	v23 =	vadd.s32 v2, v7;
	v9 =	vmul.f32 $8.000000000e+00, v9;
	v20 =	vld [tilespmem:s15+$0x50];
	[tilespmem:v10+s26+$0x0] =	vst.idx.msk $0xffff, v18  }
0x86: {  	[tilespmem:v13+s26+$0x0] =	vst.idx.msk $0xffff, v14;
	v10 =	vmul.f32 $8.000000000e+00, v24;
	v14 =	vadd.s32 v2, v8;
	v24 =	vld [tilespmem:s12+$0x70]  }
0x87: {  	v27 =	vadd.s32 v1, v22;
	v25 =	vld [tilespmem:s15+$0xFFFFFF90];
	[tilespmem:v12+s26+$0x0] =	vst.idx.msk $0xffff, v9;
	v9 =	vmul.f32 $8.000000000e+00, v16  }
0x88: {  	v29 =	vadd.s32 v3, v5;
	v5 =	vmov v22;
	v28 =	vld [tilespmem:s15+$0xFFFFFFD0];
	[tilespmem:v11+s26+$0x0] =	vst.idx.msk $0xffff, v10;
	v10 =	vmul.f32 $8.000000000e+00, v17  }
.Ltmp2:
0x89: {  	v18 =	vadd.s32 v1, v4;
	v13 =	vld [tilespmem:s15+$0x10];
	v11 =	vmul.f32 $8.000000000e+00, v15;
	[tilespmem:v19+s26+$0x0] =	vst.idx.msk $0xffff, v9;
	(pc) =	sbr.rel @p1 .LBB2_7-.Ltmp2, $4  }
0x8a: {  	v16 =	vadd.s32 v1, v21;
	v15 =	vmul.f32 $8.000000000e+00, v20;
	v12 =	vld [tilespmem:s12+$0xFFFFFFF0];
	[tilespmem:v23+s26+$0x0] =	vst.idx.msk $0xffff, v10  }
0x8b: {  	v9 =	vmov s19;
	v10 =	vadd.s32 v1, v26;
	[tilespmem:v14+s26+$0x0] =	vst.idx.msk $0xffff, v11;
	v11 =	vld [tilespmem:s12+$0x30];
	v23 =	vmul.f32 $8.000000000e+00, v24  }
0x8c: {  	s20 =	sadd.s32 $0x3, s19;
	v9 =	vand.u32 $0x7C, v9;
	v20 =	vmul.f32 $8.000000000e+00, v25;
	[tilespmem:v27+s26+$0x0] =	vst.idx.msk $0xffff, v15;
	v14 =	vld [tilespmem:s12+$0xFFFFFFB0];
	v15 =	vadd.s32 v3, v6;
	v6 =	vmovc v21;
	s12 =	smov.u32 s15;
	s15 =	sadd.s32 $0x100, s15  }
0x8d: {  	v22 =	vmov s20;
	v17 =	vadd.s32 v3, v7;
	v7 =	vmovc v26;
	s19 =	sadd.s32 $0x4, s19;
	v19 =	vld [tilespmem:s15+$0x40];
	v21 =	vmul.f32 $8.000000000e+00, v28;
	[tilespmem:v29+s26+$0x0] =	vst.idx.msk $0xffff, v23  }
0x8e: {  	s19 =	sadd.s32 $0x1, s18;
	v22 =	vand.u32 $0x7F, v22;
	v28 =	vld [tilespmem:s15+$0xFFFFFF80]  }
0x8f: {  	s11 =	sadd.s32 $0x2, s18;
	v24 =	vld [tilespmem:s15+$0xFFFFFFC0];
	v23 =	vmov s19;
	v25 =	vadd.s32 v0, v22  }
0x90: {  	v27 =	vld [tilespmem:s15+$0x0];
	v51 =	vadd.s32 v0, v9;
	v26 =	vmov s11;
	v23 =	vand.u32 $0x7D, v23  }
0x91: {  	v26 =	vand.u32 $0x7E, v26;
	v29 =	vadd.s32 v0, v23  }
0x92: {  	[tilespmem:v18+s26+$0x0] =	vst.idx.msk $0xffff, v20;
	v30 =	vadd.s32 v0, v26;
	v19 =	vmul.f32 $8.000000000e+00, v19  }
0x93: {  	[tilespmem:v16+s26+$0x0] =	vst.idx.msk $0xffff, v21;
	v54 =	vmul.f32 $8.000000000e+00, v28  }
0x94: {  	v52 =	vmul.f32 $8.000000000e+00, v24;
	[tilespmem:v25+s26+$0x0] =	vst.idx.msk $0xffff, v19  }
0x95: {  	v53 =	vmul.f32 $8.000000000e+00, v27;
	v55 =	vld [tilespmem:s15+$0x50];
	[tilespmem:v51+s26+$0x0] =	vst.idx.msk $0xffff, v54  }
0x96: {  	v13 =	vmul.f32 $8.000000000e+00, v13;
	v8 =	vadd.s32 v3, v8;
	[tilespmem:v29+s26+$0x0] =	vst.idx.msk $0xffff, v52;
	v59 =	vld [tilespmem:s15+$0xFFFFFF90]  }
0x97: {  	v12 =	vmul.f32 $8.000000000e+00, v12;
	v57 =	vadd.s32 v1, v22;
	[tilespmem:v30+s26+$0x0] =	vst.idx.msk $0xffff, v53;
	v56 =	vld [tilespmem:s15+$0xFFFFFFD0]  }
0x98: {  	[tilespmem:v10+s26+$0x0] =	vst.idx.msk $0xffff, v13;
	v58 =	vmul.f32 $8.000000000e+00, v11;
	v28 =	vadd.s32 v1, v9;
	v19 =	vld [tilespmem:s15+$0x10]  }
0x99: {  	v61 =	vld [tilespmem:s12+$0x60];
	v60 =	vadd.s32 v1, v23;
	v14 =	vmul.f32 $8.000000000e+00, v14;
	[tilespmem:v15+s26+$0x0] =	vst.idx.msk $0xffff, v12  }
0x9a: {  	v32 =	vld [tilespmem:s12+$0xFFFFFFA0];
	v62 =	vadd.s32 v1, v26;
	[tilespmem:v17+s26+$0x0] =	vst.idx.msk $0xffff, v58;
	v16 =	vmul.f32 $8.000000000e+00, v55  }
0x9b: {  	[tilespmem:v8+s26+$0x0] =	vst.idx.msk $0xffff, v14;
	v29 =	vadd.s32 v2, v5;
	v30 =	vld [tilespmem:s12+$0x20];
	v11 =	vmul.f32 $8.000000000e+00, v59  }
0x9c: {  	v38 =	vadd.s32 v2, v4;
	v63 =	vld [tilespmem:s12+$0xFFFFFFE0];
	v31 =	vmul.f32 $8.000000000e+00, v56;
	[tilespmem:v57+s26+$0x0] =	vst.idx.msk $0xffff, v16  }
0x9d: {  	v35 =	vadd.s32 v2, v7;
	v34 =	vmul.f32 $8.000000000e+00, v19;
	v36 =	vld [tilespmem:s15+$0x60];
	[tilespmem:v28+s26+$0x0] =	vst.idx.msk $0xffff, v11  }
0x9e: {  	v33 =	vadd.s32 v2, v6;
	v37 =	vmul.f32 $8.000000000e+00, v61;
	[tilespmem:v60+s26+$0x0] =	vst.idx.msk $0xffff, v31;
	v43 =	vld [tilespmem:s15+$0xFFFFFFA0]  }
0x9f: {  	v40 =	vadd.s32 v2, v22;
	v14 =	vmul.f32 $8.000000000e+00, v32;
	[tilespmem:v62+s26+$0x0] =	vst.idx.msk $0xffff, v34;
	v39 =	vld [tilespmem:s15+$0xFFFFFFE0]  }
0xa0: {  	v48 =	vadd.s32 v2, v9;
	[tilespmem:v29+s26+$0x0] =	vst.idx.msk $0xffff, v37;
	v42 =	vmul.f32 $8.000000000e+00, v30;
	v41 =	vld [tilespmem:s15+$0x20]  }
0xa1: {  	v44 =	vadd.s32 v2, v23;
	v15 =	vmul.f32 $8.000000000e+00, v63;
	[tilespmem:v38+s26+$0x0] =	vst.idx.msk $0xffff, v14;
	v45 =	vld [tilespmem:s12+$0x70]  }
0xa2: {  	v46 =	vadd.s32 v2, v26;
	v14 =	vld [tilespmem:s12+$0xFFFFFFB0];
	[tilespmem:v35+s26+$0x0] =	vst.idx.msk $0xffff, v42;
	v47 =	vmul.f32 $8.000000000e+00, v36  }
0xa3: {  	v5 =	vadd.s32 v3, v5;
	[tilespmem:v33+s26+$0x0] =	vst.idx.msk $0xffff, v15;
	v49 =	vld [tilespmem:s12+$0x30];
	v53 =	vmul.f32 $8.000000000e+00, v43  }
0xa4: {  	v4 =	vadd.s32 v3, v4;
	v21 =	vld [tilespmem:s12+$0xFFFFFFF0];
	v12 =	vmul.f32 $8.000000000e+00, v39;
	[tilespmem:v40+s26+$0x0] =	vst.idx.msk $0xffff, v47  }
0xa5: {  	v52 =	vadd.s32 v3, v7;
	v51 =	vmul.f32 $8.000000000e+00, v41;
	v10 =	vld [tilespmem:s15+$0x70];
	[tilespmem:v48+s26+$0x0] =	vst.idx.msk $0xffff, v53  }
0xa6: {  	v50 =	vadd.s32 v3, v6;
	v54 =	vmul.f32 $8.000000000e+00, v45;
	[tilespmem:v44+s26+$0x0] =	vst.idx.msk $0xffff, v12;
	v59 =	vld [tilespmem:s15+$0xFFFFFFB0]  }
0xa7: {  	v57 =	vadd.s32 v3, v22;
	v14 =	vmul.f32 $8.000000000e+00, v14;
	[tilespmem:v46+s26+$0x0] =	vst.idx.msk $0xffff, v51;
	v55 =	vld [tilespmem:s15+$0xFFFFFFF0]  }
0xa8: {  	v62 =	vadd.s32 v3, v9;
	[tilespmem:v5+s26+$0x0] =	vst.idx.msk $0xffff, v54;
	v5 =	vmul.f32 $8.000000000e+00, v49;
	v58 =	vld [tilespmem:s15+$0x30]  }
0xa9: {  	v56 =	vmul.f32 $8.000000000e+00, v21;
	v60 =	vadd.s32 v3, v23;
	[tilespmem:v4+s26+$0x0] =	vst.idx.msk $0xffff, v14  }
0xaa: {  	v61 =	vadd.s32 v3, v26;
	[tilespmem:v52+s26+$0x0] =	vst.idx.msk $0xffff, v5;
	v5 =	vmul.f32 $8.000000000e+00, v10  }
0xab: {  	[tilespmem:v50+s26+$0x0] =	vst.idx.msk $0xffff, v56;
	v63 =	vmul.f32 $8.000000000e+00, v59  }
0xac: {  	p1 =	seq.s32 s23, $0x27;
	v4 =	vmul.f32 $8.000000000e+00, v55;
	[tilespmem:v57+s26+$0x0] =	vst.idx.msk $0xffff, v5  }
0xad: {  	s15 =	sshll.u32 @!p1 s6, $0x7;
	v5 =	vmul.f32 $8.000000000e+00, v58;
	[tilespmem:v62+s26+$0x0] =	vst.idx.msk $0xffff, v63  }
0xae: {  	s19 =	simm.s32 @!p1 $0x80;
	s12 =	sadd.s32 @!p1 $0x280, s15;
	[tilespmem:v60+s26+$0x0] =	vst.idx.msk $0xffff, v4  }
0xaf: {  	s20 =	simm.s32 @!p1 $0x6400;
	s18 =	sand.u32 @!p1 $0x1FF80, s12;
	s12 =	smul.u32 $0x140000, s23;
	[tilespmem:v61+s26+$0x0] =	vst.idx.msk $0xffff, v5  }
0xb0: {  	[tilespmem:s20], [sflag:$0x1] =	stream.indirect.gather @!p1 [hbm4b:s5+s19], $0x40, s18, s19, $0xb8;
	[tilespmem:$0x1AE00] =	vst v63  }
0xb1: {  	s19 =	sor.u32 s4, s12;
	_ =	swait.ge [sflag:s28], $0x2000  }
0xb2: {  	s18 =	sshrl.u32 s19, $0x3;
	[sflag:s28] =	ssyncset.done $0x0  }
0xb3: {  	s20 =	simm.s32 $0x10400;
	s19 =	sadd.s32 s1, s18;
	[sflag:s28] =	ssyncadd.s32 $0xFFFFE000  }
0xb4: {  	[hbm4b:s19+s3] =	stream.linear.scatter [tilespmem:s20], [sflag:$0x6], $0x80, $0x38;
	[tilespmem:$0x1AE00] =	vst v63  }
0xb5: {  	s21 =	simm.s32 $0x10488;
	s22 =	sadd.s32 $0x10, s19  }
0xb6: {  	[hbm4b:s22+s3] =	stream.linear.scatter [tilespmem:s21], [sflag:$0x6], $0x80, $0x38;
	[tilespmem:$0x1AE00] =	vst v63  }
0xb7: {  	s24 =	simm.s32 $0x10510;
	s11 =	sadd.s32 $0x20, s19  }
0xb8: {  	[hbm4b:s11+s3] =	stream.linear.scatter [tilespmem:s24], [sflag:$0x6], $0x80, $0x38;
	[tilespmem:$0x1AE00] =	vst v63  }
0xb9: {  	s21 =	simm.s32 $0x10598;
	s22 =	sadd.s32 $0x30, s19  }
0xba: {  	[hbm4b:s22+s3] =	stream.linear.scatter [tilespmem:s21], [sflag:$0x6], $0x80, $0x38;
	[tilespmem:$0x1AE00] =	vst v63  }
0xbb: {  	s24 =	simm.s32 $0x10620;
	s11 =	sadd.s32 $0x40, s19  }
0xbc: {  	[hbm4b:s11+s3] =	stream.linear.scatter [tilespmem:s24], [sflag:$0x6], $0x80, $0x38;
	[tilespmem:$0x1AE00] =	vst v63  }
0xbd: {  	s18 =	simm.s32 $0x440;
	s20 =	simm.s32 $0x106A8;
	s21 =	sadd.s32 $0x50, s19  }
0xbe: {  	[hbm4b:s21+s3] =	stream.linear.scatter [tilespmem:s20], [sflag:$0x6], $0x80, $0x38;
	[tilespmem:$0x1AE00] =	vst v63  }
0xbf: {  	s22 =	simm.s32 $0x10730;
	s24 =	sadd.s32 $0x60, s19;
	s20 =	simm.s32 $0x2200  }
0xc0: {  	[hbm4b:s24+s3] =	stream.linear.scatter [tilespmem:s22], [sflag:$0x6], $0x80, $0x38;
	[tilespmem:$0x1AE00] =	vst v63  }
0xc1: {  	s21 =	simm.s32 $0x107B8;
	s22 =	sadd.s32 $0x70, s19;
	s19 =	sadd.s32 $0x1000, s19  }
.LBB2_9:
0xc2: {  	[hbm4b:s22+s3] =	stream.linear.scatter [tilespmem:s21], [sflag:$0x6], $0x80, $0x38;
	[tilespmem:$0x1AE00] =	vst v63  }
0xc3: {  	s21 =	smov.u32 s18;
	s18 =	smov.u32 s20  }
0xc4: {  	s11 =	sadd.s32 $0x1100, s20;
	s18 =	sshra.s32 s18, $0x2;
	s22 =	sadd.s32 $0x10400, s21  }
0xc5: {  	[hbm4b:s19+s3] =	stream.linear.scatter [tilespmem:s22], [sflag:$0x6], $0x80, $0x38;
	[tilespmem:$0x1AE00] =	vst v63  }
0xc6: {  	p2 =	sne.s32 s20, $0x7700;
	s20 =	sadd.s32 $0x10488, s21;
	s22 =	sadd.s32 $0x10, s19  }
0xc7: {  	[hbm4b:s22+s3] =	stream.linear.scatter [tilespmem:s20], [sflag:$0x6], $0x80, $0x38;
	[tilespmem:$0x1AE00] =	vst v63  }
0xc8: {  	s20 =	sadd.s32 $0x10510, s21;
	s22 =	sadd.s32 $0x20, s19  }
0xc9: {  	[hbm4b:s22+s3] =	stream.linear.scatter [tilespmem:s20], [sflag:$0x6], $0x80, $0x38;
	[tilespmem:$0x1AE00] =	vst v63  }
0xca: {  	s20 =	sadd.s32 $0x10598, s21;
	s22 =	sadd.s32 $0x30, s19  }
0xcb: {  	[hbm4b:s22+s3] =	stream.linear.scatter [tilespmem:s20], [sflag:$0x6], $0x80, $0x38;
	[tilespmem:$0x1AE00] =	vst v63  }
0xcc: {  	s20 =	sadd.s32 $0x10620, s21;
	s22 =	sadd.s32 $0x40, s19  }
0xcd: {  	[hbm4b:s22+s3] =	stream.linear.scatter [tilespmem:s20], [sflag:$0x6], $0x80, $0x38;
	[tilespmem:$0x1AE00] =	vst v63  }
.Ltmp3:
0xce: {  	s20 =	sadd.s32 $0x106A8, s21;
	s22 =	sadd.s32 $0x50, s19;
	(pc) =	sbr.rel @p2 .LBB2_9-.Ltmp3, $4  }
0xcf: {  	[hbm4b:s22+s3] =	stream.linear.scatter [tilespmem:s20], [sflag:$0x6], $0x80, $0x38;
	[tilespmem:$0x1AE00] =	vst v63  }
0xd0: {  	s20 =	sadd.s32 $0x10730, s21;
	s22 =	sadd.s32 $0x60, s19;
	s21 =	sadd.s32 $0x107B8, s21  }
0xd1: {  	[hbm4b:s22+s3] =	stream.linear.scatter [tilespmem:s20], [sflag:$0x6], $0x80, $0x38;
	[tilespmem:$0x1AE00] =	vst v63  }
0xd2: {  	s22 =	sadd.s32 $0x70, s19;
	s19 =	sadd.s32 $0x1000, s19;
	s20 =	smov.u32 s11  }
0xd3: {  	[hbm4b:s22+s3] =	stream.linear.scatter [tilespmem:s21], [sflag:$0x6], $0x80, $0x38;
	[tilespmem:$0x1AE00] =	vst v63  }
0xd4: {  	s11 =	sadd.s32 $0x10400, s18  }
0xd5: {  	[hbm4b:s19+s3] =	stream.linear.scatter [tilespmem:s11], [sflag:$0x6], $0x80, $0x38;
	[tilespmem:$0x1AE00] =	vst v63  }
0xd6: {  	s21 =	sadd.s32 $0x10488, s18;
	s20 =	sadd.s32 $0x10, s19  }
0xd7: {  	[hbm4b:s20+s3] =	stream.linear.scatter [tilespmem:s21], [sflag:$0x6], $0x80, $0x38;
	[tilespmem:$0x1AE00] =	vst v63  }
0xd8: {  	s22 =	sadd.s32 $0x10510, s18;
	s24 =	sadd.s32 $0x20, s19  }
0xd9: {  	[hbm4b:s24+s3] =	stream.linear.scatter [tilespmem:s22], [sflag:$0x6], $0x80, $0x38;
	[tilespmem:$0x1AE00] =	vst v63  }
0xda: {  	s20 =	sadd.s32 $0x10598, s18;
	s21 =	sadd.s32 $0x30, s19  }
0xdb: {  	[hbm4b:s21+s3] =	stream.linear.scatter [tilespmem:s20], [sflag:$0x6], $0x80, $0x38;
	[tilespmem:$0x1AE00] =	vst v63  }
0xdc: {  	s22 =	sadd.s32 $0x10620, s18;
	s24 =	sadd.s32 $0x40, s19  }
0xdd: {  	[hbm4b:s24+s3] =	stream.linear.scatter [tilespmem:s22], [sflag:$0x6], $0x80, $0x38;
	[tilespmem:$0x1AE00] =	vst v63  }
0xde: {  	s20 =	sadd.s32 $0x106A8, s18;
	s21 =	sadd.s32 $0x50, s19  }
0xdf: {  	[hbm4b:s21+s3] =	stream.linear.scatter [tilespmem:s20], [sflag:$0x6], $0x80, $0x38;
	[tilespmem:$0x1AE00] =	vst v63  }
0xe0: {  	s22 =	sadd.s32 $0x10730, s18;
	s24 =	sadd.s32 $0x60, s19  }
0xe1: {  	[hbm4b:s24+s3] =	stream.linear.scatter [tilespmem:s22], [sflag:$0x6], $0x80, $0x38;
	[tilespmem:$0x1AE00] =	vst v63  }
0xe2: {  	s11 =	simm.s32 @!p0 $0x7;
	s21 =	sadd.s32 $0x107B8, s18;
	s22 =	sadd.s32 $0x70, s19  }
0xe3: {  	[hbm4b:s22+s3] =	stream.linear.scatter [tilespmem:s21], [sflag:$0x6], $0x80, $0x38;
	[tilespmem:$0x1AE00] =	vst v63  }
0xe4: {  	_ =	swait.ge @!p0 [sflag:s11], $0x2000  }
0xe5: {  	[sflag:s11] =	ssyncset.done @!p0 $0x0  }
0xe6: {  	s24 =	simm.s32 $0x3;
	s21 =	simm.s32 $0x8480;
	[sflag:s11] =	ssyncadd.s32 @!p0 $0xFFFFE000  }
0xe7: {  	v4 =	vmov s24;
	v5 =	vld [tilespmem:s21+$0x40]  }
0xe8: {  	v9 =	vand.u32 $0x7F, v4  }
0xe9: {  	s18 =	simm.s32 $0x0;
	v4 =	vadd.s32 v0, v9  }
0xea: {  	s20 =	simm.s32 $0x2;
	v6 =	vmov s18;
	s19 =	simm.s32 $0x1;
	v7 =	vld [tilespmem:s21+$0xFFFFFF80]  }
0xeb: {  	v11 =	vmov s20;
	v8 =	vand.u32 $0x7C, v6;
	v6 =	vmov s19;
	v10 =	vld [tilespmem:s21+$0xFFFFFFC0]  }
0xec: {  	v12 =	vadd.s32 v0, v8;
	v15 =	vand.u32 $0x7D, v6;
	v6 =	vld [tilespmem:s21+$0x0];
	v5 =	vmul.f32 $8.000000000e+00, v5  }
0xed: {  	v17 =	vand.u32 $0x7E, v11;
	v13 =	vadd.s32 v0, v15  }
0xee: {  	v11 =	vadd.s32 v0, v17;
	[tilespmem:v4+s29+$0x0] =	vst.idx.msk $0xffff, v5  }
0xef: {  	v4 =	vmul.f32 $8.000000000e+00, v7;
	v5 =	vld [tilespmem:s21+$0x50]  }
0xf0: {  	v7 =	vmul.f32 $8.000000000e+00, v10  }
0xf1: {  	[tilespmem:v12+s29+$0x0] =	vst.idx.msk $0xffff, v4;
	v4 =	vmul.f32 $8.000000000e+00, v6;
	v6 =	vadd.s32 v1, v9  }
0xf2: {  	[tilespmem:v13+s29+$0x0] =	vst.idx.msk $0xffff, v7;
	v10 =	vld [tilespmem:s21+$0xFFFFFF90]  }
0xf3: {  	v7 =	vld [tilespmem:s21+$0xFFFFFFD0];
	[tilespmem:v11+s29+$0x0] =	vst.idx.msk $0xffff, v4  }
0xf4: {  	v11 =	vld [tilespmem:s21+$0x10];
	v4 =	vmul.f32 $8.000000000e+00, v5  }
0xf5: {  	s18 =	simm.s32 $0x8580;
	s24 =	simm.s32 $0x7;
	s22 =	simm.s32 $0x4;
	v12 =	vadd.s32 v1, v15  }
0xf6: {  	v14 =	vld [tilespmem:s18+$0x40];
	v13 =	vadd.s32 v1, v17;
	v5 =	vmov s22;
	[tilespmem:v6+s29+$0x0] =	vst.idx.msk $0xffff, v4;
	v6 =	vmov s24  }
0xf7: {  	v16 =	vadd.s32 v1, v8;
	v4 =	vand.u32 $0x7C, v5;
	v5 =	vand.u32 $0x7F, v6;
	v18 =	vld [tilespmem:s21+$0x60]  }
0xf8: {  	s20 =	simm.s32 $0x5;
	v22 =	vadd.s32 v2, v9;
	v19 =	vld [tilespmem:s18+$0xFFFFFF80];
	v6 =	vmul.f32 $8.000000000e+00, v7;
	v20 =	vadd.s32 v0, v5  }
0xf9: {  	v21 =	vld [tilespmem:s18+$0xFFFFFFC0];
	s22 =	simm.s32 $0x6;
	v10 =	vmul.f32 $8.000000000e+00, v10;
	v7 =	vmul.f32 $8.000000000e+00, v11;
	v11 =	vmov s20  }
0xfa: {  	v23 =	vadd.s32 v0, v4;
	[tilespmem:v12+s29+$0x0] =	vst.idx.msk $0xffff, v6;
	v12 =	vmov s22;
	v6 =	vand.u32 $0x7D, v11;
	v11 =	vld [tilespmem:s18+$0x0]  }
0xfb: {  	[tilespmem:v13+s29+$0x0] =	vst.idx.msk $0xffff, v7;
	v13 =	vadd.s32 v0, v6;
	v7 =	vand.u32 $0x7E, v12;
	v12 =	vmul.f32 $8.000000000e+00, v14;
	v14 =	vld [tilespmem:s21+$0xFFFFFFE0]  }
0xfc: {  	[tilespmem:v16+s29+$0x0] =	vst.idx.msk $0xffff, v10;
	v10 =	vadd.s32 v0, v7;
	v16 =	vld [tilespmem:s21+$0x20];
	v18 =	vmul.f32 $8.000000000e+00, v18  }
0xfd: {  	v19 =	vmul.f32 $8.000000000e+00, v19;
	[tilespmem:v20+s29+$0x0] =	vst.idx.msk $0xffff, v12;
	v12 =	vld [tilespmem:s21+$0xFFFFFFA0];
	v20 =	vadd.s32 v2, v15  }
0xfe: {  	v25 =	vadd.s32 v2, v17;
	v21 =	vmul.f32 $8.000000000e+00, v21;
	v24 =	vld [tilespmem:s18+$0x50];
	[tilespmem:v22+s29+$0x0] =	vst.idx.msk $0xffff, v18  }
0xff: {  	[tilespmem:v23+s29+$0x0] =	vst.idx.msk $0xffff, v19;
	v19 =	vadd.s32 v2, v8;
	v11 =	vmul.f32 $8.000000000e+00, v11;
	v22 =	vld [tilespmem:s21+$0x70]  }
0x100: {  	v23 =	vld [tilespmem:s18+$0xFFFFFF90];
	[tilespmem:v13+s29+$0x0] =	vst.idx.msk $0xffff, v21;
	v21 =	vadd.s32 v1, v5;
	v14 =	vmul.f32 $8.000000000e+00, v14  }
0x101: {  	v27 =	vadd.s32 v3, v9;
	v26 =	vld [tilespmem:s18+$0xFFFFFFD0];
	[tilespmem:v10+s29+$0x0] =	vst.idx.msk $0xffff, v11;
	v10 =	vmul.f32 $8.000000000e+00, v16  }
0x102: {  	v18 =	vadd.s32 v1, v4;
	v13 =	vld [tilespmem:s18+$0x10];
	v9 =	vmul.f32 $8.000000000e+00, v12;
	[tilespmem:v20+s29+$0x0] =	vst.idx.msk $0xffff, v14  }
0x103: {  	s20 =	simm.s32 $0x8;
	v16 =	vadd.s32 v1, v6;
	[tilespmem:v25+s29+$0x0] =	vst.idx.msk $0xffff, v10;
	v14 =	vmul.f32 $8.000000000e+00, v24;
	v12 =	vld [tilespmem:s21+$0xFFFFFFF0]  }
0x104: {  	v20 =	vmov s20;
	v10 =	vadd.s32 v1, v7;
	v11 =	vld [tilespmem:s21+$0x30];
	[tilespmem:v19+s29+$0x0] =	vst.idx.msk $0xffff, v9;
	v63 =	vmul.f32 $8.000000000e+00, v22  }
0x105: {  	s19 =	simm.s32 $0x8680;
	s24 =	simm.s32 $0xB;
	v15 =	vadd.s32 v3, v15;
	v9 =	vand.u32 $0x7C, v20;
	v20 =	vmul.f32 $8.000000000e+00, v23;
	[tilespmem:v21+s29+$0x0] =	vst.idx.msk $0xffff, v14;
	v14 =	vld [tilespmem:s21+$0xFFFFFFB0]  }
0x106: {  	v17 =	vadd.s32 v3, v17;
	v22 =	vmov s24;
	v19 =	vld [tilespmem:s19+$0x40];
	s21 =	simm.s32 $0xC;
	v21 =	vmul.f32 $8.000000000e+00, v26;
	[tilespmem:v27+s29+$0x0] =	vst.idx.msk $0xffff, v63  }
.LBB2_11:
0x107: {  	p2 =	slt.u32 s21, $0x7C;
	s11 =	sadd.s32 $0x1, s20;
	v22 =	vand.u32 $0x7F, v22;
	[tilespmem:v18+s29+$0x0] =	vst.idx.msk $0xffff, v20;
	v13 =	vmul.f32 $8.000000000e+00, v13;
	v18 =	vld [tilespmem:s18+$0x60];
	v20 =	vadd.s32 v3, v8;
	v8 =	vmovc v4  }
0x108: {  	v4 =	vmovc v9;
	v23 =	vld [tilespmem:s19+$0xFFFFFF80];
	v24 =	vmov s11;
	s11 =	sadd.s32 $0x2, s20;
	v25 =	vadd.s32 v0, v22;
	[tilespmem:v16+s29+$0x0] =	vst.idx.msk $0xffff, v21;
	v12 =	vmul.f32 $8.000000000e+00, v12;
	s20 =	smov.u32 s21  }
0x109: {  	v9 =	vld [tilespmem:s19+$0xFFFFFFC0];
	v16 =	vmov s11;
	[tilespmem:v10+s29+$0x0] =	vst.idx.msk $0xffff, v13;
	v10 =	vadd.s32 v2, v5;
	v11 =	vmul.f32 $8.000000000e+00, v11  }
0x10a: {  	v13 =	vadd.s32 v0, v4;
	v21 =	vand.u32 $0x7D, v24;
	v24 =	vld [tilespmem:s19+$0x0];
	v14 =	vmul.f32 $8.000000000e+00, v14;
	[tilespmem:v15+s29+$0x0] =	vst.idx.msk $0xffff, v12  }
0x10b: {  	v12 =	vadd.s32 v0, v21;
	v26 =	vand.u32 $0x7E, v16;
	v15 =	vmul.f32 $8.000000000e+00, v19;
	v16 =	vld [tilespmem:s18+$0xFFFFFFE0];
	[tilespmem:v17+s29+$0x0] =	vst.idx.msk $0xffff, v11  }
0x10c: {  	v11 =	vadd.s32 v0, v26;
	v17 =	vld [tilespmem:s18+$0x20];
	v18 =	vmul.f32 $8.000000000e+00, v18;
	[tilespmem:v20+s29+$0x0] =	vst.idx.msk $0xffff, v14  }
0x10d: {  	v19 =	vadd.s32 v2, v6;
	v14 =	vmul.f32 $8.000000000e+00, v23;
	[tilespmem:v25+s29+$0x0] =	vst.idx.msk $0xffff, v15;
	v15 =	vld [tilespmem:s18+$0xFFFFFFA0]  }
0x10e: {  	v23 =	vadd.s32 v2, v7;
	v9 =	vmul.f32 $8.000000000e+00, v9;
	v20 =	vld [tilespmem:s19+$0x50];
	[tilespmem:v10+s29+$0x0] =	vst.idx.msk $0xffff, v18  }
0x10f: {  	[tilespmem:v13+s29+$0x0] =	vst.idx.msk $0xffff, v14;
	v10 =	vmul.f32 $8.000000000e+00, v24;
	v14 =	vadd.s32 v2, v8;
	v24 =	vld [tilespmem:s18+$0x70]  }
0x110: {  	v27 =	vadd.s32 v1, v22;
	v25 =	vld [tilespmem:s19+$0xFFFFFF90];
	[tilespmem:v12+s29+$0x0] =	vst.idx.msk $0xffff, v9;
	v9 =	vmul.f32 $8.000000000e+00, v16  }
0x111: {  	v29 =	vadd.s32 v3, v5;
	v5 =	vmov v22;
	v28 =	vld [tilespmem:s19+$0xFFFFFFD0];
	[tilespmem:v11+s29+$0x0] =	vst.idx.msk $0xffff, v10;
	v10 =	vmul.f32 $8.000000000e+00, v17  }
.Ltmp4:
0x112: {  	v18 =	vadd.s32 v1, v4;
	v13 =	vld [tilespmem:s19+$0x10];
	v11 =	vmul.f32 $8.000000000e+00, v15;
	[tilespmem:v19+s29+$0x0] =	vst.idx.msk $0xffff, v9;
	(pc) =	sbr.rel @p2 .LBB2_11-.Ltmp4, $4  }
0x113: {  	v16 =	vadd.s32 v1, v21;
	v15 =	vmul.f32 $8.000000000e+00, v20;
	v12 =	vld [tilespmem:s18+$0xFFFFFFF0];
	[tilespmem:v23+s29+$0x0] =	vst.idx.msk $0xffff, v10  }
0x114: {  	v9 =	vmov s21;
	v10 =	vadd.s32 v1, v26;
	[tilespmem:v14+s29+$0x0] =	vst.idx.msk $0xffff, v11;
	v11 =	vld [tilespmem:s18+$0x30];
	v23 =	vmul.f32 $8.000000000e+00, v24  }
0x115: {  	s11 =	sadd.s32 $0x3, s21;
	v9 =	vand.u32 $0x7C, v9;
	v20 =	vmul.f32 $8.000000000e+00, v25;
	[tilespmem:v27+s29+$0x0] =	vst.idx.msk $0xffff, v15;
	v14 =	vld [tilespmem:s18+$0xFFFFFFB0];
	v15 =	vadd.s32 v3, v6;
	v6 =	vmovc v21;
	s18 =	smov.u32 s19;
	s19 =	sadd.s32 $0x100, s19  }
0x116: {  	v22 =	vmov s11;
	v17 =	vadd.s32 v3, v7;
	v7 =	vmovc v26;
	s21 =	sadd.s32 $0x4, s21;
	v19 =	vld [tilespmem:s19+$0x40];
	v21 =	vmul.f32 $8.000000000e+00, v28;
	[tilespmem:v29+s29+$0x0] =	vst.idx.msk $0xffff, v23  }
0x117: {  	s11 =	sadd.s32 $0x1, s20;
	v22 =	vand.u32 $0x7F, v22;
	v28 =	vld [tilespmem:s19+$0xFFFFFF80]  }
0x118: {  	s24 =	sadd.s32 $0x2, s20;
	v24 =	vld [tilespmem:s19+$0xFFFFFFC0];
	v23 =	vmov s11;
	v25 =	vadd.s32 v0, v22  }
0x119: {  	v27 =	vld [tilespmem:s19+$0x0];
	v51 =	vadd.s32 v0, v9;
	v26 =	vmov s24;
	v23 =	vand.u32 $0x7D, v23  }
0x11a: {  	v26 =	vand.u32 $0x7E, v26;
	v29 =	vadd.s32 v0, v23  }
0x11b: {  	[tilespmem:v18+s29+$0x0] =	vst.idx.msk $0xffff, v20;
	v30 =	vadd.s32 v0, v26;
	v19 =	vmul.f32 $8.000000000e+00, v19  }
0x11c: {  	[tilespmem:v16+s29+$0x0] =	vst.idx.msk $0xffff, v21;
	v54 =	vmul.f32 $8.000000000e+00, v28  }
0x11d: {  	v52 =	vmul.f32 $8.000000000e+00, v24;
	[tilespmem:v25+s29+$0x0] =	vst.idx.msk $0xffff, v19  }
0x11e: {  	v53 =	vmul.f32 $8.000000000e+00, v27;
	v55 =	vld [tilespmem:s19+$0x50];
	[tilespmem:v51+s29+$0x0] =	vst.idx.msk $0xffff, v54  }
0x11f: {  	v13 =	vmul.f32 $8.000000000e+00, v13;
	v8 =	vadd.s32 v3, v8;
	[tilespmem:v29+s29+$0x0] =	vst.idx.msk $0xffff, v52;
	v59 =	vld [tilespmem:s19+$0xFFFFFF90]  }
0x120: {  	v12 =	vmul.f32 $8.000000000e+00, v12;
	v57 =	vadd.s32 v1, v22;
	[tilespmem:v30+s29+$0x0] =	vst.idx.msk $0xffff, v53;
	v56 =	vld [tilespmem:s19+$0xFFFFFFD0]  }
0x121: {  	[tilespmem:v10+s29+$0x0] =	vst.idx.msk $0xffff, v13;
	v58 =	vmul.f32 $8.000000000e+00, v11;
	v28 =	vadd.s32 v1, v9;
	v19 =	vld [tilespmem:s19+$0x10]  }
0x122: {  	v61 =	vld [tilespmem:s18+$0x60];
	v60 =	vadd.s32 v1, v23;
	v14 =	vmul.f32 $8.000000000e+00, v14;
	[tilespmem:v15+s29+$0x0] =	vst.idx.msk $0xffff, v12  }
0x123: {  	v32 =	vld [tilespmem:s18+$0xFFFFFFA0];
	v62 =	vadd.s32 v1, v26;
	[tilespmem:v17+s29+$0x0] =	vst.idx.msk $0xffff, v58;
	v16 =	vmul.f32 $8.000000000e+00, v55  }
0x124: {  	[tilespmem:v8+s29+$0x0] =	vst.idx.msk $0xffff, v14;
	v29 =	vadd.s32 v2, v5;
	v30 =	vld [tilespmem:s18+$0x20];
	v11 =	vmul.f32 $8.000000000e+00, v59  }
0x125: {  	v38 =	vadd.s32 v2, v4;
	v63 =	vld [tilespmem:s18+$0xFFFFFFE0];
	v31 =	vmul.f32 $8.000000000e+00, v56;
	[tilespmem:v57+s29+$0x0] =	vst.idx.msk $0xffff, v16  }
0x126: {  	v35 =	vadd.s32 v2, v7;
	v34 =	vmul.f32 $8.000000000e+00, v19;
	v36 =	vld [tilespmem:s19+$0x60];
	[tilespmem:v28+s29+$0x0] =	vst.idx.msk $0xffff, v11  }
0x127: {  	v33 =	vadd.s32 v2, v6;
	v37 =	vmul.f32 $8.000000000e+00, v61;
	[tilespmem:v60+s29+$0x0] =	vst.idx.msk $0xffff, v31;
	v43 =	vld [tilespmem:s19+$0xFFFFFFA0]  }
0x128: {  	v40 =	vadd.s32 v2, v22;
	v14 =	vmul.f32 $8.000000000e+00, v32;
	[tilespmem:v62+s29+$0x0] =	vst.idx.msk $0xffff, v34;
	v39 =	vld [tilespmem:s19+$0xFFFFFFE0]  }
0x129: {  	v48 =	vadd.s32 v2, v9;
	[tilespmem:v29+s29+$0x0] =	vst.idx.msk $0xffff, v37;
	v42 =	vmul.f32 $8.000000000e+00, v30;
	v41 =	vld [tilespmem:s19+$0x20]  }
0x12a: {  	v44 =	vadd.s32 v2, v23;
	v15 =	vmul.f32 $8.000000000e+00, v63;
	[tilespmem:v38+s29+$0x0] =	vst.idx.msk $0xffff, v14;
	v45 =	vld [tilespmem:s18+$0x70]  }
0x12b: {  	v46 =	vadd.s32 v2, v26;
	v14 =	vld [tilespmem:s18+$0xFFFFFFB0];
	[tilespmem:v35+s29+$0x0] =	vst.idx.msk $0xffff, v42;
	v47 =	vmul.f32 $8.000000000e+00, v36  }
0x12c: {  	v5 =	vadd.s32 v3, v5;
	[tilespmem:v33+s29+$0x0] =	vst.idx.msk $0xffff, v15;
	v49 =	vld [tilespmem:s18+$0x30];
	v53 =	vmul.f32 $8.000000000e+00, v43  }
0x12d: {  	v4 =	vadd.s32 v3, v4;
	v21 =	vld [tilespmem:s18+$0xFFFFFFF0];
	v12 =	vmul.f32 $8.000000000e+00, v39;
	[tilespmem:v40+s29+$0x0] =	vst.idx.msk $0xffff, v47  }
0x12e: {  	v52 =	vadd.s32 v3, v7;
	v51 =	vmul.f32 $8.000000000e+00, v41;
	v10 =	vld [tilespmem:s19+$0x70];
	[tilespmem:v48+s29+$0x0] =	vst.idx.msk $0xffff, v53  }
0x12f: {  	v50 =	vadd.s32 v3, v6;
	v54 =	vmul.f32 $8.000000000e+00, v45;
	[tilespmem:v44+s29+$0x0] =	vst.idx.msk $0xffff, v12;
	v59 =	vld [tilespmem:s19+$0xFFFFFFB0]  }
0x130: {  	v57 =	vadd.s32 v3, v22;
	v14 =	vmul.f32 $8.000000000e+00, v14;
	[tilespmem:v46+s29+$0x0] =	vst.idx.msk $0xffff, v51;
	v55 =	vld [tilespmem:s19+$0xFFFFFFF0]  }
0x131: {  	v62 =	vadd.s32 v3, v9;
	[tilespmem:v5+s29+$0x0] =	vst.idx.msk $0xffff, v54;
	v5 =	vmul.f32 $8.000000000e+00, v49;
	v58 =	vld [tilespmem:s19+$0x30]  }
0x132: {  	v56 =	vmul.f32 $8.000000000e+00, v21;
	v60 =	vadd.s32 v3, v23;
	[tilespmem:v4+s29+$0x0] =	vst.idx.msk $0xffff, v14  }
0x133: {  	v61 =	vadd.s32 v3, v26;
	[tilespmem:v52+s29+$0x0] =	vst.idx.msk $0xffff, v5;
	v5 =	vmul.f32 $8.000000000e+00, v10  }
0x134: {  	[tilespmem:v50+s29+$0x0] =	vst.idx.msk $0xffff, v56;
	v63 =	vmul.f32 $8.000000000e+00, v59  }
0x135: {  	v4 =	vmul.f32 $8.000000000e+00, v55;
	[tilespmem:v57+s29+$0x0] =	vst.idx.msk $0xffff, v5  }
0x136: {  	v5 =	vmul.f32 $8.000000000e+00, v58;
	[tilespmem:v62+s29+$0x0] =	vst.idx.msk $0xffff, v63  }
0x137: {  	s11 =	sadd.s32 @!p1 $0x300, s15;
	[tilespmem:v60+s29+$0x0] =	vst.idx.msk $0xffff, v4  }
0x138: {  	s11 =	sand.u32 @!p1 $0x1FF80, s11;
	s18 =	simm.s32 @!p1 $0x80;
	s19 =	simm.s32 @!p1 $0x8400;
	[tilespmem:v61+s29+$0x0] =	vst.idx.msk $0xffff, v5  }
0x139: {  	[tilespmem:s19], [sflag:$0x2] =	stream.indirect.gather @!p1 [hbm4b:s5+s18], $0x40, s11, s18, $0xb8;
	[tilespmem:$0x1AE00] =	vst v63  }
0x13a: {  	s18 =	sadd.s32 s8, s12;
	_ =	swait.ge [sflag:s30], $0x2000  }
0x13b: {  	s11 =	sshrl.u32 s18, $0x3;
	[sflag:s30] =	ssyncset.done $0x0  }
0x13c: {  	s19 =	simm.s32 $0x12600;
	s11 =	sadd.s32 s1, s11;
	[sflag:s30] =	ssyncadd.s32 $0xFFFFE000  }
0x13d: {  	[hbm4b:s11+s3] =	stream.linear.scatter [tilespmem:s19], [sflag:$0x7], $0x80, $0x38;
	[tilespmem:$0x1AE00] =	vst v63  }
0x13e: {  	s20 =	simm.s32 $0x12688;
	s21 =	sadd.s32 $0x10, s11  }
0x13f: {  	[hbm4b:s21+s3] =	stream.linear.scatter [tilespmem:s20], [sflag:$0x7], $0x80, $0x38;
	[tilespmem:$0x1AE00] =	vst v63  }
0x140: {  	s22 =	simm.s32 $0x12710;
	s24 =	sadd.s32 $0x20, s11  }
0x141: {  	[hbm4b:s24+s3] =	stream.linear.scatter [tilespmem:s22], [sflag:$0x7], $0x80, $0x38;
	[tilespmem:$0x1AE00] =	vst v63  }
0x142: {  	s20 =	simm.s32 $0x12798;
	s21 =	sadd.s32 $0x30, s11  }
0x143: {  	[hbm4b:s21+s3] =	stream.linear.scatter [tilespmem:s20], [sflag:$0x7], $0x80, $0x38;
	[tilespmem:$0x1AE00] =	vst v63  }
0x144: {  	s22 =	simm.s32 $0x12820;
	s24 =	sadd.s32 $0x40, s11  }
0x145: {  	[hbm4b:s24+s3] =	stream.linear.scatter [tilespmem:s22], [sflag:$0x7], $0x80, $0x38;
	[tilespmem:$0x1AE00] =	vst v63  }
0x146: {  	s18 =	simm.s32 $0x440;
	s20 =	simm.s32 $0x128A8;
	s21 =	sadd.s32 $0x50, s11  }
0x147: {  	[hbm4b:s21+s3] =	stream.linear.scatter [tilespmem:s20], [sflag:$0x7], $0x80, $0x38;
	[tilespmem:$0x1AE00] =	vst v63  }
0x148: {  	s19 =	sadd.s32 $0x1000, s11;
	s22 =	simm.s32 $0x12930;
	s24 =	sadd.s32 $0x60, s11  }
0x149: {  	[hbm4b:s24+s3] =	stream.linear.scatter [tilespmem:s22], [sflag:$0x7], $0x80, $0x38;
	[tilespmem:$0x1AE00] =	vst v63  }
0x14a: {  	s20 =	simm.s32 $0x2200;
	s21 =	simm.s32 $0x129B8;
	s22 =	sadd.s32 $0x70, s11  }
.LBB2_13:
0x14b: {  	[hbm4b:s22+s3] =	stream.linear.scatter [tilespmem:s21], [sflag:$0x7], $0x80, $0x38;
	[tilespmem:$0x1AE00] =	vst v63  }
0x14c: {  	s11 =	smov.u32 s18;
	s18 =	smov.u32 s20  }
0x14d: {  	s24 =	sadd.s32 $0x1100, s20;
	s18 =	sshra.s32 s18, $0x2;
	s21 =	sadd.s32 $0x12600, s11  }
0x14e: {  	[hbm4b:s19+s3] =	stream.linear.scatter [tilespmem:s21], [sflag:$0x7], $0x80, $0x38;
	[tilespmem:$0x1AE00] =	vst v63  }
0x14f: {  	p2 =	sne.s32 s20, $0x7700;
	s20 =	sadd.s32 $0x12688, s11;
	s21 =	sadd.s32 $0x10, s19  }
0x150: {  	[hbm4b:s21+s3] =	stream.linear.scatter [tilespmem:s20], [sflag:$0x7], $0x80, $0x38;
	[tilespmem:$0x1AE00] =	vst v63  }
0x151: {  	s20 =	sadd.s32 $0x12710, s11;
	s21 =	sadd.s32 $0x20, s19  }
0x152: {  	[hbm4b:s21+s3] =	stream.linear.scatter [tilespmem:s20], [sflag:$0x7], $0x80, $0x38;
	[tilespmem:$0x1AE00] =	vst v63  }
0x153: {  	s20 =	sadd.s32 $0x12798, s11;
	s21 =	sadd.s32 $0x30, s19  }
0x154: {  	[hbm4b:s21+s3] =	stream.linear.scatter [tilespmem:s20], [sflag:$0x7], $0x80, $0x38;
	[tilespmem:$0x1AE00] =	vst v63  }
0x155: {  	s20 =	sadd.s32 $0x12820, s11;
	s21 =	sadd.s32 $0x40, s19  }
0x156: {  	[hbm4b:s21+s3] =	stream.linear.scatter [tilespmem:s20], [sflag:$0x7], $0x80, $0x38;
	[tilespmem:$0x1AE00] =	vst v63  }
.Ltmp5:
0x157: {  	s20 =	sadd.s32 $0x128A8, s11;
	s21 =	sadd.s32 $0x50, s19;
	(pc) =	sbr.rel @p2 .LBB2_13-.Ltmp5, $4  }
0x158: {  	[hbm4b:s21+s3] =	stream.linear.scatter [tilespmem:s20], [sflag:$0x7], $0x80, $0x38;
	[tilespmem:$0x1AE00] =	vst v63  }
0x159: {  	s22 =	sadd.s32 $0x70, s19;
	s20 =	sadd.s32 $0x12930, s11;
	s21 =	sadd.s32 $0x60, s19  }
0x15a: {  	[hbm4b:s21+s3] =	stream.linear.scatter [tilespmem:s20], [sflag:$0x7], $0x80, $0x38;
	[tilespmem:$0x1AE00] =	vst v63  }
0x15b: {  	s19 =	sadd.s32 $0x1000, s19;
	s21 =	sadd.s32 $0x129B8, s11;
	s20 =	smov.u32 s24  }
0x15c: {  	[hbm4b:s22+s3] =	stream.linear.scatter [tilespmem:s21], [sflag:$0x7], $0x80, $0x38;
	[tilespmem:$0x1AE00] =	vst v63  }
0x15d: {  	s11 =	sadd.s32 $0x12600, s18  }
0x15e: {  	[hbm4b:s19+s3] =	stream.linear.scatter [tilespmem:s11], [sflag:$0x7], $0x80, $0x38;
	[tilespmem:$0x1AE00] =	vst v63  }
0x15f: {  	s21 =	sadd.s32 $0x12688, s18;
	s20 =	sadd.s32 $0x10, s19  }
0x160: {  	[hbm4b:s20+s3] =	stream.linear.scatter [tilespmem:s21], [sflag:$0x7], $0x80, $0x38;
	[tilespmem:$0x1AE00] =	vst v63  }
0x161: {  	s22 =	sadd.s32 $0x12710, s18;
	s24 =	sadd.s32 $0x20, s19  }
0x162: {  	[hbm4b:s24+s3] =	stream.linear.scatter [tilespmem:s22], [sflag:$0x7], $0x80, $0x38;
	[tilespmem:$0x1AE00] =	vst v63  }
0x163: {  	s20 =	sadd.s32 $0x12798, s18;
	s21 =	sadd.s32 $0x30, s19  }
0x164: {  	[hbm4b:s21+s3] =	stream.linear.scatter [tilespmem:s20], [sflag:$0x7], $0x80, $0x38;
	[tilespmem:$0x1AE00] =	vst v63  }
0x165: {  	s22 =	sadd.s32 $0x12820, s18;
	s24 =	sadd.s32 $0x40, s19  }
0x166: {  	[hbm4b:s24+s3] =	stream.linear.scatter [tilespmem:s22], [sflag:$0x7], $0x80, $0x38;
	[tilespmem:$0x1AE00] =	vst v63  }
0x167: {  	s20 =	sadd.s32 $0x128A8, s18;
	s21 =	sadd.s32 $0x50, s19  }
0x168: {  	[hbm4b:s21+s3] =	stream.linear.scatter [tilespmem:s20], [sflag:$0x7], $0x80, $0x38;
	[tilespmem:$0x1AE00] =	vst v63  }
0x169: {  	s22 =	sadd.s32 $0x12930, s18;
	s24 =	sadd.s32 $0x60, s19  }
0x16a: {  	[hbm4b:s24+s3] =	stream.linear.scatter [tilespmem:s22], [sflag:$0x7], $0x80, $0x38;
	[tilespmem:$0x1AE00] =	vst v63  }
0x16b: {  	s11 =	simm.s32 @!p0 $0x8;
	s21 =	sadd.s32 $0x129B8, s18;
	s22 =	sadd.s32 $0x70, s19  }
0x16c: {  	[hbm4b:s22+s3] =	stream.linear.scatter [tilespmem:s21], [sflag:$0x7], $0x80, $0x38;
	[tilespmem:$0x1AE00] =	vst v63  }
0x16d: {  	_ =	swait.ge @!p0 [sflag:s11], $0x2000  }
0x16e: {  	[sflag:s11] =	ssyncset.done @!p0 $0x0  }
0x16f: {  	s24 =	simm.s32 $0x3;
	s21 =	simm.s32 $0xA480;
	[sflag:s11] =	ssyncadd.s32 @!p0 $0xFFFFE000  }
0x170: {  	v4 =	vmov s24;
	v5 =	vld [tilespmem:s21+$0x40]  }
0x171: {  	v9 =	vand.u32 $0x7F, v4  }
0x172: {  	s18 =	simm.s32 $0x0;
	v4 =	vadd.s32 v0, v9  }
0x173: {  	s20 =	simm.s32 $0x2;
	v6 =	vmov s18;
	s19 =	simm.s32 $0x1;
	v7 =	vld [tilespmem:s21+$0xFFFFFF80]  }
0x174: {  	v11 =	vmov s20;
	v8 =	vand.u32 $0x7C, v6;
	v6 =	vmov s19;
	v10 =	vld [tilespmem:s21+$0xFFFFFFC0]  }
0x175: {  	v12 =	vadd.s32 v0, v8;
	v15 =	vand.u32 $0x7D, v6;
	v6 =	vld [tilespmem:s21+$0x0];
	v5 =	vmul.f32 $8.000000000e+00, v5  }
0x176: {  	v17 =	vand.u32 $0x7E, v11;
	v13 =	vadd.s32 v0, v15  }
0x177: {  	v11 =	vadd.s32 v0, v17;
	[tilespmem:v4+s31+$0x0] =	vst.idx.msk $0xffff, v5  }
0x178: {  	v4 =	vmul.f32 $8.000000000e+00, v7;
	v5 =	vld [tilespmem:s21+$0x50]  }
0x179: {  	v7 =	vmul.f32 $8.000000000e+00, v10  }
0x17a: {  	[tilespmem:v12+s31+$0x0] =	vst.idx.msk $0xffff, v4;
	v4 =	vmul.f32 $8.000000000e+00, v6;
	v6 =	vadd.s32 v1, v9  }
0x17b: {  	[tilespmem:v13+s31+$0x0] =	vst.idx.msk $0xffff, v7;
	v10 =	vld [tilespmem:s21+$0xFFFFFF90]  }
0x17c: {  	v7 =	vld [tilespmem:s21+$0xFFFFFFD0];
	[tilespmem:v11+s31+$0x0] =	vst.idx.msk $0xffff, v4  }
0x17d: {  	v11 =	vld [tilespmem:s21+$0x10];
	v4 =	vmul.f32 $8.000000000e+00, v5  }
0x17e: {  	s18 =	simm.s32 $0xA580;
	s24 =	simm.s32 $0x7;
	s22 =	simm.s32 $0x4;
	v12 =	vadd.s32 v1, v15  }
0x17f: {  	v14 =	vld [tilespmem:s18+$0x40];
	v13 =	vadd.s32 v1, v17;
	v5 =	vmov s22;
	[tilespmem:v6+s31+$0x0] =	vst.idx.msk $0xffff, v4;
	v6 =	vmov s24  }
0x180: {  	v16 =	vadd.s32 v1, v8;
	v4 =	vand.u32 $0x7C, v5;
	v5 =	vand.u32 $0x7F, v6;
	v18 =	vld [tilespmem:s21+$0x60]  }
0x181: {  	s20 =	simm.s32 $0x5;
	v22 =	vadd.s32 v2, v9;
	v19 =	vld [tilespmem:s18+$0xFFFFFF80];
	v6 =	vmul.f32 $8.000000000e+00, v7;
	v20 =	vadd.s32 v0, v5  }
0x182: {  	v21 =	vld [tilespmem:s18+$0xFFFFFFC0];
	s22 =	simm.s32 $0x6;
	v10 =	vmul.f32 $8.000000000e+00, v10;
	v7 =	vmul.f32 $8.000000000e+00, v11;
	v11 =	vmov s20  }
0x183: {  	v23 =	vadd.s32 v0, v4;
	[tilespmem:v12+s31+$0x0] =	vst.idx.msk $0xffff, v6;
	v12 =	vmov s22;
	v6 =	vand.u32 $0x7D, v11;
	v11 =	vld [tilespmem:s18+$0x0]  }
0x184: {  	[tilespmem:v13+s31+$0x0] =	vst.idx.msk $0xffff, v7;
	v13 =	vadd.s32 v0, v6;
	v7 =	vand.u32 $0x7E, v12;
	v12 =	vmul.f32 $8.000000000e+00, v14;
	v14 =	vld [tilespmem:s21+$0xFFFFFFE0]  }
0x185: {  	[tilespmem:v16+s31+$0x0] =	vst.idx.msk $0xffff, v10;
	v10 =	vadd.s32 v0, v7;
	v16 =	vld [tilespmem:s21+$0x20];
	v18 =	vmul.f32 $8.000000000e+00, v18  }
0x186: {  	v19 =	vmul.f32 $8.000000000e+00, v19;
	[tilespmem:v20+s31+$0x0] =	vst.idx.msk $0xffff, v12;
	v12 =	vld [tilespmem:s21+$0xFFFFFFA0];
	v20 =	vadd.s32 v2, v15  }
0x187: {  	v25 =	vadd.s32 v2, v17;
	v21 =	vmul.f32 $8.000000000e+00, v21;
	v24 =	vld [tilespmem:s18+$0x50];
	[tilespmem:v22+s31+$0x0] =	vst.idx.msk $0xffff, v18  }
0x188: {  	[tilespmem:v23+s31+$0x0] =	vst.idx.msk $0xffff, v19;
	v19 =	vadd.s32 v2, v8;
	v11 =	vmul.f32 $8.000000000e+00, v11;
	v22 =	vld [tilespmem:s21+$0x70]  }
0x189: {  	v23 =	vld [tilespmem:s18+$0xFFFFFF90];
	[tilespmem:v13+s31+$0x0] =	vst.idx.msk $0xffff, v21;
	v21 =	vadd.s32 v1, v5;
	v14 =	vmul.f32 $8.000000000e+00, v14  }
0x18a: {  	v27 =	vadd.s32 v3, v9;
	v26 =	vld [tilespmem:s18+$0xFFFFFFD0];
	[tilespmem:v10+s31+$0x0] =	vst.idx.msk $0xffff, v11;
	v10 =	vmul.f32 $8.000000000e+00, v16  }
0x18b: {  	v18 =	vadd.s32 v1, v4;
	v13 =	vld [tilespmem:s18+$0x10];
	v9 =	vmul.f32 $8.000000000e+00, v12;
	[tilespmem:v20+s31+$0x0] =	vst.idx.msk $0xffff, v14  }
0x18c: {  	s20 =	simm.s32 $0x8;
	v16 =	vadd.s32 v1, v6;
	[tilespmem:v25+s31+$0x0] =	vst.idx.msk $0xffff, v10;
	v14 =	vmul.f32 $8.000000000e+00, v24;
	v12 =	vld [tilespmem:s21+$0xFFFFFFF0]  }
0x18d: {  	v20 =	vmov s20;
	v10 =	vadd.s32 v1, v7;
	v11 =	vld [tilespmem:s21+$0x30];
	[tilespmem:v19+s31+$0x0] =	vst.idx.msk $0xffff, v9;
	v63 =	vmul.f32 $8.000000000e+00, v22  }
0x18e: {  	s19 =	simm.s32 $0xA680;
	s24 =	simm.s32 $0xB;
	v15 =	vadd.s32 v3, v15;
	v9 =	vand.u32 $0x7C, v20;
	v20 =	vmul.f32 $8.000000000e+00, v23;
	[tilespmem:v21+s31+$0x0] =	vst.idx.msk $0xffff, v14;
	v14 =	vld [tilespmem:s21+$0xFFFFFFB0]  }
0x18f: {  	v17 =	vadd.s32 v3, v17;
	v22 =	vmov s24;
	v19 =	vld [tilespmem:s19+$0x40];
	s21 =	simm.s32 $0xC;
	v21 =	vmul.f32 $8.000000000e+00, v26;
	[tilespmem:v27+s31+$0x0] =	vst.idx.msk $0xffff, v63  }
.LBB2_15:
0x190: {  	p2 =	slt.u32 s21, $0x7C;
	s11 =	sadd.s32 $0x1, s20;
	v22 =	vand.u32 $0x7F, v22;
	[tilespmem:v18+s31+$0x0] =	vst.idx.msk $0xffff, v20;
	v13 =	vmul.f32 $8.000000000e+00, v13;
	v18 =	vld [tilespmem:s18+$0x60];
	v20 =	vadd.s32 v3, v8;
	v8 =	vmovc v4  }
0x191: {  	v4 =	vmovc v9;
	v23 =	vld [tilespmem:s19+$0xFFFFFF80];
	v24 =	vmov s11;
	s11 =	sadd.s32 $0x2, s20;
	v25 =	vadd.s32 v0, v22;
	[tilespmem:v16+s31+$0x0] =	vst.idx.msk $0xffff, v21;
	v12 =	vmul.f32 $8.000000000e+00, v12;
	s20 =	smov.u32 s21  }
0x192: {  	v9 =	vld [tilespmem:s19+$0xFFFFFFC0];
	v16 =	vmov s11;
	[tilespmem:v10+s31+$0x0] =	vst.idx.msk $0xffff, v13;
	v10 =	vadd.s32 v2, v5;
	v11 =	vmul.f32 $8.000000000e+00, v11  }
0x193: {  	v13 =	vadd.s32 v0, v4;
	v21 =	vand.u32 $0x7D, v24;
	v24 =	vld [tilespmem:s19+$0x0];
	v14 =	vmul.f32 $8.000000000e+00, v14;
	[tilespmem:v15+s31+$0x0] =	vst.idx.msk $0xffff, v12  }
0x194: {  	v12 =	vadd.s32 v0, v21;
	v26 =	vand.u32 $0x7E, v16;
	v15 =	vmul.f32 $8.000000000e+00, v19;
	v16 =	vld [tilespmem:s18+$0xFFFFFFE0];
	[tilespmem:v17+s31+$0x0] =	vst.idx.msk $0xffff, v11  }
0x195: {  	v11 =	vadd.s32 v0, v26;
	v17 =	vld [tilespmem:s18+$0x20];
	v18 =	vmul.f32 $8.000000000e+00, v18;
	[tilespmem:v20+s31+$0x0] =	vst.idx.msk $0xffff, v14  }
0x196: {  	v19 =	vadd.s32 v2, v6;
	v14 =	vmul.f32 $8.000000000e+00, v23;
	[tilespmem:v25+s31+$0x0] =	vst.idx.msk $0xffff, v15;
	v15 =	vld [tilespmem:s18+$0xFFFFFFA0]  }
0x197: {  	v23 =	vadd.s32 v2, v7;
	v9 =	vmul.f32 $8.000000000e+00, v9;
	v20 =	vld [tilespmem:s19+$0x50];
	[tilespmem:v10+s31+$0x0] =	vst.idx.msk $0xffff, v18  }
0x198: {  	[tilespmem:v13+s31+$0x0] =	vst.idx.msk $0xffff, v14;
	v10 =	vmul.f32 $8.000000000e+00, v24;
	v14 =	vadd.s32 v2, v8;
	v24 =	vld [tilespmem:s18+$0x70]  }
0x199: {  	v27 =	vadd.s32 v1, v22;
	v25 =	vld [tilespmem:s19+$0xFFFFFF90];
	[tilespmem:v12+s31+$0x0] =	vst.idx.msk $0xffff, v9;
	v9 =	vmul.f32 $8.000000000e+00, v16  }
0x19a: {  	v29 =	vadd.s32 v3, v5;
	v5 =	vmov v22;
	v28 =	vld [tilespmem:s19+$0xFFFFFFD0];
	[tilespmem:v11+s31+$0x0] =	vst.idx.msk $0xffff, v10;
	v10 =	vmul.f32 $8.000000000e+00, v17  }
.Ltmp6:
0x19b: {  	v18 =	vadd.s32 v1, v4;
	v13 =	vld [tilespmem:s19+$0x10];
	v11 =	vmul.f32 $8.000000000e+00, v15;
	[tilespmem:v19+s31+$0x0] =	vst.idx.msk $0xffff, v9;
	(pc) =	sbr.rel @p2 .LBB2_15-.Ltmp6, $4  }
0x19c: {  	v16 =	vadd.s32 v1, v21;
	v15 =	vmul.f32 $8.000000000e+00, v20;
	v12 =	vld [tilespmem:s18+$0xFFFFFFF0];
	[tilespmem:v23+s31+$0x0] =	vst.idx.msk $0xffff, v10  }
0x19d: {  	v9 =	vmov s21;
	v10 =	vadd.s32 v1, v26;
	[tilespmem:v14+s31+$0x0] =	vst.idx.msk $0xffff, v11;
	v11 =	vld [tilespmem:s18+$0x30];
	v23 =	vmul.f32 $8.000000000e+00, v24  }
0x19e: {  	s11 =	sadd.s32 $0x3, s21;
	v9 =	vand.u32 $0x7C, v9;
	v20 =	vmul.f32 $8.000000000e+00, v25;
	[tilespmem:v27+s31+$0x0] =	vst.idx.msk $0xffff, v15;
	v14 =	vld [tilespmem:s18+$0xFFFFFFB0];
	v15 =	vadd.s32 v3, v6;
	v6 =	vmovc v21;
	s18 =	smov.u32 s19;
	s19 =	sadd.s32 $0x100, s19  }
0x19f: {  	v22 =	vmov s11;
	v17 =	vadd.s32 v3, v7;
	v7 =	vmovc v26;
	s21 =	sadd.s32 $0x4, s21;
	v19 =	vld [tilespmem:s19+$0x40];
	v21 =	vmul.f32 $8.000000000e+00, v28;
	[tilespmem:v29+s31+$0x0] =	vst.idx.msk $0xffff, v23  }
0x1a0: {  	s11 =	sadd.s32 $0x1, s20;
	v22 =	vand.u32 $0x7F, v22;
	v28 =	vld [tilespmem:s19+$0xFFFFFF80]  }
0x1a1: {  	s21 =	sadd.s32 $0x2, s20;
	v24 =	vld [tilespmem:s19+$0xFFFFFFC0];
	v23 =	vmov s11;
	v25 =	vadd.s32 v0, v22  }
0x1a2: {  	v27 =	vld [tilespmem:s19+$0x0];
	v51 =	vadd.s32 v0, v9;
	v26 =	vmov s21;
	v23 =	vand.u32 $0x7D, v23  }
0x1a3: {  	v26 =	vand.u32 $0x7E, v26;
	v29 =	vadd.s32 v0, v23  }
0x1a4: {  	[tilespmem:v18+s31+$0x0] =	vst.idx.msk $0xffff, v20;
	v30 =	vadd.s32 v0, v26;
	v19 =	vmul.f32 $8.000000000e+00, v19  }
0x1a5: {  	[tilespmem:v16+s31+$0x0] =	vst.idx.msk $0xffff, v21;
	v54 =	vmul.f32 $8.000000000e+00, v28  }
0x1a6: {  	v52 =	vmul.f32 $8.000000000e+00, v24;
	[tilespmem:v25+s31+$0x0] =	vst.idx.msk $0xffff, v19  }
0x1a7: {  	v53 =	vmul.f32 $8.000000000e+00, v27;
	v55 =	vld [tilespmem:s19+$0x50];
	[tilespmem:v51+s31+$0x0] =	vst.idx.msk $0xffff, v54  }
0x1a8: {  	v13 =	vmul.f32 $8.000000000e+00, v13;
	v8 =	vadd.s32 v3, v8;
	[tilespmem:v29+s31+$0x0] =	vst.idx.msk $0xffff, v52;
	v59 =	vld [tilespmem:s19+$0xFFFFFF90]  }
0x1a9: {  	v12 =	vmul.f32 $8.000000000e+00, v12;
	v57 =	vadd.s32 v1, v22;
	[tilespmem:v30+s31+$0x0] =	vst.idx.msk $0xffff, v53;
	v56 =	vld [tilespmem:s19+$0xFFFFFFD0]  }
0x1aa: {  	[tilespmem:v10+s31+$0x0] =	vst.idx.msk $0xffff, v13;
	v58 =	vmul.f32 $8.000000000e+00, v11;
	v28 =	vadd.s32 v1, v9;
	v19 =	vld [tilespmem:s19+$0x10]  }
0x1ab: {  	v61 =	vld [tilespmem:s18+$0x60];
	v60 =	vadd.s32 v1, v23;
	v14 =	vmul.f32 $8.000000000e+00, v14;
	[tilespmem:v15+s31+$0x0] =	vst.idx.msk $0xffff, v12  }
0x1ac: {  	v32 =	vld [tilespmem:s18+$0xFFFFFFA0];
	v62 =	vadd.s32 v1, v26;
	[tilespmem:v17+s31+$0x0] =	vst.idx.msk $0xffff, v58;
	v16 =	vmul.f32 $8.000000000e+00, v55  }
0x1ad: {  	[tilespmem:v8+s31+$0x0] =	vst.idx.msk $0xffff, v14;
	v29 =	vadd.s32 v2, v5;
	v30 =	vld [tilespmem:s18+$0x20];
	v11 =	vmul.f32 $8.000000000e+00, v59  }
0x1ae: {  	v38 =	vadd.s32 v2, v4;
	v63 =	vld [tilespmem:s18+$0xFFFFFFE0];
	v31 =	vmul.f32 $8.000000000e+00, v56;
	[tilespmem:v57+s31+$0x0] =	vst.idx.msk $0xffff, v16  }
0x1af: {  	v35 =	vadd.s32 v2, v7;
	v34 =	vmul.f32 $8.000000000e+00, v19;
	v36 =	vld [tilespmem:s19+$0x60];
	[tilespmem:v28+s31+$0x0] =	vst.idx.msk $0xffff, v11  }
0x1b0: {  	v33 =	vadd.s32 v2, v6;
	v37 =	vmul.f32 $8.000000000e+00, v61;
	[tilespmem:v60+s31+$0x0] =	vst.idx.msk $0xffff, v31;
	v43 =	vld [tilespmem:s19+$0xFFFFFFA0]  }
0x1b1: {  	v40 =	vadd.s32 v2, v22;
	v14 =	vmul.f32 $8.000000000e+00, v32;
	[tilespmem:v62+s31+$0x0] =	vst.idx.msk $0xffff, v34;
	v39 =	vld [tilespmem:s19+$0xFFFFFFE0]  }
0x1b2: {  	v48 =	vadd.s32 v2, v9;
	[tilespmem:v29+s31+$0x0] =	vst.idx.msk $0xffff, v37;
	v42 =	vmul.f32 $8.000000000e+00, v30;
	v41 =	vld [tilespmem:s19+$0x20]  }
0x1b3: {  	v44 =	vadd.s32 v2, v23;
	v15 =	vmul.f32 $8.000000000e+00, v63;
	[tilespmem:v38+s31+$0x0] =	vst.idx.msk $0xffff, v14;
	v45 =	vld [tilespmem:s18+$0x70]  }
0x1b4: {  	v46 =	vadd.s32 v2, v26;
	v14 =	vld [tilespmem:s18+$0xFFFFFFB0];
	[tilespmem:v35+s31+$0x0] =	vst.idx.msk $0xffff, v42;
	v47 =	vmul.f32 $8.000000000e+00, v36  }
0x1b5: {  	v5 =	vadd.s32 v3, v5;
	[tilespmem:v33+s31+$0x0] =	vst.idx.msk $0xffff, v15;
	v49 =	vld [tilespmem:s18+$0x30];
	v53 =	vmul.f32 $8.000000000e+00, v43  }
0x1b6: {  	v4 =	vadd.s32 v3, v4;
	v21 =	vld [tilespmem:s18+$0xFFFFFFF0];
	v12 =	vmul.f32 $8.000000000e+00, v39;
	[tilespmem:v40+s31+$0x0] =	vst.idx.msk $0xffff, v47  }
0x1b7: {  	v52 =	vadd.s32 v3, v7;
	v51 =	vmul.f32 $8.000000000e+00, v41;
	v10 =	vld [tilespmem:s19+$0x70];
	[tilespmem:v48+s31+$0x0] =	vst.idx.msk $0xffff, v53  }
0x1b8: {  	v50 =	vadd.s32 v3, v6;
	v54 =	vmul.f32 $8.000000000e+00, v45;
	[tilespmem:v44+s31+$0x0] =	vst.idx.msk $0xffff, v12;
	v59 =	vld [tilespmem:s19+$0xFFFFFFB0]  }
0x1b9: {  	v57 =	vadd.s32 v3, v22;
	v14 =	vmul.f32 $8.000000000e+00, v14;
	[tilespmem:v46+s31+$0x0] =	vst.idx.msk $0xffff, v51;
	v55 =	vld [tilespmem:s19+$0xFFFFFFF0]  }
0x1ba: {  	v62 =	vadd.s32 v3, v9;
	[tilespmem:v5+s31+$0x0] =	vst.idx.msk $0xffff, v54;
	v5 =	vmul.f32 $8.000000000e+00, v49;
	v58 =	vld [tilespmem:s19+$0x30]  }
0x1bb: {  	v56 =	vmul.f32 $8.000000000e+00, v21;
	v60 =	vadd.s32 v3, v23;
	[tilespmem:v4+s31+$0x0] =	vst.idx.msk $0xffff, v14  }
0x1bc: {  	v61 =	vadd.s32 v3, v26;
	[tilespmem:v52+s31+$0x0] =	vst.idx.msk $0xffff, v5;
	v5 =	vmul.f32 $8.000000000e+00, v10  }
0x1bd: {  	[tilespmem:v50+s31+$0x0] =	vst.idx.msk $0xffff, v56;
	v63 =	vmul.f32 $8.000000000e+00, v59  }
0x1be: {  	v4 =	vmul.f32 $8.000000000e+00, v55;
	[tilespmem:v57+s31+$0x0] =	vst.idx.msk $0xffff, v5  }
0x1bf: {  	v5 =	vmul.f32 $8.000000000e+00, v58;
	[tilespmem:v62+s31+$0x0] =	vst.idx.msk $0xffff, v63  }
0x1c0: {  	s11 =	sadd.s32 @!p1 $0x380, s15;
	[tilespmem:v60+s31+$0x0] =	vst.idx.msk $0xffff, v4  }
0x1c1: {  	s15 =	simm.s32 @!p1 $0x80;
	s11 =	sand.u32 @!p1 $0x1FF80, s11;
	s18 =	simm.s32 @!p1 $0xA400;
	[tilespmem:v61+s31+$0x0] =	vst.idx.msk $0xffff, v5  }
0x1c2: {  	[tilespmem:s18], [sflag:$0x3] =	stream.indirect.gather @!p1 [hbm4b:s5+s15], $0x40, s11, s15, $0xb8;
	[tilespmem:$0x1AE00] =	vst v63  }
0x1c3: {  	s22 =	sadd.s32 s9, s12;
	_ =	swait.ge [sflag:s0], $0x2000  }
0x1c4: {  	s11 =	sshrl.u32 s22, $0x3;
	[sflag:s0] =	ssyncset.done $0x0  }
0x1c5: {  	s24 =	simm.s32 $0x14800;
	s11 =	sadd.s32 s1, s11;
	[sflag:s0] =	ssyncadd.s32 $0xFFFFE000  }
0x1c6: {  	[hbm4b:s11+s3] =	stream.linear.scatter [tilespmem:s24], [sflag:$0x8], $0x80, $0x38;
	[tilespmem:$0x1AE00] =	vst v63  }
0x1c7: {  	s18 =	simm.s32 $0x14888;
	s19 =	sadd.s32 $0x10, s11  }
0x1c8: {  	[hbm4b:s19+s3] =	stream.linear.scatter [tilespmem:s18], [sflag:$0x8], $0x80, $0x38;
	[tilespmem:$0x1AE00] =	vst v63  }
0x1c9: {  	s20 =	simm.s32 $0x14910;
	s22 =	simm.s32 $0x14998;
	s21 =	sadd.s32 $0x20, s11  }
0x1ca: {  	[hbm4b:s21+s3] =	stream.linear.scatter [tilespmem:s20], [sflag:$0x8], $0x80, $0x38;
	[tilespmem:$0x1AE00] =	vst v63  }
0x1cb: {  	s15 =	simm.s32 $0x440;
	s24 =	sadd.s32 $0x30, s11;
	s18 =	simm.s32 $0x14A20  }
0x1cc: {  	[hbm4b:s24+s3] =	stream.linear.scatter [tilespmem:s22], [sflag:$0x8], $0x80, $0x38;
	[tilespmem:$0x1AE00] =	vst v63  }
0x1cd: {  	s19 =	sadd.s32 $0x40, s11;
	s20 =	simm.s32 $0x14AA8;
	s21 =	sadd.s32 $0x50, s11  }
0x1ce: {  	[hbm4b:s19+s3] =	stream.linear.scatter [tilespmem:s18], [sflag:$0x8], $0x80, $0x38;
	[tilespmem:$0x1AE00] =	vst v63  }
0x1cf: {  	s22 =	simm.s32 $0x14B30;
	s24 =	sadd.s32 $0x60, s11;
	s19 =	simm.s32 $0x2200  }
0x1d0: {  	[hbm4b:s21+s3] =	stream.linear.scatter [tilespmem:s20], [sflag:$0x8], $0x80, $0x38;
	[tilespmem:$0x1AE00] =	vst v63  }
0x1d1: {  	s18 =	sadd.s32 $0x1000, s11;
	s20 =	simm.s32 $0x14BB8;
	s21 =	sadd.s32 $0x70, s11  }
0x1d2: {  	[hbm4b:s24+s3] =	stream.linear.scatter [tilespmem:s22], [sflag:$0x8], $0x80, $0x38;
	[tilespmem:$0x1AE00] =	vst v63  }
.LBB2_17:
0x1d3: {  	[hbm4b:s21+s3] =	stream.linear.scatter [tilespmem:s20], [sflag:$0x8], $0x80, $0x38;
	[tilespmem:$0x1AE00] =	vst v63  }
0x1d4: {  	s11 =	smov.u32 s15;
	s15 =	smov.u32 s19  }
0x1d5: {  	s22 =	sadd.s32 $0x1100, s19;
	s15 =	sshra.s32 s15, $0x2;
	s20 =	sadd.s32 $0x14800, s11  }
0x1d6: {  	[hbm4b:s18+s3] =	stream.linear.scatter [tilespmem:s20], [sflag:$0x8], $0x80, $0x38;
	[tilespmem:$0x1AE00] =	vst v63  }
0x1d7: {  	p2 =	sne.s32 s19, $0x7700;
	s19 =	sadd.s32 $0x14888, s11;
	s20 =	sadd.s32 $0x10, s18  }
0x1d8: {  	[hbm4b:s20+s3] =	stream.linear.scatter [tilespmem:s19], [sflag:$0x8], $0x80, $0x38;
	[tilespmem:$0x1AE00] =	vst v63  }
0x1d9: {  	s19 =	sadd.s32 $0x14910, s11;
	s20 =	sadd.s32 $0x20, s18  }
0x1da: {  	[hbm4b:s20+s3] =	stream.linear.scatter [tilespmem:s19], [sflag:$0x8], $0x80, $0x38;
	[tilespmem:$0x1AE00] =	vst v63  }
0x1db: {  	s19 =	sadd.s32 $0x14998, s11;
	s20 =	sadd.s32 $0x30, s18  }
0x1dc: {  	[hbm4b:s20+s3] =	stream.linear.scatter [tilespmem:s19], [sflag:$0x8], $0x80, $0x38;
	[tilespmem:$0x1AE00] =	vst v63  }
0x1dd: {  	s19 =	sadd.s32 $0x14A20, s11;
	s20 =	sadd.s32 $0x40, s18  }
0x1de: {  	[hbm4b:s20+s3] =	stream.linear.scatter [tilespmem:s19], [sflag:$0x8], $0x80, $0x38;
	[tilespmem:$0x1AE00] =	vst v63  }
.Ltmp7:
0x1df: {  	s19 =	sadd.s32 $0x14AA8, s11;
	s20 =	sadd.s32 $0x50, s18;
	(pc) =	sbr.rel @p2 .LBB2_17-.Ltmp7, $4  }
0x1e0: {  	[hbm4b:s20+s3] =	stream.linear.scatter [tilespmem:s19], [sflag:$0x8], $0x80, $0x38;
	[tilespmem:$0x1AE00] =	vst v63  }
0x1e1: {  	s21 =	sadd.s32 $0x70, s18;
	s19 =	sadd.s32 $0x14B30, s11;
	s20 =	sadd.s32 $0x60, s18  }
0x1e2: {  	[hbm4b:s20+s3] =	stream.linear.scatter [tilespmem:s19], [sflag:$0x8], $0x80, $0x38;
	[tilespmem:$0x1AE00] =	vst v63  }
0x1e3: {  	s18 =	sadd.s32 $0x1000, s18;
	s20 =	sadd.s32 $0x14BB8, s11;
	s19 =	smov.u32 s22  }
0x1e4: {  	[hbm4b:s21+s3] =	stream.linear.scatter [tilespmem:s20], [sflag:$0x8], $0x80, $0x38;
	[tilespmem:$0x1AE00] =	vst v63  }
0x1e5: {  	s11 =	sadd.s32 $0x14800, s15  }
0x1e6: {  	[hbm4b:s18+s3] =	stream.linear.scatter [tilespmem:s11], [sflag:$0x8], $0x80, $0x38;
	[tilespmem:$0x1AE00] =	vst v63  }
0x1e7: {  	s21 =	sadd.s32 $0x14888, s15;
	s19 =	sadd.s32 $0x10, s18  }
0x1e8: {  	[hbm4b:s19+s3] =	stream.linear.scatter [tilespmem:s21], [sflag:$0x8], $0x80, $0x38;
	[tilespmem:$0x1AE00] =	vst v63  }
0x1e9: {  	s22 =	sadd.s32 $0x14910, s15;
	s24 =	sadd.s32 $0x20, s18  }
0x1ea: {  	[hbm4b:s24+s3] =	stream.linear.scatter [tilespmem:s22], [sflag:$0x8], $0x80, $0x38;
	[tilespmem:$0x1AE00] =	vst v63  }
0x1eb: {  	s20 =	sadd.s32 $0x14998, s15;
	s21 =	sadd.s32 $0x30, s18  }
0x1ec: {  	[hbm4b:s21+s3] =	stream.linear.scatter [tilespmem:s20], [sflag:$0x8], $0x80, $0x38;
	[tilespmem:$0x1AE00] =	vst v63  }
0x1ed: {  	s22 =	sadd.s32 $0x14A20, s15;
	s24 =	sadd.s32 $0x40, s18  }
0x1ee: {  	[hbm4b:s24+s3] =	stream.linear.scatter [tilespmem:s22], [sflag:$0x8], $0x80, $0x38;
	[tilespmem:$0x1AE00] =	vst v63  }
0x1ef: {  	s20 =	sadd.s32 $0x14AA8, s15;
	s21 =	sadd.s32 $0x50, s18  }
0x1f0: {  	[hbm4b:s21+s3] =	stream.linear.scatter [tilespmem:s20], [sflag:$0x8], $0x80, $0x38;
	[tilespmem:$0x1AE00] =	vst v63  }
0x1f1: {  	s22 =	sadd.s32 $0x14B30, s15;
	s24 =	sadd.s32 $0x60, s18  }
0x1f2: {  	[hbm4b:s24+s3] =	stream.linear.scatter [tilespmem:s22], [sflag:$0x8], $0x80, $0x38;
	[tilespmem:$0x1AE00] =	vst v63  }
0x1f3: {  	s11 =	simm.s32 @!p0 $0x9;
	s15 =	sadd.s32 $0x14BB8, s15;
	s18 =	sadd.s32 $0x70, s18  }
0x1f4: {  	[hbm4b:s18+s3] =	stream.linear.scatter [tilespmem:s15], [sflag:$0x8], $0x80, $0x38;
	[tilespmem:$0x1AE00] =	vst v63  }
0x1f5: {  	_ =	swait.ge @!p0 [sflag:s11], $0x2000  }
0x1f6: {  	[sflag:s11] =	ssyncset.done @!p0 $0x0  }
0x1f7: {  	s19 =	simm.s32 $0x3;
	s20 =	simm.s32 $0xC480;
	[sflag:s11] =	ssyncadd.s32 @!p0 $0xFFFFE000  }
0x1f8: {  	v4 =	vmov s19;
	v5 =	vld [tilespmem:s20+$0x40]  }
0x1f9: {  	v9 =	vand.u32 $0x7F, v4  }
0x1fa: {  	v4 =	vadd.s32 v0, v9;
	s21 =	simm.s32 $0x0  }
0x1fb: {  	v6 =	vmov s21;
	s22 =	simm.s32 $0x1;
	s24 =	simm.s32 $0x2;
	v7 =	vld [tilespmem:s20+$0xFFFFFF80]  }
0x1fc: {  	v8 =	vand.u32 $0x7C, v6;
	v6 =	vmov s22;
	v11 =	vmov s24;
	v10 =	vld [tilespmem:s20+$0xFFFFFFC0]  }
0x1fd: {  	v12 =	vadd.s32 v0, v8;
	v15 =	vand.u32 $0x7D, v6;
	v6 =	vld [tilespmem:s20+$0x0];
	v5 =	vmul.f32 $8.000000000e+00, v5  }
0x1fe: {  	v17 =	vand.u32 $0x7E, v11;
	v13 =	vadd.s32 v0, v15  }
0x1ff: {  	v11 =	vadd.s32 v0, v17;
	[tilespmem:v4+s2+$0x0] =	vst.idx.msk $0xffff, v5  }
0x200: {  	v4 =	vmul.f32 $8.000000000e+00, v7;
	v5 =	vld [tilespmem:s20+$0x50]  }
0x201: {  	v7 =	vmul.f32 $8.000000000e+00, v10  }
0x202: {  	[tilespmem:v12+s2+$0x0] =	vst.idx.msk $0xffff, v4;
	v4 =	vmul.f32 $8.000000000e+00, v6;
	v6 =	vadd.s32 v1, v9  }
0x203: {  	[tilespmem:v13+s2+$0x0] =	vst.idx.msk $0xffff, v7;
	v10 =	vld [tilespmem:s20+$0xFFFFFF90]  }
0x204: {  	v7 =	vld [tilespmem:s20+$0xFFFFFFD0];
	[tilespmem:v11+s2+$0x0] =	vst.idx.msk $0xffff, v4  }
0x205: {  	v11 =	vld [tilespmem:s20+$0x10];
	v4 =	vmul.f32 $8.000000000e+00, v5  }
0x206: {  	s19 =	simm.s32 $0x7;
	s18 =	simm.s32 $0x4;
	s15 =	simm.s32 $0xC580;
	v12 =	vadd.s32 v1, v15  }
0x207: {  	v14 =	vld [tilespmem:s15+$0x40];
	v13 =	vadd.s32 v1, v17;
	v5 =	vmov s18;
	[tilespmem:v6+s2+$0x0] =	vst.idx.msk $0xffff, v4;
	v6 =	vmov s19  }
0x208: {  	v16 =	vadd.s32 v1, v8;
	v4 =	vand.u32 $0x7C, v5;
	v5 =	vand.u32 $0x7F, v6;
	v18 =	vld [tilespmem:s20+$0x60]  }
0x209: {  	v22 =	vadd.s32 v2, v9;
	s21 =	simm.s32 $0x5;
	v19 =	vld [tilespmem:s15+$0xFFFFFF80];
	v6 =	vmul.f32 $8.000000000e+00, v7;
	v20 =	vadd.s32 v0, v5  }
0x20a: {  	s22 =	simm.s32 $0x6;
	v21 =	vld [tilespmem:s15+$0xFFFFFFC0];
	v10 =	vmul.f32 $8.000000000e+00, v10;
	v7 =	vmul.f32 $8.000000000e+00, v11;
	v11 =	vmov s21  }
0x20b: {  	v23 =	vadd.s32 v0, v4;
	[tilespmem:v12+s2+$0x0] =	vst.idx.msk $0xffff, v6;
	v12 =	vmov s22;
	v6 =	vand.u32 $0x7D, v11;
	v11 =	vld [tilespmem:s15+$0x0]  }
0x20c: {  	[tilespmem:v13+s2+$0x0] =	vst.idx.msk $0xffff, v7;
	v13 =	vadd.s32 v0, v6;
	v7 =	vand.u32 $0x7E, v12;
	v12 =	vmul.f32 $8.000000000e+00, v14;
	v14 =	vld [tilespmem:s20+$0xFFFFFFE0]  }
0x20d: {  	[tilespmem:v16+s2+$0x0] =	vst.idx.msk $0xffff, v10;
	v10 =	vadd.s32 v0, v7;
	v16 =	vld [tilespmem:s20+$0x20];
	v18 =	vmul.f32 $8.000000000e+00, v18  }
0x20e: {  	v19 =	vmul.f32 $8.000000000e+00, v19;
	[tilespmem:v20+s2+$0x0] =	vst.idx.msk $0xffff, v12;
	v12 =	vld [tilespmem:s20+$0xFFFFFFA0];
	v20 =	vadd.s32 v2, v15  }
0x20f: {  	v25 =	vadd.s32 v2, v17;
	v21 =	vmul.f32 $8.000000000e+00, v21;
	v24 =	vld [tilespmem:s15+$0x50];
	[tilespmem:v22+s2+$0x0] =	vst.idx.msk $0xffff, v18  }
0x210: {  	[tilespmem:v23+s2+$0x0] =	vst.idx.msk $0xffff, v19;
	v19 =	vadd.s32 v2, v8;
	v11 =	vmul.f32 $8.000000000e+00, v11;
	v22 =	vld [tilespmem:s20+$0x70]  }
0x211: {  	v23 =	vld [tilespmem:s15+$0xFFFFFF90];
	[tilespmem:v13+s2+$0x0] =	vst.idx.msk $0xffff, v21;
	v21 =	vadd.s32 v1, v5;
	v14 =	vmul.f32 $8.000000000e+00, v14  }
0x212: {  	v27 =	vadd.s32 v3, v9;
	v26 =	vld [tilespmem:s15+$0xFFFFFFD0];
	[tilespmem:v10+s2+$0x0] =	vst.idx.msk $0xffff, v11;
	v10 =	vmul.f32 $8.000000000e+00, v16  }
0x213: {  	v18 =	vadd.s32 v1, v4;
	v13 =	vld [tilespmem:s15+$0x10];
	v9 =	vmul.f32 $8.000000000e+00, v12;
	[tilespmem:v20+s2+$0x0] =	vst.idx.msk $0xffff, v14  }
0x214: {  	s19 =	simm.s32 $0x8;
	v16 =	vadd.s32 v1, v6;
	[tilespmem:v25+s2+$0x0] =	vst.idx.msk $0xffff, v10;
	v14 =	vmul.f32 $8.000000000e+00, v24;
	v12 =	vld [tilespmem:s20+$0xFFFFFFF0]  }
0x215: {  	v20 =	vmov s19;
	v10 =	vadd.s32 v1, v7;
	v11 =	vld [tilespmem:s20+$0x30];
	[tilespmem:v19+s2+$0x0] =	vst.idx.msk $0xffff, v9;
	v63 =	vmul.f32 $8.000000000e+00, v22  }
0x216: {  	s24 =	simm.s32 $0xB;
	s18 =	simm.s32 $0xC680;
	v15 =	vadd.s32 v3, v15;
	v9 =	vand.u32 $0x7C, v20;
	v20 =	vmul.f32 $8.000000000e+00, v23;
	[tilespmem:v21+s2+$0x0] =	vst.idx.msk $0xffff, v14;
	v14 =	vld [tilespmem:s20+$0xFFFFFFB0]  }
0x217: {  	v17 =	vadd.s32 v3, v17;
	v22 =	vmov s24;
	v19 =	vld [tilespmem:s18+$0x40];
	s20 =	simm.s32 $0xC;
	v21 =	vmul.f32 $8.000000000e+00, v26;
	[tilespmem:v27+s2+$0x0] =	vst.idx.msk $0xffff, v63  }
.LBB2_19:
0x218: {  	p2 =	slt.u32 s20, $0x7C;
	s11 =	sadd.s32 $0x1, s19;
	v22 =	vand.u32 $0x7F, v22;
	[tilespmem:v18+s2+$0x0] =	vst.idx.msk $0xffff, v20;
	v13 =	vmul.f32 $8.000000000e+00, v13;
	v18 =	vld [tilespmem:s15+$0x60];
	v20 =	vadd.s32 v3, v8;
	v8 =	vmovc v4  }
0x219: {  	v4 =	vmovc v9;
	v23 =	vld [tilespmem:s18+$0xFFFFFF80];
	v24 =	vmov s11;
	s11 =	sadd.s32 $0x2, s19;
	v25 =	vadd.s32 v0, v22;
	[tilespmem:v16+s2+$0x0] =	vst.idx.msk $0xffff, v21;
	v12 =	vmul.f32 $8.000000000e+00, v12;
	s19 =	smov.u32 s20  }
0x21a: {  	v9 =	vld [tilespmem:s18+$0xFFFFFFC0];
	v16 =	vmov s11;
	[tilespmem:v10+s2+$0x0] =	vst.idx.msk $0xffff, v13;
	v10 =	vadd.s32 v2, v5;
	v11 =	vmul.f32 $8.000000000e+00, v11  }
0x21b: {  	v13 =	vadd.s32 v0, v4;
	v21 =	vand.u32 $0x7D, v24;
	v24 =	vld [tilespmem:s18+$0x0];
	v14 =	vmul.f32 $8.000000000e+00, v14;
	[tilespmem:v15+s2+$0x0] =	vst.idx.msk $0xffff, v12  }
0x21c: {  	v12 =	vadd.s32 v0, v21;
	v26 =	vand.u32 $0x7E, v16;
	v15 =	vmul.f32 $8.000000000e+00, v19;
	v16 =	vld [tilespmem:s15+$0xFFFFFFE0];
	[tilespmem:v17+s2+$0x0] =	vst.idx.msk $0xffff, v11  }
0x21d: {  	v11 =	vadd.s32 v0, v26;
	v17 =	vld [tilespmem:s15+$0x20];
	v18 =	vmul.f32 $8.000000000e+00, v18;
	[tilespmem:v20+s2+$0x0] =	vst.idx.msk $0xffff, v14  }
0x21e: {  	v19 =	vadd.s32 v2, v6;
	v14 =	vmul.f32 $8.000000000e+00, v23;
	[tilespmem:v25+s2+$0x0] =	vst.idx.msk $0xffff, v15;
	v15 =	vld [tilespmem:s15+$0xFFFFFFA0]  }
0x21f: {  	v23 =	vadd.s32 v2, v7;
	v9 =	vmul.f32 $8.000000000e+00, v9;
	v20 =	vld [tilespmem:s18+$0x50];
	[tilespmem:v10+s2+$0x0] =	vst.idx.msk $0xffff, v18  }
0x220: {  	[tilespmem:v13+s2+$0x0] =	vst.idx.msk $0xffff, v14;
	v10 =	vmul.f32 $8.000000000e+00, v24;
	v14 =	vadd.s32 v2, v8;
	v24 =	vld [tilespmem:s15+$0x70]  }
0x221: {  	v27 =	vadd.s32 v1, v22;
	v25 =	vld [tilespmem:s18+$0xFFFFFF90];
	[tilespmem:v12+s2+$0x0] =	vst.idx.msk $0xffff, v9;
	v9 =	vmul.f32 $8.000000000e+00, v16  }
0x222: {  	v29 =	vadd.s32 v3, v5;
	v5 =	vmov v22;
	v28 =	vld [tilespmem:s18+$0xFFFFFFD0];
	[tilespmem:v11+s2+$0x0] =	vst.idx.msk $0xffff, v10;
	v10 =	vmul.f32 $8.000000000e+00, v17  }
.Ltmp8:
0x223: {  	v18 =	vadd.s32 v1, v4;
	v13 =	vld [tilespmem:s18+$0x10];
	v11 =	vmul.f32 $8.000000000e+00, v15;
	[tilespmem:v19+s2+$0x0] =	vst.idx.msk $0xffff, v9;
	(pc) =	sbr.rel @p2 .LBB2_19-.Ltmp8, $4  }
0x224: {  	v16 =	vadd.s32 v1, v21;
	v15 =	vmul.f32 $8.000000000e+00, v20;
	v12 =	vld [tilespmem:s15+$0xFFFFFFF0];
	[tilespmem:v23+s2+$0x0] =	vst.idx.msk $0xffff, v10  }
0x225: {  	v9 =	vmov s20;
	v10 =	vadd.s32 v1, v26;
	[tilespmem:v14+s2+$0x0] =	vst.idx.msk $0xffff, v11;
	v11 =	vld [tilespmem:s15+$0x30];
	v23 =	vmul.f32 $8.000000000e+00, v24  }
0x226: {  	s11 =	sadd.s32 $0x3, s20;
	v9 =	vand.u32 $0x7C, v9;
	v20 =	vmul.f32 $8.000000000e+00, v25;
	[tilespmem:v27+s2+$0x0] =	vst.idx.msk $0xffff, v15;
	v14 =	vld [tilespmem:s15+$0xFFFFFFB0];
	v15 =	vadd.s32 v3, v6;
	v6 =	vmovc v21;
	s15 =	smov.u32 s18;
	s18 =	sadd.s32 $0x100, s18  }
0x227: {  	v22 =	vmov s11;
	v17 =	vadd.s32 v3, v7;
	v7 =	vmovc v26;
	s20 =	sadd.s32 $0x4, s20;
	v19 =	vld [tilespmem:s18+$0x40];
	v21 =	vmul.f32 $8.000000000e+00, v28;
	[tilespmem:v29+s2+$0x0] =	vst.idx.msk $0xffff, v23  }
0x228: {  	s11 =	sadd.s32 $0x1, s19;
	v22 =	vand.u32 $0x7F, v22;
	v28 =	vld [tilespmem:s18+$0xFFFFFF80]  }
0x229: {  	s24 =	sadd.s32 $0x2, s19;
	v24 =	vld [tilespmem:s18+$0xFFFFFFC0];
	v23 =	vmov s11;
	v25 =	vadd.s32 v0, v22  }
0x22a: {  	v27 =	vld [tilespmem:s18+$0x0];
	v51 =	vadd.s32 v0, v9;
	v26 =	vmov s24;
	v23 =	vand.u32 $0x7D, v23  }
0x22b: {  	v26 =	vand.u32 $0x7E, v26;
	v29 =	vadd.s32 v0, v23  }
0x22c: {  	[tilespmem:v18+s2+$0x0] =	vst.idx.msk $0xffff, v20;
	v30 =	vadd.s32 v0, v26;
	v19 =	vmul.f32 $8.000000000e+00, v19  }
0x22d: {  	[tilespmem:v16+s2+$0x0] =	vst.idx.msk $0xffff, v21;
	v54 =	vmul.f32 $8.000000000e+00, v28  }
0x22e: {  	v52 =	vmul.f32 $8.000000000e+00, v24;
	[tilespmem:v25+s2+$0x0] =	vst.idx.msk $0xffff, v19  }
0x22f: {  	v53 =	vmul.f32 $8.000000000e+00, v27;
	v55 =	vld [tilespmem:s18+$0x50];
	[tilespmem:v51+s2+$0x0] =	vst.idx.msk $0xffff, v54  }
0x230: {  	v13 =	vmul.f32 $8.000000000e+00, v13;
	v8 =	vadd.s32 v3, v8;
	[tilespmem:v29+s2+$0x0] =	vst.idx.msk $0xffff, v52;
	v59 =	vld [tilespmem:s18+$0xFFFFFF90]  }
0x231: {  	v12 =	vmul.f32 $8.000000000e+00, v12;
	v57 =	vadd.s32 v1, v22;
	[tilespmem:v30+s2+$0x0] =	vst.idx.msk $0xffff, v53;
	v56 =	vld [tilespmem:s18+$0xFFFFFFD0]  }
0x232: {  	[tilespmem:v10+s2+$0x0] =	vst.idx.msk $0xffff, v13;
	v58 =	vmul.f32 $8.000000000e+00, v11;
	v28 =	vadd.s32 v1, v9;
	v19 =	vld [tilespmem:s18+$0x10]  }
0x233: {  	v61 =	vld [tilespmem:s15+$0x60];
	v60 =	vadd.s32 v1, v23;
	v14 =	vmul.f32 $8.000000000e+00, v14;
	[tilespmem:v15+s2+$0x0] =	vst.idx.msk $0xffff, v12  }
0x234: {  	v32 =	vld [tilespmem:s15+$0xFFFFFFA0];
	v62 =	vadd.s32 v1, v26;
	[tilespmem:v17+s2+$0x0] =	vst.idx.msk $0xffff, v58;
	v16 =	vmul.f32 $8.000000000e+00, v55  }
0x235: {  	[tilespmem:v8+s2+$0x0] =	vst.idx.msk $0xffff, v14;
	v29 =	vadd.s32 v2, v5;
	v30 =	vld [tilespmem:s15+$0x20];
	v11 =	vmul.f32 $8.000000000e+00, v59  }
0x236: {  	v38 =	vadd.s32 v2, v4;
	v63 =	vld [tilespmem:s15+$0xFFFFFFE0];
	v31 =	vmul.f32 $8.000000000e+00, v56;
	[tilespmem:v57+s2+$0x0] =	vst.idx.msk $0xffff, v16  }
0x237: {  	v35 =	vadd.s32 v2, v7;
	v34 =	vmul.f32 $8.000000000e+00, v19;
	v36 =	vld [tilespmem:s18+$0x60];
	[tilespmem:v28+s2+$0x0] =	vst.idx.msk $0xffff, v11  }
0x238: {  	v33 =	vadd.s32 v2, v6;
	v37 =	vmul.f32 $8.000000000e+00, v61;
	[tilespmem:v60+s2+$0x0] =	vst.idx.msk $0xffff, v31;
	v43 =	vld [tilespmem:s18+$0xFFFFFFA0]  }
0x239: {  	v40 =	vadd.s32 v2, v22;
	v14 =	vmul.f32 $8.000000000e+00, v32;
	[tilespmem:v62+s2+$0x0] =	vst.idx.msk $0xffff, v34;
	v39 =	vld [tilespmem:s18+$0xFFFFFFE0]  }
0x23a: {  	v48 =	vadd.s32 v2, v9;
	[tilespmem:v29+s2+$0x0] =	vst.idx.msk $0xffff, v37;
	v42 =	vmul.f32 $8.000000000e+00, v30;
	v41 =	vld [tilespmem:s18+$0x20]  }
0x23b: {  	v44 =	vadd.s32 v2, v23;
	v15 =	vmul.f32 $8.000000000e+00, v63;
	[tilespmem:v38+s2+$0x0] =	vst.idx.msk $0xffff, v14;
	v45 =	vld [tilespmem:s15+$0x70]  }
0x23c: {  	v46 =	vadd.s32 v2, v26;
	v14 =	vld [tilespmem:s15+$0xFFFFFFB0];
	[tilespmem:v35+s2+$0x0] =	vst.idx.msk $0xffff, v42;
	v47 =	vmul.f32 $8.000000000e+00, v36  }
0x23d: {  	v5 =	vadd.s32 v3, v5;
	[tilespmem:v33+s2+$0x0] =	vst.idx.msk $0xffff, v15;
	v49 =	vld [tilespmem:s15+$0x30];
	v53 =	vmul.f32 $8.000000000e+00, v43  }
0x23e: {  	v4 =	vadd.s32 v3, v4;
	v21 =	vld [tilespmem:s15+$0xFFFFFFF0];
	v12 =	vmul.f32 $8.000000000e+00, v39;
	[tilespmem:v40+s2+$0x0] =	vst.idx.msk $0xffff, v47  }
0x23f: {  	v52 =	vadd.s32 v3, v7;
	v51 =	vmul.f32 $8.000000000e+00, v41;
	v10 =	vld [tilespmem:s18+$0x70];
	[tilespmem:v48+s2+$0x0] =	vst.idx.msk $0xffff, v53  }
0x240: {  	v50 =	vadd.s32 v3, v6;
	v54 =	vmul.f32 $8.000000000e+00, v45;
	[tilespmem:v44+s2+$0x0] =	vst.idx.msk $0xffff, v12;
	v59 =	vld [tilespmem:s18+$0xFFFFFFB0]  }
0x241: {  	v57 =	vadd.s32 v3, v22;
	v14 =	vmul.f32 $8.000000000e+00, v14;
	[tilespmem:v46+s2+$0x0] =	vst.idx.msk $0xffff, v51;
	v55 =	vld [tilespmem:s18+$0xFFFFFFF0]  }
0x242: {  	v62 =	vadd.s32 v3, v9;
	[tilespmem:v5+s2+$0x0] =	vst.idx.msk $0xffff, v54;
	v5 =	vmul.f32 $8.000000000e+00, v49;
	v58 =	vld [tilespmem:s18+$0x30]  }
0x243: {  	v56 =	vmul.f32 $8.000000000e+00, v21;
	v60 =	vadd.s32 v3, v23;
	[tilespmem:v4+s2+$0x0] =	vst.idx.msk $0xffff, v14  }
0x244: {  	s11 =	smul.u32 @!p1 $0xA00, s23;
	v61 =	vadd.s32 v3, v26;
	[tilespmem:v52+s2+$0x0] =	vst.idx.msk $0xffff, v5;
	v5 =	vmul.f32 $8.000000000e+00, v10  }
0x245: {  	[tilespmem:v50+s2+$0x0] =	vst.idx.msk $0xffff, v56;
	v63 =	vmul.f32 $8.000000000e+00, v59  }
0x246: {  	s11 =	sadd.s32 @!p1 $0x1000, s11;
	s15 =	smul.u32 @!p1 $0x280, s23;
	v4 =	vmul.f32 $8.000000000e+00, v55;
	[tilespmem:v57+s2+$0x0] =	vst.idx.msk $0xffff, v5  }
0x247: {  	s11 =	sand.u32 @!p1 $0x7F000, s11;
	v5 =	vmul.f32 $8.000000000e+00, v58;
	[tilespmem:v62+s2+$0x0] =	vst.idx.msk $0xffff, v63  }
0x248: {  	s11 =	sshrl.u32 @!p1 s11, $0x2;
	s15 =	sand.u32 @!p1 $0x380, s15;
	[tilespmem:v60+s2+$0x0] =	vst.idx.msk $0xffff, v4  }
0x249: {  	s11 =	sor.u32 @!p1 s15, s11;
	s15 =	simm.s32 @!p1 $0x80;
	s18 =	simm.s32 @!p1 $0xC400;
	[tilespmem:v61+s2+$0x0] =	vst.idx.msk $0xffff, v5  }
0x24a: {  	[tilespmem:s18], [sflag:$0x4] =	stream.indirect.gather @!p1 [hbm4b:s5+s15], $0x40, s11, s15, $0xb8;
	[tilespmem:$0x1AE00] =	vst v63  }
0x24b: {  	s12 =	sadd.s32 s10, s12;
	_ =	swait.ge [sflag:s13], $0x2000  }
0x24c: {  	s11 =	sshrl.u32 s12, $0x3;
	[sflag:s13] =	ssyncset.done $0x0  }
0x24d: {  	s15 =	simm.s32 $0x16A00;
	s11 =	sadd.s32 s1, s11;
	[sflag:s13] =	ssyncadd.s32 $0xFFFFE000  }
0x24e: {  	[hbm4b:s11+s3] =	stream.linear.scatter [tilespmem:s15], [sflag:$0x9], $0x80, $0x38;
	[tilespmem:$0x1AE00] =	vst v63  }
0x24f: {  	s18 =	simm.s32 $0x16A88;
	s19 =	sadd.s32 $0x10, s11  }
0x250: {  	[hbm4b:s19+s3] =	stream.linear.scatter [tilespmem:s18], [sflag:$0x9], $0x80, $0x38;
	[tilespmem:$0x1AE00] =	vst v63  }
0x251: {  	s20 =	simm.s32 $0x16B10;
	s22 =	simm.s32 $0x16B98;
	s21 =	sadd.s32 $0x20, s11  }
0x252: {  	[hbm4b:s21+s3] =	stream.linear.scatter [tilespmem:s20], [sflag:$0x9], $0x80, $0x38;
	[tilespmem:$0x1AE00] =	vst v63  }
0x253: {  	s12 =	simm.s32 $0x440;
	s24 =	sadd.s32 $0x30, s11;
	s15 =	sadd.s32 $0x1000, s11  }
0x254: {  	[hbm4b:s24+s3] =	stream.linear.scatter [tilespmem:s22], [sflag:$0x9], $0x80, $0x38;
	[tilespmem:$0x1AE00] =	vst v63  }
0x255: {  	s18 =	simm.s32 $0x16C20;
	s19 =	sadd.s32 $0x40, s11;
	s20 =	simm.s32 $0x16CA8  }
0x256: {  	[hbm4b:s19+s3] =	stream.linear.scatter [tilespmem:s18], [sflag:$0x9], $0x80, $0x38;
	[tilespmem:$0x1AE00] =	vst v63  }
0x257: {  	s21 =	sadd.s32 $0x50, s11;
	s22 =	simm.s32 $0x16D30;
	s24 =	sadd.s32 $0x60, s11  }
0x258: {  	[hbm4b:s21+s3] =	stream.linear.scatter [tilespmem:s20], [sflag:$0x9], $0x80, $0x38;
	[tilespmem:$0x1AE00] =	vst v63  }
0x259: {  	s18 =	simm.s32 $0x2200;
	s19 =	simm.s32 $0x16DB8;
	s20 =	sadd.s32 $0x70, s11  }
0x25a: {  	[hbm4b:s24+s3] =	stream.linear.scatter [tilespmem:s22], [sflag:$0x9], $0x80, $0x38;
	[tilespmem:$0x1AE00] =	vst v63  }
.LBB2_21:
0x25b: {  	[hbm4b:s20+s3] =	stream.linear.scatter [tilespmem:s19], [sflag:$0x9], $0x80, $0x38;
	[tilespmem:$0x1AE00] =	vst v63  }
0x25c: {  	s11 =	smov.u32 s12;
	s12 =	smov.u32 s18  }
0x25d: {  	s21 =	sadd.s32 $0x1100, s18;
	s12 =	sshra.s32 s12, $0x2;
	s19 =	sadd.s32 $0x16A00, s11  }
0x25e: {  	[hbm4b:s15+s3] =	stream.linear.scatter [tilespmem:s19], [sflag:$0x9], $0x80, $0x38;
	[tilespmem:$0x1AE00] =	vst v63  }
0x25f: {  	p2 =	sne.s32 s18, $0x7700;
	s18 =	sadd.s32 $0x16A88, s11;
	s19 =	sadd.s32 $0x10, s15  }
0x260: {  	[hbm4b:s19+s3] =	stream.linear.scatter [tilespmem:s18], [sflag:$0x9], $0x80, $0x38;
	[tilespmem:$0x1AE00] =	vst v63  }
0x261: {  	s18 =	sadd.s32 $0x16B10, s11;
	s19 =	sadd.s32 $0x20, s15  }
0x262: {  	[hbm4b:s19+s3] =	stream.linear.scatter [tilespmem:s18], [sflag:$0x9], $0x80, $0x38;
	[tilespmem:$0x1AE00] =	vst v63  }
0x263: {  	s18 =	sadd.s32 $0x16B98, s11;
	s19 =	sadd.s32 $0x30, s15  }
0x264: {  	[hbm4b:s19+s3] =	stream.linear.scatter [tilespmem:s18], [sflag:$0x9], $0x80, $0x38;
	[tilespmem:$0x1AE00] =	vst v63  }
0x265: {  	s18 =	sadd.s32 $0x16C20, s11;
	s19 =	sadd.s32 $0x40, s15  }
0x266: {  	[hbm4b:s19+s3] =	stream.linear.scatter [tilespmem:s18], [sflag:$0x9], $0x80, $0x38;
	[tilespmem:$0x1AE00] =	vst v63  }
.Ltmp9:
0x267: {  	s18 =	sadd.s32 $0x16CA8, s11;
	s19 =	sadd.s32 $0x50, s15;
	(pc) =	sbr.rel @p2 .LBB2_21-.Ltmp9, $4  }
0x268: {  	[hbm4b:s19+s3] =	stream.linear.scatter [tilespmem:s18], [sflag:$0x9], $0x80, $0x38;
	[tilespmem:$0x1AE00] =	vst v63  }
0x269: {  	s20 =	sadd.s32 $0x70, s15;
	s18 =	sadd.s32 $0x16D30, s11;
	s19 =	sadd.s32 $0x60, s15  }
0x26a: {  	[hbm4b:s19+s3] =	stream.linear.scatter [tilespmem:s18], [sflag:$0x9], $0x80, $0x38;
	[tilespmem:$0x1AE00] =	vst v63  }
0x26b: {  	s15 =	sadd.s32 $0x1000, s15;
	s19 =	sadd.s32 $0x16DB8, s11;
	s18 =	smov.u32 s21  }
0x26c: {  	[hbm4b:s20+s3] =	stream.linear.scatter [tilespmem:s19], [sflag:$0x9], $0x80, $0x38;
	[tilespmem:$0x1AE00] =	vst v63  }
0x26d: {  	s11 =	sadd.s32 $0x16A00, s12  }
0x26e: {  	[hbm4b:s15+s3] =	stream.linear.scatter [tilespmem:s11], [sflag:$0x9], $0x80, $0x38;
	[tilespmem:$0x1AE00] =	vst v63  }
0x26f: {  	s21 =	sadd.s32 $0x16A88, s12;
	s18 =	sadd.s32 $0x10, s15  }
0x270: {  	[hbm4b:s18+s3] =	stream.linear.scatter [tilespmem:s21], [sflag:$0x9], $0x80, $0x38;
	[tilespmem:$0x1AE00] =	vst v63  }
0x271: {  	s22 =	sadd.s32 $0x16B10, s12;
	s24 =	sadd.s32 $0x20, s15  }
0x272: {  	[hbm4b:s24+s3] =	stream.linear.scatter [tilespmem:s22], [sflag:$0x9], $0x80, $0x38;
	[tilespmem:$0x1AE00] =	vst v63  }
0x273: {  	s19 =	sadd.s32 $0x30, s15;
	s18 =	sadd.s32 $0x16B98, s12  }
0x274: {  	[hbm4b:s19+s3] =	stream.linear.scatter [tilespmem:s18], [sflag:$0x9], $0x80, $0x38;
	[tilespmem:$0x1AE00] =	vst v63  }
0x275: {  	s20 =	sadd.s32 $0x16C20, s12;
	s21 =	sadd.s32 $0x40, s15  }
0x276: {  	[hbm4b:s21+s3] =	stream.linear.scatter [tilespmem:s20], [sflag:$0x9], $0x80, $0x38;
	[tilespmem:$0x1AE00] =	vst v63  }
0x277: {  	s22 =	sadd.s32 $0x16CA8, s12;
	s24 =	sadd.s32 $0x50, s15  }
0x278: {  	[hbm4b:s24+s3] =	stream.linear.scatter [tilespmem:s22], [sflag:$0x9], $0x80, $0x38;
	[tilespmem:$0x1AE00] =	vst v63  }
0x279: {  	s18 =	sadd.s32 $0x16D30, s12;
	s19 =	sadd.s32 $0x60, s15  }
0x27a: {  	[hbm4b:s19+s3] =	stream.linear.scatter [tilespmem:s18], [sflag:$0x9], $0x80, $0x38;
	[tilespmem:$0x1AE00] =	vst v63  }
0x27b: {  	s11 =	simm.s32 @!p0 $0xA;
	s20 =	sadd.s32 $0x16DB8, s12;
	s21 =	sadd.s32 $0x70, s15  }
0x27c: {  	[hbm4b:s21+s3] =	stream.linear.scatter [tilespmem:s20], [sflag:$0x9], $0x80, $0x38;
	[tilespmem:$0x1AE00] =	vst v63  }
0x27d: {  	_ =	swait.ge @!p0 [sflag:s11], $0x2000  }
0x27e: {  	[sflag:s11] =	ssyncset.done @!p0 $0x0  }
0x27f: {  	s22 =	simm.s32 $0x3;
	s19 =	simm.s32 $0xE480;
	[sflag:s11] =	ssyncadd.s32 @!p0 $0xFFFFE000  }
0x280: {  	v4 =	vmov s22;
	v5 =	vld [tilespmem:s19+$0x40]  }
0x281: {  	v9 =	vand.u32 $0x7F, v4  }
0x282: {  	s24 =	simm.s32 $0x0;
	v4 =	vadd.s32 v0, v9  }
0x283: {  	s12 =	simm.s32 $0x1;
	s15 =	simm.s32 $0x2;
	v6 =	vmov s24;
	v7 =	vld [tilespmem:s19+$0xFFFFFF80]  }
0x284: {  	v11 =	vmov s15;
	v8 =	vand.u32 $0x7C, v6;
	v6 =	vmov s12;
	v10 =	vld [tilespmem:s19+$0xFFFFFFC0]  }
0x285: {  	v12 =	vadd.s32 v0, v8;
	v15 =	vand.u32 $0x7D, v6;
	v6 =	vld [tilespmem:s19+$0x0];
	v5 =	vmul.f32 $8.000000000e+00, v5  }
0x286: {  	v17 =	vand.u32 $0x7E, v11;
	v13 =	vadd.s32 v0, v15  }
0x287: {  	v11 =	vadd.s32 v0, v17;
	[tilespmem:v4+s14+$0x0] =	vst.idx.msk $0xffff, v5  }
0x288: {  	v4 =	vmul.f32 $8.000000000e+00, v7;
	v5 =	vld [tilespmem:s19+$0x50]  }
0x289: {  	v7 =	vmul.f32 $8.000000000e+00, v10  }
0x28a: {  	[tilespmem:v12+s14+$0x0] =	vst.idx.msk $0xffff, v4;
	v4 =	vmul.f32 $8.000000000e+00, v6;
	v6 =	vadd.s32 v1, v9  }
0x28b: {  	[tilespmem:v13+s14+$0x0] =	vst.idx.msk $0xffff, v7;
	v10 =	vld [tilespmem:s19+$0xFFFFFF90]  }
0x28c: {  	v7 =	vld [tilespmem:s19+$0xFFFFFFD0];
	[tilespmem:v11+s14+$0x0] =	vst.idx.msk $0xffff, v4  }
0x28d: {  	v11 =	vld [tilespmem:s19+$0x10];
	v4 =	vmul.f32 $8.000000000e+00, v5  }
0x28e: {  	s18 =	simm.s32 $0x4;
	s12 =	simm.s32 $0xE580;
	s20 =	simm.s32 $0x7;
	v12 =	vadd.s32 v1, v15  }
0x28f: {  	v14 =	vld [tilespmem:s12+$0x40];
	v13 =	vadd.s32 v1, v17;
	v5 =	vmov s18;
	[tilespmem:v6+s14+$0x0] =	vst.idx.msk $0xffff, v4;
	v6 =	vmov s20  }
0x290: {  	v16 =	vadd.s32 v1, v8;
	v4 =	vand.u32 $0x7C, v5;
	v5 =	vand.u32 $0x7F, v6;
	v18 =	vld [tilespmem:s19+$0x60]  }
0x291: {  	v22 =	vadd.s32 v2, v9;
	s21 =	simm.s32 $0x5;
	v19 =	vld [tilespmem:s12+$0xFFFFFF80];
	v6 =	vmul.f32 $8.000000000e+00, v7;
	v20 =	vadd.s32 v0, v5  }
0x292: {  	s22 =	simm.s32 $0x6;
	v21 =	vld [tilespmem:s12+$0xFFFFFFC0];
	v10 =	vmul.f32 $8.000000000e+00, v10;
	v7 =	vmul.f32 $8.000000000e+00, v11;
	v11 =	vmov s21  }
0x293: {  	v23 =	vadd.s32 v0, v4;
	[tilespmem:v12+s14+$0x0] =	vst.idx.msk $0xffff, v6;
	v12 =	vmov s22;
	v6 =	vand.u32 $0x7D, v11;
	v11 =	vld [tilespmem:s12+$0x0]  }
0x294: {  	[tilespmem:v13+s14+$0x0] =	vst.idx.msk $0xffff, v7;
	v13 =	vadd.s32 v0, v6;
	v7 =	vand.u32 $0x7E, v12;
	v12 =	vmul.f32 $8.000000000e+00, v14;
	v14 =	vld [tilespmem:s19+$0xFFFFFFE0]  }
0x295: {  	[tilespmem:v16+s14+$0x0] =	vst.idx.msk $0xffff, v10;
	v10 =	vadd.s32 v0, v7;
	v16 =	vld [tilespmem:s19+$0x20];
	v18 =	vmul.f32 $8.000000000e+00, v18  }
0x296: {  	v19 =	vmul.f32 $8.000000000e+00, v19;
	[tilespmem:v20+s14+$0x0] =	vst.idx.msk $0xffff, v12;
	v12 =	vld [tilespmem:s19+$0xFFFFFFA0];
	v20 =	vadd.s32 v2, v15  }
0x297: {  	v25 =	vadd.s32 v2, v17;
	v21 =	vmul.f32 $8.000000000e+00, v21;
	v24 =	vld [tilespmem:s12+$0x50];
	[tilespmem:v22+s14+$0x0] =	vst.idx.msk $0xffff, v18  }
0x298: {  	[tilespmem:v23+s14+$0x0] =	vst.idx.msk $0xffff, v19;
	v19 =	vadd.s32 v2, v8;
	v11 =	vmul.f32 $8.000000000e+00, v11;
	v22 =	vld [tilespmem:s19+$0x70]  }
0x299: {  	v23 =	vld [tilespmem:s12+$0xFFFFFF90];
	[tilespmem:v13+s14+$0x0] =	vst.idx.msk $0xffff, v21;
	v21 =	vadd.s32 v1, v5;
	v14 =	vmul.f32 $8.000000000e+00, v14  }
0x29a: {  	v27 =	vadd.s32 v3, v9;
	v26 =	vld [tilespmem:s12+$0xFFFFFFD0];
	[tilespmem:v10+s14+$0x0] =	vst.idx.msk $0xffff, v11;
	v10 =	vmul.f32 $8.000000000e+00, v16  }
0x29b: {  	v18 =	vadd.s32 v1, v4;
	v13 =	vld [tilespmem:s12+$0x10];
	v9 =	vmul.f32 $8.000000000e+00, v12;
	[tilespmem:v20+s14+$0x0] =	vst.idx.msk $0xffff, v14  }
0x29c: {  	s18 =	simm.s32 $0x8;
	v16 =	vadd.s32 v1, v6;
	[tilespmem:v25+s14+$0x0] =	vst.idx.msk $0xffff, v10;
	v14 =	vmul.f32 $8.000000000e+00, v24;
	v12 =	vld [tilespmem:s19+$0xFFFFFFF0]  }
0x29d: {  	v20 =	vmov s18;
	v10 =	vadd.s32 v1, v7;
	v11 =	vld [tilespmem:s19+$0x30];
	[tilespmem:v19+s14+$0x0] =	vst.idx.msk $0xffff, v9;
	v63 =	vmul.f32 $8.000000000e+00, v22  }
0x29e: {  	s15 =	simm.s32 $0xE680;
	s24 =	simm.s32 $0xB;
	v15 =	vadd.s32 v3, v15;
	v9 =	vand.u32 $0x7C, v20;
	v20 =	vmul.f32 $8.000000000e+00, v23;
	[tilespmem:v21+s14+$0x0] =	vst.idx.msk $0xffff, v14;
	v14 =	vld [tilespmem:s19+$0xFFFFFFB0]  }
0x29f: {  	v17 =	vadd.s32 v3, v17;
	v22 =	vmov s24;
	v19 =	vld [tilespmem:s15+$0x40];
	s19 =	simm.s32 $0xC;
	v21 =	vmul.f32 $8.000000000e+00, v26;
	[tilespmem:v27+s14+$0x0] =	vst.idx.msk $0xffff, v63  }
.LBB2_23:
0x2a0: {  	p0 =	slt.u32 s19, $0x7C;
	s11 =	sadd.s32 $0x1, s18;
	v22 =	vand.u32 $0x7F, v22;
	[tilespmem:v18+s14+$0x0] =	vst.idx.msk $0xffff, v20;
	v13 =	vmul.f32 $8.000000000e+00, v13;
	v18 =	vld [tilespmem:s12+$0x60];
	v20 =	vadd.s32 v3, v8;
	v8 =	vmovc v4  }
0x2a1: {  	v4 =	vmovc v9;
	v23 =	vld [tilespmem:s15+$0xFFFFFF80];
	v24 =	vmov s11;
	s11 =	sadd.s32 $0x2, s18;
	v25 =	vadd.s32 v0, v22;
	[tilespmem:v16+s14+$0x0] =	vst.idx.msk $0xffff, v21;
	v12 =	vmul.f32 $8.000000000e+00, v12;
	s18 =	smov.u32 s19  }
0x2a2: {  	v9 =	vld [tilespmem:s15+$0xFFFFFFC0];
	v16 =	vmov s11;
	[tilespmem:v10+s14+$0x0] =	vst.idx.msk $0xffff, v13;
	v10 =	vadd.s32 v2, v5;
	v11 =	vmul.f32 $8.000000000e+00, v11  }
0x2a3: {  	v13 =	vadd.s32 v0, v4;
	v21 =	vand.u32 $0x7D, v24;
	v24 =	vld [tilespmem:s15+$0x0];
	v14 =	vmul.f32 $8.000000000e+00, v14;
	[tilespmem:v15+s14+$0x0] =	vst.idx.msk $0xffff, v12  }
0x2a4: {  	v12 =	vadd.s32 v0, v21;
	v26 =	vand.u32 $0x7E, v16;
	v15 =	vmul.f32 $8.000000000e+00, v19;
	v16 =	vld [tilespmem:s12+$0xFFFFFFE0];
	[tilespmem:v17+s14+$0x0] =	vst.idx.msk $0xffff, v11  }
0x2a5: {  	v11 =	vadd.s32 v0, v26;
	v17 =	vld [tilespmem:s12+$0x20];
	v18 =	vmul.f32 $8.000000000e+00, v18;
	[tilespmem:v20+s14+$0x0] =	vst.idx.msk $0xffff, v14  }
0x2a6: {  	v19 =	vadd.s32 v2, v6;
	v14 =	vmul.f32 $8.000000000e+00, v23;
	[tilespmem:v25+s14+$0x0] =	vst.idx.msk $0xffff, v15;
	v15 =	vld [tilespmem:s12+$0xFFFFFFA0]  }
0x2a7: {  	v23 =	vadd.s32 v2, v7;
	v9 =	vmul.f32 $8.000000000e+00, v9;
	v20 =	vld [tilespmem:s15+$0x50];
	[tilespmem:v10+s14+$0x0] =	vst.idx.msk $0xffff, v18  }
0x2a8: {  	[tilespmem:v13+s14+$0x0] =	vst.idx.msk $0xffff, v14;
	v10 =	vmul.f32 $8.000000000e+00, v24;
	v14 =	vadd.s32 v2, v8;
	v24 =	vld [tilespmem:s12+$0x70]  }
0x2a9: {  	v27 =	vadd.s32 v1, v22;
	v25 =	vld [tilespmem:s15+$0xFFFFFF90];
	[tilespmem:v12+s14+$0x0] =	vst.idx.msk $0xffff, v9;
	v9 =	vmul.f32 $8.000000000e+00, v16  }
0x2aa: {  	v29 =	vadd.s32 v3, v5;
	v5 =	vmov v22;
	v28 =	vld [tilespmem:s15+$0xFFFFFFD0];
	[tilespmem:v11+s14+$0x0] =	vst.idx.msk $0xffff, v10;
	v10 =	vmul.f32 $8.000000000e+00, v17  }
.Ltmp10:
0x2ab: {  	v18 =	vadd.s32 v1, v4;
	v13 =	vld [tilespmem:s15+$0x10];
	v11 =	vmul.f32 $8.000000000e+00, v15;
	[tilespmem:v19+s14+$0x0] =	vst.idx.msk $0xffff, v9;
	(pc) =	sbr.rel @p0 .LBB2_23-.Ltmp10, $4  }
0x2ac: {  	v16 =	vadd.s32 v1, v21;
	v15 =	vmul.f32 $8.000000000e+00, v20;
	v12 =	vld [tilespmem:s12+$0xFFFFFFF0];
	[tilespmem:v23+s14+$0x0] =	vst.idx.msk $0xffff, v10  }
0x2ad: {  	v9 =	vmov s19;
	v10 =	vadd.s32 v1, v26;
	[tilespmem:v14+s14+$0x0] =	vst.idx.msk $0xffff, v11;
	v11 =	vld [tilespmem:s12+$0x30];
	v23 =	vmul.f32 $8.000000000e+00, v24  }
0x2ae: {  	s11 =	sadd.s32 $0x3, s19;
	v9 =	vand.u32 $0x7C, v9;
	v20 =	vmul.f32 $8.000000000e+00, v25;
	[tilespmem:v27+s14+$0x0] =	vst.idx.msk $0xffff, v15;
	v14 =	vld [tilespmem:s12+$0xFFFFFFB0];
	v15 =	vadd.s32 v3, v6;
	v6 =	vmovc v21;
	s12 =	smov.u32 s15;
	s15 =	sadd.s32 $0x100, s15  }
0x2af: {  	v22 =	vmov s11;
	v17 =	vadd.s32 v3, v7;
	v7 =	vmovc v26;
	s19 =	sadd.s32 $0x4, s19;
	v19 =	vld [tilespmem:s15+$0x40];
	v21 =	vmul.f32 $8.000000000e+00, v28;
	[tilespmem:v29+s14+$0x0] =	vst.idx.msk $0xffff, v23  }
0x2b0: {  	s11 =	sadd.s32 $0x1, s18;
	v22 =	vand.u32 $0x7F, v22;
	v28 =	vld [tilespmem:s15+$0xFFFFFF80]  }
0x2b1: {  	s24 =	sadd.s32 $0x2, s18;
	v24 =	vld [tilespmem:s15+$0xFFFFFFC0];
	v23 =	vmov s11;
	v25 =	vadd.s32 v0, v22  }
0x2b2: {  	v27 =	vld [tilespmem:s15+$0x0];
	v51 =	vadd.s32 v0, v9;
	v26 =	vmov s24;
	v23 =	vand.u32 $0x7D, v23  }
0x2b3: {  	v26 =	vand.u32 $0x7E, v26;
	v29 =	vadd.s32 v0, v23  }
0x2b4: {  	[tilespmem:v18+s14+$0x0] =	vst.idx.msk $0xffff, v20;
	v30 =	vadd.s32 v0, v26;
	v19 =	vmul.f32 $8.000000000e+00, v19  }
0x2b5: {  	[tilespmem:v16+s14+$0x0] =	vst.idx.msk $0xffff, v21;
	v54 =	vmul.f32 $8.000000000e+00, v28  }
0x2b6: {  	v52 =	vmul.f32 $8.000000000e+00, v24;
	[tilespmem:v25+s14+$0x0] =	vst.idx.msk $0xffff, v19  }
0x2b7: {  	v53 =	vmul.f32 $8.000000000e+00, v27;
	v55 =	vld [tilespmem:s15+$0x50];
	[tilespmem:v51+s14+$0x0] =	vst.idx.msk $0xffff, v54  }
0x2b8: {  	v13 =	vmul.f32 $8.000000000e+00, v13;
	v8 =	vadd.s32 v3, v8;
	[tilespmem:v29+s14+$0x0] =	vst.idx.msk $0xffff, v52;
	v59 =	vld [tilespmem:s15+$0xFFFFFF90]  }
0x2b9: {  	v12 =	vmul.f32 $8.000000000e+00, v12;
	v57 =	vadd.s32 v1, v22;
	[tilespmem:v30+s14+$0x0] =	vst.idx.msk $0xffff, v53;
	v56 =	vld [tilespmem:s15+$0xFFFFFFD0]  }
0x2ba: {  	[tilespmem:v10+s14+$0x0] =	vst.idx.msk $0xffff, v13;
	v58 =	vmul.f32 $8.000000000e+00, v11;
	v28 =	vadd.s32 v1, v9;
	v19 =	vld [tilespmem:s15+$0x10]  }
0x2bb: {  	v61 =	vld [tilespmem:s12+$0x60];
	v60 =	vadd.s32 v1, v23;
	v14 =	vmul.f32 $8.000000000e+00, v14;
	[tilespmem:v15+s14+$0x0] =	vst.idx.msk $0xffff, v12  }
0x2bc: {  	v32 =	vld [tilespmem:s12+$0xFFFFFFA0];
	v62 =	vadd.s32 v1, v26;
	[tilespmem:v17+s14+$0x0] =	vst.idx.msk $0xffff, v58;
	v16 =	vmul.f32 $8.000000000e+00, v55  }
0x2bd: {  	[tilespmem:v8+s14+$0x0] =	vst.idx.msk $0xffff, v14;
	v29 =	vadd.s32 v2, v5;
	v30 =	vld [tilespmem:s12+$0x20];
	v11 =	vmul.f32 $8.000000000e+00, v59  }
0x2be: {  	v38 =	vadd.s32 v2, v4;
	v63 =	vld [tilespmem:s12+$0xFFFFFFE0];
	v31 =	vmul.f32 $8.000000000e+00, v56;
	[tilespmem:v57+s14+$0x0] =	vst.idx.msk $0xffff, v16  }
0x2bf: {  	v35 =	vadd.s32 v2, v7;
	v34 =	vmul.f32 $8.000000000e+00, v19;
	v36 =	vld [tilespmem:s15+$0x60];
	[tilespmem:v28+s14+$0x0] =	vst.idx.msk $0xffff, v11  }
0x2c0: {  	v33 =	vadd.s32 v2, v6;
	v37 =	vmul.f32 $8.000000000e+00, v61;
	[tilespmem:v60+s14+$0x0] =	vst.idx.msk $0xffff, v31;
	v43 =	vld [tilespmem:s15+$0xFFFFFFA0]  }
0x2c1: {  	v40 =	vadd.s32 v2, v22;
	v14 =	vmul.f32 $8.000000000e+00, v32;
	[tilespmem:v62+s14+$0x0] =	vst.idx.msk $0xffff, v34;
	v39 =	vld [tilespmem:s15+$0xFFFFFFE0]  }
0x2c2: {  	v48 =	vadd.s32 v2, v9;
	[tilespmem:v29+s14+$0x0] =	vst.idx.msk $0xffff, v37;
	v42 =	vmul.f32 $8.000000000e+00, v30;
	v41 =	vld [tilespmem:s15+$0x20]  }
0x2c3: {  	v44 =	vadd.s32 v2, v23;
	v15 =	vmul.f32 $8.000000000e+00, v63;
	[tilespmem:v38+s14+$0x0] =	vst.idx.msk $0xffff, v14;
	v45 =	vld [tilespmem:s12+$0x70]  }
0x2c4: {  	v46 =	vadd.s32 v2, v26;
	v14 =	vld [tilespmem:s12+$0xFFFFFFB0];
	[tilespmem:v35+s14+$0x0] =	vst.idx.msk $0xffff, v42;
	v47 =	vmul.f32 $8.000000000e+00, v36  }
0x2c5: {  	v5 =	vadd.s32 v3, v5;
	[tilespmem:v33+s14+$0x0] =	vst.idx.msk $0xffff, v15;
	v49 =	vld [tilespmem:s12+$0x30];
	v53 =	vmul.f32 $8.000000000e+00, v43  }
0x2c6: {  	v4 =	vadd.s32 v3, v4;
	v21 =	vld [tilespmem:s12+$0xFFFFFFF0];
	v12 =	vmul.f32 $8.000000000e+00, v39;
	[tilespmem:v40+s14+$0x0] =	vst.idx.msk $0xffff, v47  }
0x2c7: {  	v52 =	vadd.s32 v3, v7;
	v51 =	vmul.f32 $8.000000000e+00, v41;
	v10 =	vld [tilespmem:s15+$0x70];
	[tilespmem:v48+s14+$0x0] =	vst.idx.msk $0xffff, v53  }
0x2c8: {  	v50 =	vadd.s32 v3, v6;
	v54 =	vmul.f32 $8.000000000e+00, v45;
	[tilespmem:v44+s14+$0x0] =	vst.idx.msk $0xffff, v12;
	v59 =	vld [tilespmem:s15+$0xFFFFFFB0]  }
0x2c9: {  	v57 =	vadd.s32 v3, v22;
	v14 =	vmul.f32 $8.000000000e+00, v14;
	[tilespmem:v46+s14+$0x0] =	vst.idx.msk $0xffff, v51;
	v55 =	vld [tilespmem:s15+$0xFFFFFFF0]  }
0x2ca: {  	v62 =	vadd.s32 v3, v9;
	[tilespmem:v5+s14+$0x0] =	vst.idx.msk $0xffff, v54;
	v5 =	vmul.f32 $8.000000000e+00, v49;
	v58 =	vld [tilespmem:s15+$0x30]  }
0x2cb: {  	v56 =	vmul.f32 $8.000000000e+00, v21;
	v60 =	vadd.s32 v3, v23;
	[tilespmem:v4+s14+$0x0] =	vst.idx.msk $0xffff, v14  }
0x2cc: {  	v61 =	vadd.s32 v3, v26;
	[tilespmem:v52+s14+$0x0] =	vst.idx.msk $0xffff, v5;
	v5 =	vmul.f32 $8.000000000e+00, v10  }
.Ltmp11:
0x2cd: {  	[tilespmem:v50+s14+$0x0] =	vst.idx.msk $0xffff, v56;
	v63 =	vmul.f32 $8.000000000e+00, v59;
	(pc) =	sbr.rel @p1 .LBB2_26-.Ltmp11, $4  }
0x2ce: {  	v4 =	vmul.f32 $8.000000000e+00, v55;
	[tilespmem:v57+s14+$0x0] =	vst.idx.msk $0xffff, v5  }
0x2cf: {  	v5 =	vmul.f32 $8.000000000e+00, v58;
	[tilespmem:v62+s14+$0x0] =	vst.idx.msk $0xffff, v63  }
0x2d0: {  	[tilespmem:v60+s14+$0x0] =	vst.idx.msk $0xffff, v4  }
0x2d1: {  	[tilespmem:v61+s14+$0x0] =	vst.idx.msk $0xffff, v5  }
.Ltmp12:
0x2d2: {  	(pc) =	sbr.rel .LBB2_2-.Ltmp12, $4  }
0x2d3: {  	s6 =	sshll.u32 s6, $0x7  }
0x2d4: {  	s6 =	sadd.s32 $0x480, s6  }
0x2d5: {  	s11 =	simm.s32 $0xE400;
	s23 =	sadd.s32 $0x1, s23;
	s6 =	sand.u32 $0x1FF80, s6  }
0x2d6: {  	[tilespmem:s11], [sflag:$0x5] =	stream.indirect.gather [hbm4b:s5+s16], $0x40, s6, s16, $0xb8;
	[tilespmem:$0x1AE00] =	vst v63  }
.LBB2_26:
0x2d7: {  	s6 =	simm.s32 $0x18C00;
	s12 =	rddreg [dreg:$0x5]  }
0x2d8: {  	[hbm4b:s12+s3] =	stream.linear.scatter [tilespmem:s6], [sflag:$0xA], $0x80, $0x38;
	[tilespmem:$0x1AE00] =	vst v63  }
0x2d9: {  	s22 =	simm.s32 $0x18C88;
	s11 =	sadd.s32 $0x10, s12  }
0x2da: {  	[hbm4b:s11+s3] =	stream.linear.scatter [tilespmem:s22], [sflag:$0xA], $0x80, $0x38;
	[tilespmem:$0x1AE00] =	vst v63  }
0x2db: {  	s23 =	simm.s32 $0x18D10;
	s15 =	simm.s32 $0x18D98;
	s24 =	sadd.s32 $0x20, s12  }
0x2dc: {  	[hbm4b:s24+s3] =	stream.linear.scatter [tilespmem:s23], [sflag:$0xA], $0x80, $0x38;
	[tilespmem:$0x1AE00] =	vst v63  }
0x2dd: {  	s19 =	simm.s32 $0x18E20;
	s21 =	simm.s32 $0x18EA8;
	s18 =	sadd.s32 $0x30, s12  }
0x2de: {  	[hbm4b:s18+s3] =	stream.linear.scatter [tilespmem:s15], [sflag:$0xA], $0x80, $0x38;
	[tilespmem:$0x1AE00] =	vst v63  }
0x2df: {  	s20 =	sadd.s32 $0x40, s12;
	s6 =	simm.s32 $0x440;
	s22 =	sadd.s32 $0x50, s12  }
0x2e0: {  	[hbm4b:s20+s3] =	stream.linear.scatter [tilespmem:s19], [sflag:$0xA], $0x80, $0x38;
	[tilespmem:$0x1AE00] =	vst v63  }
0x2e1: {  	s23 =	simm.s32 $0x18F30;
	s24 =	sadd.s32 $0x60, s12;
	s15 =	simm.s32 $0x2200  }
0x2e2: {  	[hbm4b:s22+s3] =	stream.linear.scatter [tilespmem:s21], [sflag:$0xA], $0x80, $0x38;
	[tilespmem:$0x1AE00] =	vst v63  }
0x2e3: {  	s18 =	simm.s32 $0x18FB8;
	s19 =	sadd.s32 $0x70, s12;
	s12 =	sadd.s32 $0x1000, s12  }
0x2e4: {  	[hbm4b:s24+s3] =	stream.linear.scatter [tilespmem:s23], [sflag:$0xA], $0x80, $0x38;
	[tilespmem:$0x1AE00] =	vst v63  }
.LBB2_27:
0x2e5: {  	[hbm4b:s19+s3] =	stream.linear.scatter [tilespmem:s18], [sflag:$0xA], $0x80, $0x38;
	[tilespmem:$0x1AE00] =	vst v63  }
0x2e6: {  	s11 =	smov.u32 s6;
	s6 =	smov.u32 s15  }
0x2e7: {  	s20 =	sadd.s32 $0x1100, s15;
	s6 =	sshra.s32 s6, $0x2;
	s18 =	sadd.s32 $0x18C00, s11  }
0x2e8: {  	[hbm4b:s12+s3] =	stream.linear.scatter [tilespmem:s18], [sflag:$0xA], $0x80, $0x38;
	[tilespmem:$0x1AE00] =	vst v63  }
0x2e9: {  	p0 =	sne.s32 s15, $0x7700;
	s15 =	sadd.s32 $0x18C88, s11;
	s18 =	sadd.s32 $0x10, s12  }
0x2ea: {  	[hbm4b:s18+s3] =	stream.linear.scatter [tilespmem:s15], [sflag:$0xA], $0x80, $0x38;
	[tilespmem:$0x1AE00] =	vst v63  }
0x2eb: {  	s15 =	sadd.s32 $0x18D10, s11;
	s18 =	sadd.s32 $0x20, s12  }
0x2ec: {  	[hbm4b:s18+s3] =	stream.linear.scatter [tilespmem:s15], [sflag:$0xA], $0x80, $0x38;
	[tilespmem:$0x1AE00] =	vst v63  }
0x2ed: {  	s15 =	sadd.s32 $0x18D98, s11;
	s18 =	sadd.s32 $0x30, s12  }
0x2ee: {  	[hbm4b:s18+s3] =	stream.linear.scatter [tilespmem:s15], [sflag:$0xA], $0x80, $0x38;
	[tilespmem:$0x1AE00] =	vst v63  }
0x2ef: {  	s15 =	sadd.s32 $0x18E20, s11;
	s18 =	sadd.s32 $0x40, s12  }
0x2f0: {  	[hbm4b:s18+s3] =	stream.linear.scatter [tilespmem:s15], [sflag:$0xA], $0x80, $0x38;
	[tilespmem:$0x1AE00] =	vst v63  }
.Ltmp13:
0x2f1: {  	s15 =	sadd.s32 $0x18EA8, s11;
	s18 =	sadd.s32 $0x50, s12;
	(pc) =	sbr.rel @p0 .LBB2_27-.Ltmp13, $4  }
0x2f2: {  	[hbm4b:s18+s3] =	stream.linear.scatter [tilespmem:s15], [sflag:$0xA], $0x80, $0x38;
	[tilespmem:$0x1AE00] =	vst v63  }
0x2f3: {  	s19 =	sadd.s32 $0x70, s12;
	s15 =	sadd.s32 $0x18F30, s11;
	s18 =	sadd.s32 $0x60, s12  }
0x2f4: {  	[hbm4b:s18+s3] =	stream.linear.scatter [tilespmem:s15], [sflag:$0xA], $0x80, $0x38;
	[tilespmem:$0x1AE00] =	vst v63  }
0x2f5: {  	s12 =	sadd.s32 $0x1000, s12;
	s18 =	sadd.s32 $0x18FB8, s11;
	s15 =	smov.u32 s20  }
0x2f6: {  	[hbm4b:s19+s3] =	stream.linear.scatter [tilespmem:s18], [sflag:$0xA], $0x80, $0x38;
	[tilespmem:$0x1AE00] =	vst v63  }
0x2f7: {  	s11 =	sadd.s32 $0x18C00, s6  }
0x2f8: {  	[hbm4b:s12+s3] =	stream.linear.scatter [tilespmem:s11], [sflag:$0xA], $0x80, $0x38;
	[tilespmem:$0x1AE00] =	vst v63  }
0x2f9: {  	s22 =	sadd.s32 $0x18C88, s6;
	s15 =	sadd.s32 $0x10, s12  }
0x2fa: {  	[hbm4b:s15+s3] =	stream.linear.scatter [tilespmem:s22], [sflag:$0xA], $0x80, $0x38;
	[tilespmem:$0x1AE00] =	vst v63  }
0x2fb: {  	s23 =	sadd.s32 $0x18D10, s6;
	s24 =	sadd.s32 $0x20, s12  }
0x2fc: {  	[hbm4b:s24+s3] =	stream.linear.scatter [tilespmem:s23], [sflag:$0xA], $0x80, $0x38;
	[tilespmem:$0x1AE00] =	vst v63  }
0x2fd: {  	s18 =	sadd.s32 $0x30, s12;
	s15 =	sadd.s32 $0x18D98, s6  }
0x2fe: {  	[hbm4b:s18+s3] =	stream.linear.scatter [tilespmem:s15], [sflag:$0xA], $0x80, $0x38;
	[tilespmem:$0x1AE00] =	vst v63  }
0x2ff: {  	s19 =	sadd.s32 $0x18E20, s6;
	s20 =	sadd.s32 $0x40, s12  }
0x300: {  	[hbm4b:s20+s3] =	stream.linear.scatter [tilespmem:s19], [sflag:$0xA], $0x80, $0x38;
	[tilespmem:$0x1AE00] =	vst v63  }
0x301: {  	s21 =	sadd.s32 $0x18EA8, s6;
	s22 =	sadd.s32 $0x50, s12  }
0x302: {  	[hbm4b:s22+s3] =	stream.linear.scatter [tilespmem:s21], [sflag:$0xA], $0x80, $0x38;
	[tilespmem:$0x1AE00] =	vst v63  }
0x303: {  	s23 =	sadd.s32 $0x18F30, s6;
	s24 =	sadd.s32 $0x60, s12  }
0x304: {  	[hbm4b:s24+s3] =	stream.linear.scatter [tilespmem:s23], [sflag:$0xA], $0x80, $0x38;
	[tilespmem:$0x1AE00] =	vst v63  }
0x305: {  	s15 =	sadd.s32 $0x18FB8, s6;
	s18 =	sadd.s32 $0x70, s12  }
0x306: {  	[hbm4b:s18+s3] =	stream.linear.scatter [tilespmem:s15], [sflag:$0xA], $0x80, $0x38;
	[tilespmem:$0x1AE00] =	vst v63  }
0x307: {  	_ =	swait.ge [sflag:s17], $0x2000  }
0x308: {  	[sflag:s17] =	ssyncset.done $0x0  }
0x309: {  	s19 =	simm.s32 $0x7;
	[sflag:s17] =	ssyncadd.s32 $0xFFFFE000  }
0x30a: {  	_ =	swait.ge [sflag:s19], $0x2000  }
0x30b: {  	[sflag:s19] =	ssyncset.done $0x0  }
0x30c: {  	s20 =	simm.s32 $0x8;
	[sflag:s19] =	ssyncadd.s32 $0xFFFFE000  }
0x30d: {  	_ =	swait.ge [sflag:s20], $0x2000  }
0x30e: {  	[sflag:s20] =	ssyncset.done $0x0  }
0x30f: {  	s21 =	simm.s32 $0x9;
	[sflag:s20] =	ssyncadd.s32 $0xFFFFE000  }
0x310: {  	_ =	swait.ge [sflag:s21], $0x2000  }
0x311: {  	[sflag:s21] =	ssyncset.done $0x0  }
0x312: {  	s22 =	simm.s32 $0xA;
	[sflag:s21] =	ssyncadd.s32 $0xFFFFE000  }
0x313: {  	_ =	swait.ge [sflag:s22], $0x2000  }
0x314: {  	s23 =	rddreg [dreg:$0x7]  }
0x315: {  	s24 =	rddreg [dreg:$0x6];
	s12 =	sadd.s32 $0x1, s23  }
0x316: {  	p0 =	sne.s32 s12, s24  }
.Ltmp14:
0x317: {  	_ = 	snop;
	(pc) =	sbr.rel @p0 .LBB2_1-.Ltmp14, $3  }
0x318: {  	_ =	sdelay $0x1  }
0x319: {  	[sflag:s22] =	ssyncset.done $0x0  }
0x31a: {  	[sflag:s22] =	ssyncadd.s32 $0xFFFFE000  }
0x31b: {  	_ =	sfence.sel $0x180000  }
0x31c: {  	[bflag:$0x0] =	sbarrier.arrive $0xFFFF  }
0x31d: {  	_ =	strace $0x90000047  }
0x31e: {  	s0 =	stileid.u32;
	[bflag:$0x2] =	sbarrier.arrive $0xFFFF  }
0x31f: {  	p0 =	sne.s32 s0, $0x0;
	s0 =	rddreg [dreg:$0x3]  }
0x320: {  	s0 =	sadd.s32 @!p0 $0x100000, s0  }
0x321: {  	[sflag:s0] =	ssyncadd.tile.s32 @!p0 $0x1;
	_ =	shalt  }
.Lfunc_end2:
_tile_overlayer_lowered:
.L_overlay_start_2:
0x322: {  	(tag) =	ssettag $0x2  }
0x323: {  	s0 =	rddreg [dreg:$0x0];
	s2 =	stileid.u32  }
0x324: {  	s1 =	rddreg [dreg:$0x1];
	p0 =	sne.s32 s2, $0x0  }
0x325: {  	s3 =	rddreg [dreg:$0x2];
	[bflag:$0x3] =	sbarrier.arrive $0xFFFF;
	s2 =	simm.s32 @!p0 $0x1C0B  }
0x326: {  	[timem:s3], [sflag:s2] =	dma.local @!p0 [hbm:s0], s1  }
0x327: {  	s0 =	simm.s32 @!p0 $0xB  }
0x328: {  	_ =	swait.ge @!p0 [sflag:s0], s1  }
0x329: {  	s1 =	ssub.s32 @!p0 $0x0, s1;
	[sflag:s0] =	ssyncset.done @!p0 $0x0  }
0x32a: {  	[sflag:s0] =	ssyncadd.s32 @!p0 s1  }
0x32b: {  	[bflag:$0x3] =	sbarrier.arrive $0xFFFF  }
0x32c: {  	_ =	shalt  }

</sc_bundles>
